<compile_context>
chip_gen: v7x
topology: tpu7x:2x2x1
jax: 0.10.2.dev20260603
libtpu: 0.0.44.dev20260713+nightly
codegen_flags: <defaults>
</compile_context>

<pallas_src>
import functools

import jax
import jax.numpy as jnp
from jax import lax
from jax.experimental import pallas as pl
from jax.experimental.pallas import tpu as pltpu
from jax.experimental.pallas import tpu_sc as plsc

N = 50000
E = 800000
B = 10
NPG = 5000
H = 64
HH = 32

NC = 2
NS = 16
NW = NC * NS
LANES = 16

CHUNK = 128
NCHUNKS = E // CHUNK
SUB = 10
SCHUNK = SUB * CHUNK
NSUPER = E // SCHUNK
SUPER_PER_WORKER = -(-NSUPER // NW)
SUB_S = 5
SCHUNK_S = SUB_S * CHUNK
NSUPER_S = E // SCHUNK_S
SUPER_PER_TILE = -(-NSUPER_S // NS)
ZB = 80
NZB = N // ZB
ZB_PER_TILE = -(-NZB // NS)

_SC_PARAMS = pltpu.CompilerParams(use_tc_tiling_on_sc=False)



def _sc_gather(src2, h):
  mesh = plsc.VectorSubcoreMesh(core_axis_name="c", subcore_axis_name="s")

  @functools.partial(
      pl.kernel,
      out_type=jax.ShapeDtypeStruct((E, H), jnp.float32),
      mesh=mesh,
      compiler_params=_SC_PARAMS,
      scratch_types=[
          pltpu.VMEM((SUB, CHUNK), jnp.int32),
          pltpu.VMEM((SCHUNK, H), jnp.float32),
          pltpu.SemaphoreType.DMA,
      ],
  )
  def kern(src_hbm, h_hbm, out_hbm, sidx, buf, sem):
    c = lax.axis_index("c")
    s = lax.axis_index("s")
    w = s * NC + c

    @pl.loop(0, SUPER_PER_WORKER)
    def _(j):
      g = j * NW + w

      @pl.when(g < NSUPER)
      def _():
        pltpu.sync_copy(src_hbm.at[pl.ds(g * SUB, SUB)], sidx)
        descs = [
            pltpu.async_copy(h_hbm.at[sidx.at[k]],
                             buf.at[pl.ds(k * CHUNK, CHUNK)], sem)
            for k in range(SUB)
        ]
        for d in descs:
          d.wait()
        pltpu.sync_copy(buf, out_hbm.at[pl.ds(g * SCHUNK, SCHUNK)])

  return kern(src2, h)


def _sc_scatter(dst2, msg_lo, msg_hi):
  mesh = plsc.VectorSubcoreMesh(core_axis_name="c", subcore_axis_name="s")

  @functools.partial(
      pl.kernel,
      out_type=(jax.ShapeDtypeStruct((N, HH), jnp.float32),
                jax.ShapeDtypeStruct((N, HH), jnp.float32)),
      mesh=mesh,
      compiler_params=_SC_PARAMS,
      scratch_types=[
          pltpu.VMEM((SUB_S, CHUNK), jnp.int32),
          pltpu.VMEM((SCHUNK_S, HH), jnp.float32),
          pltpu.VMEM((ZB, HH), jnp.float32),
          pltpu.VMEM_SHARED((N, HH), jnp.float32),
          pltpu.SemaphoreType.DMA,
      ],
  )
  def kern(dst_hbm, mlo_hbm, mhi_hbm, agglo_hbm, agghi_hbm,
           didx, buf, zbuf, acc, sem):
    c = lax.axis_index("c")
    s = lax.axis_index("s")
    zv = jnp.zeros((LANES,), jnp.float32)

    @pl.loop(0, ZB)
    def _(r):
      zbuf[r, pl.ds(0, LANES)] = zv
      zbuf[r, pl.ds(LANES, LANES)] = zv

    @pl.loop(0, ZB_PER_TILE)
    def _(j):
      g = j * NS + s

      @pl.when(g < NZB)
      def _():
        pltpu.sync_copy(zbuf, acc.at[pl.ds(g * ZB, ZB)])

    plsc.subcore_barrier()

    @pl.loop(0, SUPER_PER_TILE)
    def _(j):
      g = j * NS + s

      @pl.when(g < NSUPER_S)
      def _():
        sl = pl.ds(g * SCHUNK_S, SCHUNK_S)
        pltpu.sync_copy(dst_hbm.at[pl.ds(g * SUB_S, SUB_S)], didx)

        @pl.when(c == 0)
        def _():
          pltpu.sync_copy(mlo_hbm.at[sl], buf)

        @pl.when(c != 0)
        def _():
          pltpu.sync_copy(mhi_hbm.at[sl], buf)

        descs = [
            pltpu.async_copy(buf.at[pl.ds(k * CHUNK, CHUNK)],
                             acc.at[didx.at[k]], sem, add=True)
            for k in range(SUB_S)
        ]
        for d in descs:
          d.wait()

    plsc.subcore_barrier()

    @pl.loop(0, ZB_PER_TILE)
    def _(j):
      g = j * NS + s

      @pl.when(g < NZB)
      def _():
        sl = pl.ds(g * ZB, ZB)

        @pl.when(c == 0)
        def _():
          pltpu.sync_copy(acc.at[sl], agglo_hbm.at[sl])

        @pl.when(c != 0)
        def _():
          pltpu.sync_copy(acc.at[sl], agghi_hbm.at[sl])

  return kern(dst2, msg_lo, msg_hi)



_BE = 5000
_BN = 5000


def _bdot(a, b):
  return jnp.dot(a.astype(jnp.bfloat16), b.astype(jnp.bfloat16),
                 preferred_element_type=jnp.float32)


def _node_encoder(x_pad, Wn_pad, b_node):
  def body(xr, wn, bn, h_out):
    h_out[...] = jnp.maximum(_bdot(xr[...], wn[...]) + bn[...], 0.0)

  return pl.pallas_call(
      body,
      grid=(N // _BN,),
      in_specs=[
          pl.BlockSpec((_BN, 8), lambda i: (i, 0)),
          pl.BlockSpec((8, H), lambda i: (0, 0)),
          pl.BlockSpec((1, H), lambda i: (0, 0)),
      ],
      out_specs=[pl.BlockSpec((_BN, H), lambda i: (i, 0))],
      out_shape=[jax.ShapeDtypeStruct((N, H), jnp.float32)],
  )(x_pad, Wn_pad, b_node)


def _msg_tables(hsrc, edge_attr, W_edge, b_edge, W_msg, b_msg):

  def body(hs, ea, we, be, wm, bm, lo, hi):
    e = jnp.maximum(_bdot(ea[...], we[...]) + be[...], 0.0)
    m = jnp.maximum(_bdot(hs[...] + e, wm[...]) + bm[...], 0.0)
    lo[...] = m[:, :HH]
    hi[...] = m[:, HH:]

  return pl.pallas_call(
      body,
      grid=(E // _BE,),
      in_specs=[
          pl.BlockSpec((_BE, H), lambda i: (i, 0)),
          pl.BlockSpec((_BE, 2), lambda i: (i, 0)),
          pl.BlockSpec((2, H), lambda i: (0, 0)),
          pl.BlockSpec((1, H), lambda i: (0, 0)),
          pl.BlockSpec((H, H), lambda i: (0, 0)),
          pl.BlockSpec((1, H), lambda i: (0, 0)),
      ],
      out_specs=[
          pl.BlockSpec((_BE, HH), lambda i: (i, 0)),
          pl.BlockSpec((_BE, HH), lambda i: (i, 0)),
      ],
      out_shape=[
          jax.ShapeDtypeStruct((E, HH), jnp.float32),
          jax.ShapeDtypeStruct((E, HH), jnp.float32),
      ],
  )(hsrc, edge_attr, W_edge, b_edge, W_msg, b_msg)


def _update_layer(h, agg_lo, agg_hi, Wu_h, Wu_lo, Wu_hi, b_upd):

  def body(hr, alo, ahi, wh, wlo, whi, bu, h_out):
    z = (_bdot(hr[...], wh[...]) + _bdot(alo[...], wlo[...])
         + _bdot(ahi[...], whi[...]) + bu[...])
    h_out[...] = jnp.maximum(z, 0.0)

  return pl.pallas_call(
      body,
      grid=(N // _BN,),
      in_specs=[
          pl.BlockSpec((_BN, H), lambda i: (i, 0)),
          pl.BlockSpec((_BN, HH), lambda i: (i, 0)),
          pl.BlockSpec((_BN, HH), lambda i: (i, 0)),
          pl.BlockSpec((H, H), lambda i: (0, 0)),
          pl.BlockSpec((HH, H), lambda i: (0, 0)),
          pl.BlockSpec((HH, H), lambda i: (0, 0)),
          pl.BlockSpec((1, H), lambda i: (0, 0)),
      ],
      out_specs=[pl.BlockSpec((_BN, H), lambda i: (i, 0))],
      out_shape=[jax.ShapeDtypeStruct((N, H), jnp.float32)],
  )(h, agg_lo, agg_hi, Wu_h, Wu_lo, Wu_hi, b_upd)


def _final_heads(h, agg_lo, agg_hi, Wu_h, Wu_lo, Wu_hi, b_upd,
                 w_act, b_act, mask_flat, W_tv, b_tv):

  def body(hr, alo, ahi, wh, wlo, whi, bu, wa, ba, mk, wtv, btv,
           logits_out, gtv_out):
    z = (_bdot(hr[...], wh[...]) + _bdot(alo[...], wlo[...])
         + _bdot(ahi[...], whi[...]) + bu[...])
    h2 = jnp.maximum(z, 0.0)
    scores = _bdot(h2, wa[...]) + ba[...]
    logits_out[...] = jnp.where(mk[...] > 0, scores, jnp.float32(-1e9))
    gmean = jnp.sum(h2, axis=0, keepdims=True) * jnp.float32(1.0 / NPG)
    gtv_out[...] = (_bdot(gmean, wtv[...]) + btv[...])[None]

  return pl.pallas_call(
      body,
      grid=(B,),
      in_specs=[
          pl.BlockSpec((NPG, H), lambda i: (i, 0)),
          pl.BlockSpec((NPG, HH), lambda i: (i, 0)),
          pl.BlockSpec((NPG, HH), lambda i: (i, 0)),
          pl.BlockSpec((H, H), lambda i: (0, 0)),
          pl.BlockSpec((HH, H), lambda i: (0, 0)),
          pl.BlockSpec((HH, H), lambda i: (0, 0)),
          pl.BlockSpec((1, H), lambda i: (0, 0)),
          pl.BlockSpec((H, 1), lambda i: (0, 0)),
          pl.BlockSpec((1, 1), lambda i: (0, 0)),
          pl.BlockSpec((NPG, 1), lambda i: (i, 0)),
          pl.BlockSpec((H, 128), lambda i: (0, 0)),
          pl.BlockSpec((1, 128), lambda i: (0, 0)),
      ],
      out_specs=[
          pl.BlockSpec((NPG, 1), lambda i: (i, 0)),
          pl.BlockSpec((1, 1, 128), lambda i: (i, 0, 0)),
      ],
      out_shape=[
          jax.ShapeDtypeStruct((N, 1), jnp.float32),
          jax.ShapeDtypeStruct((B, 1, 128), jnp.float32),
      ],
  )(h, agg_lo, agg_hi, Wu_h, Wu_lo, Wu_hi, b_upd, w_act, b_act, mask_flat,
    W_tv, b_tv)



def kernel(x, edge_index, edge_attr, batch, mascara_acciones,
           W_node, b_node, W_edge, b_edge,
           W_msg1, b_msg1, W_upd1, b_upd1,
           W_msg2, b_msg2, W_upd2, b_upd2,
           w_act, b_act, W_tipo, b_tipo, W_v, b_v):
  del batch

  src2 = edge_index[0].reshape(E // CHUNK, CHUNK)
  dst2 = edge_index[1].reshape(E // CHUNK, CHUNK)

  x_pad = jnp.pad(x, ((0, 0), (0, 3)))
  Wn_pad = jnp.pad(W_node, ((0, 3), (0, 0)))
  b_node2 = b_node.reshape(1, H)
  b_edge2 = b_edge.reshape(1, H)
  b_msg1_2 = b_msg1.reshape(1, H)
  b_msg2_2 = b_msg2.reshape(1, H)
  b_upd1_2 = b_upd1.reshape(1, H)
  b_upd2_2 = b_upd2.reshape(1, H)
  Wu1_h, Wu1_lo, Wu1_hi = W_upd1[:H], W_upd1[H:H + HH], W_upd1[H + HH:]
  Wu2_h, Wu2_lo, Wu2_hi = W_upd2[:H], W_upd2[H:H + HH], W_upd2[H + HH:]
  W_tv = jnp.pad(jnp.concatenate([W_tipo, W_v], axis=1), ((0, 0), (0, 125)))
  b_tv = jnp.pad(jnp.concatenate([b_tipo, b_v]).reshape(1, 3),
                 ((0, 0), (0, 125)))
  b_act2 = b_act.reshape(1, 1)
  mask_flat = mascara_acciones.reshape(N, 1)

  h0 = _node_encoder(x_pad, Wn_pad, b_node2)[0]

  hsrc1 = _sc_gather(src2, h0)
  m1_lo, m1_hi = _msg_tables(hsrc1, edge_attr, W_edge, b_edge2,
                             W_msg1, b_msg1_2)
  agg1_lo, agg1_hi = _sc_scatter(dst2, m1_lo, m1_hi)
  h1 = _update_layer(h0, agg1_lo, agg1_hi, Wu1_h, Wu1_lo, Wu1_hi,
                     b_upd1_2)[0]

  hsrc2 = _sc_gather(src2, h1)
  m2_lo, m2_hi = _msg_tables(hsrc2, edge_attr, W_edge, b_edge2,
                             W_msg2, b_msg2_2)
  agg2_lo, agg2_hi = _sc_scatter(dst2, m2_lo, m2_hi)

  logits_flat, gtv = _final_heads(h1, agg2_lo, agg2_hi,
                                  Wu2_h, Wu2_lo, Wu2_hi, b_upd2_2,
                                  w_act, b_act2, mask_flat, W_tv, b_tv)

  logits_nodo = logits_flat.reshape(B, NPG)
  gtv2 = gtv.reshape(B, 128)
  logits_tipo = gtv2[:, 0:2]
  value = gtv2[:, 2:3]
  return logits_nodo, logits_tipo, value

# --- scband reference (transcript-rebuilt; emitter-appended) ---
"""Pipeline reference for scband-actor-critic-35957466202373 (READ-ONLY COPY).

The authoritative reference and input builder live on the scoring server;
editing this copy changes nothing except your own understanding.
"""

import jax, jax.numpy as jnp
import numpy as np

N = 50000
E = 800000
B = 10
NODES_PER_GRAPH = 5000
HIDDEN = 64
IN_NODE = 5
IN_EDGE = 2
NUM_TIPO = 2


def _init_w(key, shape):
    fan_in = shape[0]
    return jax.random.normal(key, shape, dtype=jnp.float32) / np.sqrt(fan_in)


def setup_inputs(seed: int = 0) -> dict:
    key = jax.random.key(seed)
    ks = jax.random.split(key, 24)
    x = jax.random.normal(ks[0], (N, IN_NODE), dtype=jnp.float32)
    edge_index = jax.random.randint(ks[1], (2, E), 0, N, dtype=jnp.int32)
    edge_attr = jax.random.normal(ks[2], (E, IN_EDGE), dtype=jnp.float32)
    batch = jnp.repeat(jnp.arange(B, dtype=jnp.int32), NODES_PER_GRAPH)
    mascara_acciones = jnp.ones((B, NODES_PER_GRAPH), dtype=jnp.float32)
    params = {
        'W_node': _init_w(ks[3], (IN_NODE, HIDDEN)), 'b_node': jnp.zeros((HIDDEN,), jnp.float32),
        'W_edge': _init_w(ks[4], (IN_EDGE, HIDDEN)), 'b_edge': jnp.zeros((HIDDEN,), jnp.float32),
        'W_msg1': _init_w(ks[5], (HIDDEN, HIDDEN)), 'b_msg1': jnp.zeros((HIDDEN,), jnp.float32),
        'W_upd1': _init_w(ks[6], (2 * HIDDEN, HIDDEN)), 'b_upd1': jnp.zeros((HIDDEN,), jnp.float32),
        'W_msg2': _init_w(ks[7], (HIDDEN, HIDDEN)), 'b_msg2': jnp.zeros((HIDDEN,), jnp.float32),
        'W_upd2': _init_w(ks[8], (2 * HIDDEN, HIDDEN)), 'b_upd2': jnp.zeros((HIDDEN,), jnp.float32),
        'w_act': _init_w(ks[9], (HIDDEN, 1)), 'b_act': jnp.zeros((1,), jnp.float32),
        'W_tipo': _init_w(ks[10], (HIDDEN, NUM_TIPO)), 'b_tipo': jnp.zeros((NUM_TIPO,), jnp.float32),
        'W_v': _init_w(ks[11], (HIDDEN, 1)), 'b_v': jnp.zeros((1,), jnp.float32),
    }
    out = {'x': x, 'edge_index': edge_index, 'edge_attr': edge_attr, 'batch': batch,
           'mascara_acciones': mascara_acciones}
    out.update(params)
    return out


def reference(x, edge_index, edge_attr, batch, mascara_acciones,
              W_node, b_node, W_edge, b_edge,
              W_msg1, b_msg1, W_upd1, b_upd1,
              W_msg2, b_msg2, W_upd2, b_upd2,
              w_act, b_act, W_tipo, b_tipo, W_v, b_v):
    src = edge_index[0]
    dst = edge_index[1]
    # EncoderGNN: node/edge encoders + 2 rounds of edge-conditioned message passing
    h = jax.nn.relu(x @ W_node + b_node)
    e = jax.nn.relu(edge_attr @ W_edge + b_edge)
    # layer 1
    msg = jax.nn.relu((jnp.take(h, src, axis=0) + e) @ W_msg1 + b_msg1)
    agg = jax.ops.segment_sum(msg, dst, num_segments=N)
    h = jax.nn.relu(jnp.concatenate([h, agg], axis=1) @ W_upd1 + b_upd1)
    # layer 2
    msg = jax.nn.relu((jnp.take(h, src, axis=0) + e) @ W_msg2 + b_msg2)
    agg = jax.ops.segment_sum(msg, dst, num_segments=N)
    h = jax.nn.relu(jnp.concatenate([h, agg], axis=1) @ W_upd2 + b_upd2)
    # ActorCriticGNN: per-graph mean pooling
    counts = jax.ops.segment_sum(jnp.ones((N, 1), jnp.float32), batch, num_segments=B)
    gsum = jax.ops.segment_sum(h, batch, num_segments=B)
    gmean = gsum / jnp.maximum(counts, 1.0)
    # per-node action logits (each graph has NODES_PER_GRAPH contiguous nodes)
    node_scores = (h @ w_act + b_act).reshape(B, NODES_PER_GRAPH)
    logits_nodo = jnp.where(mascara_acciones > 0, node_scores, jnp.float32(-1e9))
    logits_tipo = gmean @ W_tipo + b_tipo
    value = gmean @ W_v + b_v
    return logits_nodo, logits_tipo, value

if __name__ == "__main__":
    import jax
    _d = setup_inputs()
    print(jax.jit(kernel)(*tuple(_d.values())))

</pallas_src>

<mosaic_0001>
#map = affine_map<(d0, d1) -> (0, 0)>
module attributes {stable_mosaic.version = 14 : i64} {
  func.func @kern(%arg0: i32, %arg1: i32, %arg2: memref<6250x128xi32, #tpu.memory_space<hbm>>, %arg3: memref<50000x64xf32, #tpu.memory_space<hbm>>, %arg4: memref<800000x64xf32, #tpu.memory_space<hbm>>, %arg5: memref<10x128xi32, #tpu.memory_space<vmem>>, %arg6: memref<1280x64xf32, #tpu.memory_space<vmem>>, %arg7: memref<!tpu.dma_semaphore, #tpu.memory_space<semaphore_mem>>) attributes {dimension_semantics = [#tpu.dimension_semantics<core_parallel>, #tpu.dimension_semantics<subcore_parallel>], iteration_bounds = array<i64: 2, 16>, scalar_prefetch = 0 : i64, scratch_operands = 3 : i64, tpu.core_type = #tpu.core_type<sc_vector_subcore>, window_params = [{transform_indices = #map}, {transform_indices = #map}, {transform_indices = #map}]} {
    %mul3A = arith.constant 2 : i32
    %mul3A_0 = arith.muli %arg1, %mul3A : i32
    %add3A = arith.addi %mul3A_0, %arg0 : i32
    %scan3A = arith.constant 0 : i32
    %scan3A_1 = arith.constant 20 : i32
    %scan3A_2 = arith.addi %scan3A, %scan3A_1 : i32
    %scan3A_3 = arith.constant 1 : i32
    scf.for %scan3A_5 = %scan3A to %scan3A_2 step %scan3A_3  : i32 {
      %mul3A_6 = arith.constant 1 : i32
      %mul3A_7 = arith.muli %scan3A_5, %mul3A_6 : i32
      %add3A_8 = arith.constant 0 : i32
      %add3A_9 = arith.addi %add3A_8, %mul3A_7 : i32
      %mul3A_10 = arith.constant 32 : i32
      %mul3A_11 = arith.muli %add3A_9, %mul3A_10 : i32
      %add3A_12 = arith.addi %mul3A_11, %add3A : i32
      %lt3A = arith.constant 625 : i32
      %lt3A_13 = arith.cmpi slt, %add3A_12, %lt3A : i32
      %convert_element_type3A = arith.extui %lt3A_13 : i1 to i32
      %cond3A = arith.constant 0 : i32
      %cond3A_14 = arith.cmpi ne, %convert_element_type3A, %cond3A : i32
      scf.if %cond3A_14 {
        %mul3A_15 = arith.constant 10 : i32
        %mul3A_16 = arith.muli %add3A_12, %mul3A_15 : i32
        "tpu.region"() ({
          %run_scoped3A = tpu.sem_alloc : memref<!tpu.dma_semaphore, #tpu.memory_space<semaphore_mem>>
          %dma_start3A_217 = arith.constant 0 : i32
          %dma_start3A_218 = tpu.memref_slice %arg2[%mul3A_16, %dma_start3A_217] : memref<6250x128xi32, #tpu.memory_space<hbm>> -> memref<10x128xi32, #tpu.memory_space<hbm>>
          %dma_start3A_219 = arith.constant 0 : i32
          %dma_start3A_220 = tpu.memref_slice %arg2[%mul3A_16, %dma_start3A_219] : memref<6250x128xi32, #tpu.memory_space<hbm>> -> memref<10x128xi32, #tpu.memory_space<hbm>>
          tpu.enqueue_dma source(%dma_start3A_220 : memref<10x128xi32, #tpu.memory_space<hbm>>) target(%arg5 : memref<10x128xi32, #tpu.memory_space<vmem>>) target_semaphore(%run_scoped3A : memref<!tpu.dma_semaphore, #tpu.memory_space<semaphore_mem>>)
          %dma_wait3A_221 = arith.constant 0 : i32
          %dma_wait3A_222 = tpu.memref_slice %arg2[%mul3A_16, %dma_wait3A_221] : memref<6250x128xi32, #tpu.memory_space<hbm>> -> memref<10x128xi32, #tpu.memory_space<hbm>>
          %dma_wait3A_223 = arith.constant 0 : i32
          %dma_wait3A_224 = tpu.memref_slice %arg2[%mul3A_16, %dma_wait3A_223] : memref<6250x128xi32, #tpu.memory_space<hbm>> -> memref<10x128xi32, #tpu.memory_space<hbm>>
          tpu.wait_dma2 semaphore(%run_scoped3A : memref<!tpu.dma_semaphore, #tpu.memory_space<semaphore_mem>>) src(%dma_wait3A_224 : memref<10x128xi32, #tpu.memory_space<hbm>>) dst(%arg5 : memref<10x128xi32, #tpu.memory_space<vmem>>)
          tpu.yield
        }) : () -> ()
        %dma_start3A = arith.constant 0 : i32
        %dma_start3A_17 = arith.constant 0 : i32
        %dma_start3A_18 = arith.constant 0 : i32
        %dma_start3A_19 = tpu.memref_slice %arg6[%dma_start3A_17, %dma_start3A_18] : memref<1280x64xf32, #tpu.memory_space<vmem>> -> memref<128x64xf32, #tpu.memory_space<vmem>>
        %dma_start3A_20 = arith.constant 0 : i32
        %dma_start3A_21 = tpu.memref_slice %arg5[%dma_start3A, %dma_start3A_20] : memref<10x128xi32, #tpu.memory_space<vmem>> -> memref<1x128xi32, #tpu.memory_space<vmem>>
        %dma_start3A_22 = tpu.memref_squeeze %dma_start3A_21 : memref<1x128xi32, #tpu.memory_space<vmem>> -> memref<128xi32, #tpu.memory_space<vmem>>
        %dma_start3A_23 = arith.constant 0 : i32
        %dma_start3A_24 = arith.constant 0 : i32
        %dma_start3A_25 = tpu.memref_slice %arg3[%dma_start3A_23, %dma_start3A_24] : memref<50000x64xf32, #tpu.memory_space<hbm>> -> memref<50000x64xf32, #tpu.memory_space<hbm>>
        tpu.enqueue_indirect_dma source(%dma_start3A_25 : memref<50000x64xf32, #tpu.memory_space<hbm>>) target(%dma_start3A_19 : memref<128x64xf32, #tpu.memory_space<vmem>>) offsets(%dma_start3A_22 : memref<128xi32, #tpu.memory_space<vmem>>) semaphore(%arg7 : memref<!tpu.dma_semaphore, #tpu.memory_space<semaphore_mem>>)
        %dma_start3A_26 = arith.constant 1 : i32
        %dma_start3A_27 = arith.constant 128 : i32
        %dma_start3A_28 = arith.constant 0 : i32
        %dma_start3A_29 = tpu.memref_slice %arg6[%dma_start3A_27, %dma_start3A_28] : memref<1280x64xf32, #tpu.memory_space<vmem>> -> memref<128x64xf32, #tpu.memory_space<vmem>>
        %dma_start3A_30 = arith.constant 0 : i32
        %dma_start3A_31 = tpu.memref_slice %arg5[%dma_start3A_26, %dma_start3A_30] : memref<10x128xi32, #tpu.memory_space<vmem>> -> memref<1x128xi32, #tpu.memory_space<vmem>>
        %dma_start3A_32 = tpu.memref_squeeze %dma_start3A_31 : memref<1x128xi32, #tpu.memory_space<vmem>> -> memref<128xi32, #tpu.memory_space<vmem>>
        %dma_start3A_33 = arith.constant 0 : i32
        %dma_start3A_34 = arith.constant 0 : i32
        %dma_start3A_35 = tpu.memref_slice %arg3[%dma_start3A_33, %dma_start3A_34] : memref<50000x64xf32, #tpu.memory_space<hbm>> -> memref<50000x64xf32, #tpu.memory_space<hbm>>
        tpu.enqueue_indirect_dma source(%dma_start3A_35 : memref<50000x64xf32, #tpu.memory_space<hbm>>) target(%dma_start3A_29 : memref<128x64xf32, #tpu.memory_space<vmem>>) offsets(%dma_start3A_32 : memref<128xi32, #tpu.memory_space<vmem>>) semaphore(%arg7 : memref<!tpu.dma_semaphore, #tpu.memory_space<semaphore_mem>>)
        %dma_start3A_36 = arith.constant 2 : i32
        %dma_start3A_37 = arith.constant 256 : i32
        %dma_start3A_38 = arith.constant 0 : i32
        %dma_start3A_39 = tpu.memref_slice %arg6[%dma_start3A_37, %dma_start3A_38] : memref<1280x64xf32, #tpu.memory_space<vmem>> -> memref<128x64xf32, #tpu.memory_space<vmem>>
        %dma_start3A_40 = arith.constant 0 : i32
        %dma_start3A_41 = tpu.memref_slice %arg5[%dma_start3A_36, %dma_start3A_40] : memref<10x128xi32, #tpu.memory_space<vmem>> -> memref<1x128xi32, #tpu.memory_space<vmem>>
        %dma_start3A_42 = tpu.memref_squeeze %dma_start3A_41 : memref<1x128xi32, #tpu.memory_space<vmem>> -> memref<128xi32, #tpu.memory_space<vmem>>
        %dma_start3A_43 = arith.constant 0 : i32
        %dma_start3A_44 = arith.constant 0 : i32
        %dma_start3A_45 = tpu.memref_slice %arg3[%dma_start3A_43, %dma_start3A_44] : memref<50000x64xf32, #tpu.memory_space<hbm>> -> memref<50000x64xf32, #tpu.memory_space<hbm>>
        tpu.enqueue_indirect_dma source(%dma_start3A_45 : memref<50000x64xf32, #tpu.memory_space<hbm>>) target(%dma_start3A_39 : memref<128x64xf32, #tpu.memory_space<vmem>>) offsets(%dma_start3A_42 : memref<128xi32, #tpu.memory_space<vmem>>) semaphore(%arg7 : memref<!tpu.dma_semaphore, #tpu.memory_space<semaphore_mem>>)
        %dma_start3A_46 = arith.constant 3 : i32
        %dma_start3A_47 = arith.constant 384 : i32
        %dma_start3A_48 = arith.constant 0 : i32
        %dma_start3A_49 = tpu.memref_slice %arg6[%dma_start3A_47, %dma_start3A_48] : memref<1280x64xf32, #tpu.memory_space<vmem>> -> memref<128x64xf32, #tpu.memory_space<vmem>>
        %dma_start3A_50 = arith.constant 0 : i32
        %dma_start3A_51 = tpu.memref_slice %arg5[%dma_start3A_46, %dma_start3A_50] : memref<10x128xi32, #tpu.memory_space<vmem>> -> memref<1x128xi32, #tpu.memory_space<vmem>>
        %dma_start3A_52 = tpu.memref_squeeze %dma_start3A_51 : memref<1x128xi32, #tpu.memory_space<vmem>> -> memref<128xi32, #tpu.memory_space<vmem>>
        %dma_start3A_53 = arith.constant 0 : i32
        %dma_start3A_54 = arith.constant 0 : i32
        %dma_start3A_55 = tpu.memref_slice %arg3[%dma_start3A_53, %dma_start3A_54] : memref<50000x64xf32, #tpu.memory_space<hbm>> -> memref<50000x64xf32, #tpu.memory_space<hbm>>
        tpu.enqueue_indirect_dma source(%dma_start3A_55 : memref<50000x64xf32, #tpu.memory_space<hbm>>) target(%dma_start3A_49 : memref<128x64xf32, #tpu.memory_space<vmem>>) offsets(%dma_start3A_52 : memref<128xi32, #tpu.memory_space<vmem>>) semaphore(%arg7 : memref<!tpu.dma_semaphore, #tpu.memory_space<semaphore_mem>>)
        %dma_start3A_56 = arith.constant 4 : i32
        %dma_start3A_57 = arith.constant 512 : i32
        %dma_start3A_58 = arith.constant 0 : i32
        %dma_start3A_59 = tpu.memref_slice %arg6[%dma_start3A_57, %dma_start3A_58] : memref<1280x64xf32, #tpu.memory_space<vmem>> -> memref<128x64xf32, #tpu.memory_space<vmem>>
        %dma_start3A_60 = arith.constant 0 : i32
        %dma_start3A_61 = tpu.memref_slice %arg5[%dma_start3A_56, %dma_start3A_60] : memref<10x128xi32, #tpu.memory_space<vmem>> -> memref<1x128xi32, #tpu.memory_space<vmem>>
        %dma_start3A_62 = tpu.memref_squeeze %dma_start3A_61 : memref<1x128xi32, #tpu.memory_space<vmem>> -> memref<128xi32, #tpu.memory_space<vmem>>
        %dma_start3A_63 = arith.constant 0 : i32
        %dma_start3A_64 = arith.constant 0 : i32
        %dma_start3A_65 = tpu.memref_slice %arg3[%dma_start3A_63, %dma_start3A_64] : memref<50000x64xf32, #tpu.memory_space<hbm>> -> memref<50000x64xf32, #tpu.memory_space<hbm>>
        tpu.enqueue_indirect_dma source(%dma_start3A_65 : memref<50000x64xf32, #tpu.memory_space<hbm>>) target(%dma_start3A_59 : memref<128x64xf32, #tpu.memory_space<vmem>>) offsets(%dma_start3A_62 : memref<128xi32, #tpu.memory_space<vmem>>) semaphore(%arg7 : memref<!tpu.dma_semaphore, #tpu.memory_space<semaphore_mem>>)
        %dma_start3A_66 = arith.constant 5 : i32
        %dma_start3A_67 = arith.constant 640 : i32
        %dma_start3A_68 = arith.constant 0 : i32
        %dma_start3A_69 = tpu.memref_slice %arg6[%dma_start3A_67, %dma_start3A_68] : memref<1280x64xf32, #tpu.memory_space<vmem>> -> memref<128x64xf32, #tpu.memory_space<vmem>>
        %dma_start3A_70 = arith.constant 0 : i32
        %dma_start3A_71 = tpu.memref_slice %arg5[%dma_start3A_66, %dma_start3A_70] : memref<10x128xi32, #tpu.memory_space<vmem>> -> memref<1x128xi32, #tpu.memory_space<vmem>>
        %dma_start3A_72 = tpu.memref_squeeze %dma_start3A_71 : memref<1x128xi32, #tpu.memory_space<vmem>> -> memref<128xi32, #tpu.memory_space<vmem>>
        %dma_start3A_73 = arith.constant 0 : i32
        %dma_start3A_74 = arith.constant 0 : i32
        %dma_start3A_75 = tpu.memref_slice %arg3[%dma_start3A_73, %dma_start3A_74] : memref<50000x64xf32, #tpu.memory_space<hbm>> -> memref<50000x64xf32, #tpu.memory_space<hbm>>
        tpu.enqueue_indirect_dma source(%dma_start3A_75 : memref<50000x64xf32, #tpu.memory_space<hbm>>) target(%dma_start3A_69 : memref<128x64xf32, #tpu.memory_space<vmem>>) offsets(%dma_start3A_72 : memref<128xi32, #tpu.memory_space<vmem>>) semaphore(%arg7 : memref<!tpu.dma_semaphore, #tpu.memory_space<semaphore_mem>>)
        %dma_start3A_76 = arith.constant 6 : i32
        %dma_start3A_77 = arith.constant 768 : i32
        %dma_start3A_78 = arith.constant 0 : i32
        %dma_start3A_79 = tpu.memref_slice %arg6[%dma_start3A_77, %dma_start3A_78] : memref<1280x64xf32, #tpu.memory_space<vmem>> -> memref<128x64xf32, #tpu.memory_space<vmem>>
        %dma_start3A_80 = arith.constant 0 : i32
        %dma_start3A_81 = tpu.memref_slice %arg5[%dma_start3A_76, %dma_start3A_80] : memref<10x128xi32, #tpu.memory_space<vmem>> -> memref<1x128xi32, #tpu.memory_space<vmem>>
        %dma_start3A_82 = tpu.memref_squeeze %dma_start3A_81 : memref<1x128xi32, #tpu.memory_space<vmem>> -> memref<128xi32, #tpu.memory_space<vmem>>
        %dma_start3A_83 = arith.constant 0 : i32
        %dma_start3A_84 = arith.constant 0 : i32
        %dma_start3A_85 = tpu.memref_slice %arg3[%dma_start3A_83, %dma_start3A_84] : memref<50000x64xf32, #tpu.memory_space<hbm>> -> memref<50000x64xf32, #tpu.memory_space<hbm>>
        tpu.enqueue_indirect_dma source(%dma_start3A_85 : memref<50000x64xf32, #tpu.memory_space<hbm>>) target(%dma_start3A_79 : memref<128x64xf32, #tpu.memory_space<vmem>>) offsets(%dma_start3A_82 : memref<128xi32, #tpu.memory_space<vmem>>) semaphore(%arg7 : memref<!tpu.dma_semaphore, #tpu.memory_space<semaphore_mem>>)
        %dma_start3A_86 = arith.constant 7 : i32
        %dma_start3A_87 = arith.constant 896 : i32
        %dma_start3A_88 = arith.constant 0 : i32
        %dma_start3A_89 = tpu.memref_slice %arg6[%dma_start3A_87, %dma_start3A_88] : memref<1280x64xf32, #tpu.memory_space<vmem>> -> memref<128x64xf32, #tpu.memory_space<vmem>>
        %dma_start3A_90 = arith.constant 0 : i32
        %dma_start3A_91 = tpu.memref_slice %arg5[%dma_start3A_86, %dma_start3A_90] : memref<10x128xi32, #tpu.memory_space<vmem>> -> memref<1x128xi32, #tpu.memory_space<vmem>>
        %dma_start3A_92 = tpu.memref_squeeze %dma_start3A_91 : memref<1x128xi32, #tpu.memory_space<vmem>> -> memref<128xi32, #tpu.memory_space<vmem>>
        %dma_start3A_93 = arith.constant 0 : i32
        %dma_start3A_94 = arith.constant 0 : i32
        %dma_start3A_95 = tpu.memref_slice %arg3[%dma_start3A_93, %dma_start3A_94] : memref<50000x64xf32, #tpu.memory_space<hbm>> -> memref<50000x64xf32, #tpu.memory_space<hbm>>
        tpu.enqueue_indirect_dma source(%dma_start3A_95 : memref<50000x64xf32, #tpu.memory_space<hbm>>) target(%dma_start3A_89 : memref<128x64xf32, #tpu.memory_space<vmem>>) offsets(%dma_start3A_92 : memref<128xi32, #tpu.memory_space<vmem>>) semaphore(%arg7 : memref<!tpu.dma_semaphore, #tpu.memory_space<semaphore_mem>>)
        %dma_start3A_96 = arith.constant 8 : i32
        %dma_start3A_97 = arith.constant 1024 : i32
        %dma_start3A_98 = arith.constant 0 : i32
        %dma_start3A_99 = tpu.memref_slice %arg6[%dma_start3A_97, %dma_start3A_98] : memref<1280x64xf32, #tpu.memory_space<vmem>> -> memref<128x64xf32, #tpu.memory_space<vmem>>
        %dma_start3A_100 = arith.constant 0 : i32
        %dma_start3A_101 = tpu.memref_slice %arg5[%dma_start3A_96, %dma_start3A_100] : memref<10x128xi32, #tpu.memory_space<vmem>> -> memref<1x128xi32, #tpu.memory_space<vmem>>
        %dma_start3A_102 = tpu.memref_squeeze %dma_start3A_101 : memref<1x128xi32, #tpu.memory_space<vmem>> -> memref<128xi32, #tpu.memory_space<vmem>>
        %dma_start3A_103 = arith.constant 0 : i32
        %dma_start3A_104 = arith.constant 0 : i32
        %dma_start3A_105 = tpu.memref_slice %arg3[%dma_start3A_103, %dma_start3A_104] : memref<50000x64xf32, #tpu.memory_space<hbm>> -> memref<50000x64xf32, #tpu.memory_space<hbm>>
        tpu.enqueue_indirect_dma source(%dma_start3A_105 : memref<50000x64xf32, #tpu.memory_space<hbm>>) target(%dma_start3A_99 : memref<128x64xf32, #tpu.memory_space<vmem>>) offsets(%dma_start3A_102 : memref<128xi32, #tpu.memory_space<vmem>>) semaphore(%arg7 : memref<!tpu.dma_semaphore, #tpu.memory_space<semaphore_mem>>)
        %dma_start3A_106 = arith.constant 9 : i32
        %dma_start3A_107 = arith.constant 1152 : i32
        %dma_start3A_108 = arith.constant 0 : i32
        %dma_start3A_109 = tpu.memref_slice %arg6[%dma_start3A_107, %dma_start3A_108] : memref<1280x64xf32, #tpu.memory_space<vmem>> -> memref<128x64xf32, #tpu.memory_space<vmem>>
        %dma_start3A_110 = arith.constant 0 : i32
        %dma_start3A_111 = tpu.memref_slice %arg5[%dma_start3A_106, %dma_start3A_110] : memref<10x128xi32, #tpu.memory_space<vmem>> -> memref<1x128xi32, #tpu.memory_space<vmem>>
        %dma_start3A_112 = tpu.memref_squeeze %dma_start3A_111 : memref<1x128xi32, #tpu.memory_space<vmem>> -> memref<128xi32, #tpu.memory_space<vmem>>
        %dma_start3A_113 = arith.constant 0 : i32
        %dma_start3A_114 = arith.constant 0 : i32
        %dma_start3A_115 = tpu.memref_slice %arg3[%dma_start3A_113, %dma_start3A_114] : memref<50000x64xf32, #tpu.memory_space<hbm>> -> memref<50000x64xf32, #tpu.memory_space<hbm>>
        tpu.enqueue_indirect_dma source(%dma_start3A_115 : memref<50000x64xf32, #tpu.memory_space<hbm>>) target(%dma_start3A_109 : memref<128x64xf32, #tpu.memory_space<vmem>>) offsets(%dma_start3A_112 : memref<128xi32, #tpu.memory_space<vmem>>) semaphore(%arg7 : memref<!tpu.dma_semaphore, #tpu.memory_space<semaphore_mem>>)
        %dma_wait3A = arith.constant 0 : i32
        %dma_wait3A_116 = arith.constant 0 : i32
        %dma_wait3A_117 = arith.constant 0 : i32
        %dma_wait3A_118 = tpu.memref_slice %arg6[%dma_wait3A_116, %dma_wait3A_117] : memref<1280x64xf32, #tpu.memory_space<vmem>> -> memref<128x64xf32, #tpu.memory_space<vmem>>
        %dma_wait3A_119 = arith.constant 0 : i32
        %dma_wait3A_120 = tpu.memref_slice %arg5[%dma_wait3A, %dma_wait3A_119] : memref<10x128xi32, #tpu.memory_space<vmem>> -> memref<1x128xi32, #tpu.memory_space<vmem>>
        %dma_wait3A_121 = tpu.memref_squeeze %dma_wait3A_120 : memref<1x128xi32, #tpu.memory_space<vmem>> -> memref<128xi32, #tpu.memory_space<vmem>>
        %dma_wait3A_122 = arith.constant 0 : i32
        %dma_wait3A_123 = arith.constant 0 : i32
        %dma_wait3A_124 = tpu.memref_slice %arg3[%dma_wait3A_122, %dma_wait3A_123] : memref<50000x64xf32, #tpu.memory_space<hbm>> -> memref<50000x64xf32, #tpu.memory_space<hbm>>
        tpu.wait_indirect_dma semaphore(%arg7 : memref<!tpu.dma_semaphore, #tpu.memory_space<semaphore_mem>>) src(%dma_wait3A_124 : memref<50000x64xf32, #tpu.memory_space<hbm>>) dst(%dma_wait3A_118 : memref<128x64xf32, #tpu.memory_space<vmem>>)
        %dma_wait3A_125 = arith.constant 1 : i32
        %dma_wait3A_126 = arith.constant 128 : i32
        %dma_wait3A_127 = arith.constant 0 : i32
        %dma_wait3A_128 = tpu.memref_slice %arg6[%dma_wait3A_126, %dma_wait3A_127] : memref<1280x64xf32, #tpu.memory_space<vmem>> -> memref<128x64xf32, #tpu.memory_space<vmem>>
        %dma_wait3A_129 = arith.constant 0 : i32
        %dma_wait3A_130 = tpu.memref_slice %arg5[%dma_wait3A_125, %dma_wait3A_129] : memref<10x128xi32, #tpu.memory_space<vmem>> -> memref<1x128xi32, #tpu.memory_space<vmem>>
        %dma_wait3A_131 = tpu.memref_squeeze %dma_wait3A_130 : memref<1x128xi32, #tpu.memory_space<vmem>> -> memref<128xi32, #tpu.memory_space<vmem>>
        %dma_wait3A_132 = arith.constant 0 : i32
        %dma_wait3A_133 = arith.constant 0 : i32
        %dma_wait3A_134 = tpu.memref_slice %arg3[%dma_wait3A_132, %dma_wait3A_133] : memref<50000x64xf32, #tpu.memory_space<hbm>> -> memref<50000x64xf32, #tpu.memory_space<hbm>>
        tpu.wait_indirect_dma semaphore(%arg7 : memref<!tpu.dma_semaphore, #tpu.memory_space<semaphore_mem>>) src(%dma_wait3A_134 : memref<50000x64xf32, #tpu.memory_space<hbm>>) dst(%dma_wait3A_128 : memref<128x64xf32, #tpu.memory_space<vmem>>)
        %dma_wait3A_135 = arith.constant 2 : i32
        %dma_wait3A_136 = arith.constant 256 : i32
        %dma_wait3A_137 = arith.constant 0 : i32
        %dma_wait3A_138 = tpu.memref_slice %arg6[%dma_wait3A_136, %dma_wait3A_137] : memref<1280x64xf32, #tpu.memory_space<vmem>> -> memref<128x64xf32, #tpu.memory_space<vmem>>
        %dma_wait3A_139 = arith.constant 0 : i32
        %dma_wait3A_140 = tpu.memref_slice %arg5[%dma_wait3A_135, %dma_wait3A_139] : memref<10x128xi32, #tpu.memory_space<vmem>> -> memref<1x128xi32, #tpu.memory_space<vmem>>
        %dma_wait3A_141 = tpu.memref_squeeze %dma_wait3A_140 : memref<1x128xi32, #tpu.memory_space<vmem>> -> memref<128xi32, #tpu.memory_space<vmem>>
        %dma_wait3A_142 = arith.constant 0 : i32
        %dma_wait3A_143 = arith.constant 0 : i32
        %dma_wait3A_144 = tpu.memref_slice %arg3[%dma_wait3A_142, %dma_wait3A_143] : memref<50000x64xf32, #tpu.memory_space<hbm>> -> memref<50000x64xf32, #tpu.memory_space<hbm>>
        tpu.wait_indirect_dma semaphore(%arg7 : memref<!tpu.dma_semaphore, #tpu.memory_space<semaphore_mem>>) src(%dma_wait3A_144 : memref<50000x64xf32, #tpu.memory_space<hbm>>) dst(%dma_wait3A_138 : memref<128x64xf32, #tpu.memory_space<vmem>>)
        %dma_wait3A_145 = arith.constant 3 : i32
        %dma_wait3A_146 = arith.constant 384 : i32
        %dma_wait3A_147 = arith.constant 0 : i32
        %dma_wait3A_148 = tpu.memref_slice %arg6[%dma_wait3A_146, %dma_wait3A_147] : memref<1280x64xf32, #tpu.memory_space<vmem>> -> memref<128x64xf32, #tpu.memory_space<vmem>>
        %dma_wait3A_149 = arith.constant 0 : i32
        %dma_wait3A_150 = tpu.memref_slice %arg5[%dma_wait3A_145, %dma_wait3A_149] : memref<10x128xi32, #tpu.memory_space<vmem>> -> memref<1x128xi32, #tpu.memory_space<vmem>>
        %dma_wait3A_151 = tpu.memref_squeeze %dma_wait3A_150 : memref<1x128xi32, #tpu.memory_space<vmem>> -> memref<128xi32, #tpu.memory_space<vmem>>
        %dma_wait3A_152 = arith.constant 0 : i32
        %dma_wait3A_153 = arith.constant 0 : i32
        %dma_wait3A_154 = tpu.memref_slice %arg3[%dma_wait3A_152, %dma_wait3A_153] : memref<50000x64xf32, #tpu.memory_space<hbm>> -> memref<50000x64xf32, #tpu.memory_space<hbm>>
        tpu.wait_indirect_dma semaphore(%arg7 : memref<!tpu.dma_semaphore, #tpu.memory_space<semaphore_mem>>) src(%dma_wait3A_154 : memref<50000x64xf32, #tpu.memory_space<hbm>>) dst(%dma_wait3A_148 : memref<128x64xf32, #tpu.memory_space<vmem>>)
        %dma_wait3A_155 = arith.constant 4 : i32
        %dma_wait3A_156 = arith.constant 512 : i32
        %dma_wait3A_157 = arith.constant 0 : i32
        %dma_wait3A_158 = tpu.memref_slice %arg6[%dma_wait3A_156, %dma_wait3A_157] : memref<1280x64xf32, #tpu.memory_space<vmem>> -> memref<128x64xf32, #tpu.memory_space<vmem>>
        %dma_wait3A_159 = arith.constant 0 : i32
        %dma_wait3A_160 = tpu.memref_slice %arg5[%dma_wait3A_155, %dma_wait3A_159] : memref<10x128xi32, #tpu.memory_space<vmem>> -> memref<1x128xi32, #tpu.memory_space<vmem>>
        %dma_wait3A_161 = tpu.memref_squeeze %dma_wait3A_160 : memref<1x128xi32, #tpu.memory_space<vmem>> -> memref<128xi32, #tpu.memory_space<vmem>>
        %dma_wait3A_162 = arith.constant 0 : i32
        %dma_wait3A_163 = arith.constant 0 : i32
        %dma_wait3A_164 = tpu.memref_slice %arg3[%dma_wait3A_162, %dma_wait3A_163] : memref<50000x64xf32, #tpu.memory_space<hbm>> -> memref<50000x64xf32, #tpu.memory_space<hbm>>
        tpu.wait_indirect_dma semaphore(%arg7 : memref<!tpu.dma_semaphore, #tpu.memory_space<semaphore_mem>>) src(%dma_wait3A_164 : memref<50000x64xf32, #tpu.memory_space<hbm>>) dst(%dma_wait3A_158 : memref<128x64xf32, #tpu.memory_space<vmem>>)
        %dma_wait3A_165 = arith.constant 5 : i32
        %dma_wait3A_166 = arith.constant 640 : i32
        %dma_wait3A_167 = arith.constant 0 : i32
        %dma_wait3A_168 = tpu.memref_slice %arg6[%dma_wait3A_166, %dma_wait3A_167] : memref<1280x64xf32, #tpu.memory_space<vmem>> -> memref<128x64xf32, #tpu.memory_space<vmem>>
        %dma_wait3A_169 = arith.constant 0 : i32
        %dma_wait3A_170 = tpu.memref_slice %arg5[%dma_wait3A_165, %dma_wait3A_169] : memref<10x128xi32, #tpu.memory_space<vmem>> -> memref<1x128xi32, #tpu.memory_space<vmem>>
        %dma_wait3A_171 = tpu.memref_squeeze %dma_wait3A_170 : memref<1x128xi32, #tpu.memory_space<vmem>> -> memref<128xi32, #tpu.memory_space<vmem>>
        %dma_wait3A_172 = arith.constant 0 : i32
        %dma_wait3A_173 = arith.constant 0 : i32
        %dma_wait3A_174 = tpu.memref_slice %arg3[%dma_wait3A_172, %dma_wait3A_173] : memref<50000x64xf32, #tpu.memory_space<hbm>> -> memref<50000x64xf32, #tpu.memory_space<hbm>>
        tpu.wait_indirect_dma semaphore(%arg7 : memref<!tpu.dma_semaphore, #tpu.memory_space<semaphore_mem>>) src(%dma_wait3A_174 : memref<50000x64xf32, #tpu.memory_space<hbm>>) dst(%dma_wait3A_168 : memref<128x64xf32, #tpu.memory_space<vmem>>)
        %dma_wait3A_175 = arith.constant 6 : i32
        %dma_wait3A_176 = arith.constant 768 : i32
        %dma_wait3A_177 = arith.constant 0 : i32
        %dma_wait3A_178 = tpu.memref_slice %arg6[%dma_wait3A_176, %dma_wait3A_177] : memref<1280x64xf32, #tpu.memory_space<vmem>> -> memref<128x64xf32, #tpu.memory_space<vmem>>
        %dma_wait3A_179 = arith.constant 0 : i32
        %dma_wait3A_180 = tpu.memref_slice %arg5[%dma_wait3A_175, %dma_wait3A_179] : memref<10x128xi32, #tpu.memory_space<vmem>> -> memref<1x128xi32, #tpu.memory_space<vmem>>
        %dma_wait3A_181 = tpu.memref_squeeze %dma_wait3A_180 : memref<1x128xi32, #tpu.memory_space<vmem>> -> memref<128xi32, #tpu.memory_space<vmem>>
        %dma_wait3A_182 = arith.constant 0 : i32
        %dma_wait3A_183 = arith.constant 0 : i32
        %dma_wait3A_184 = tpu.memref_slice %arg3[%dma_wait3A_182, %dma_wait3A_183] : memref<50000x64xf32, #tpu.memory_space<hbm>> -> memref<50000x64xf32, #tpu.memory_space<hbm>>
        tpu.wait_indirect_dma semaphore(%arg7 : memref<!tpu.dma_semaphore, #tpu.memory_space<semaphore_mem>>) src(%dma_wait3A_184 : memref<50000x64xf32, #tpu.memory_space<hbm>>) dst(%dma_wait3A_178 : memref<128x64xf32, #tpu.memory_space<vmem>>)
        %dma_wait3A_185 = arith.constant 7 : i32
        %dma_wait3A_186 = arith.constant 896 : i32
        %dma_wait3A_187 = arith.constant 0 : i32
        %dma_wait3A_188 = tpu.memref_slice %arg6[%dma_wait3A_186, %dma_wait3A_187] : memref<1280x64xf32, #tpu.memory_space<vmem>> -> memref<128x64xf32, #tpu.memory_space<vmem>>
        %dma_wait3A_189 = arith.constant 0 : i32
        %dma_wait3A_190 = tpu.memref_slice %arg5[%dma_wait3A_185, %dma_wait3A_189] : memref<10x128xi32, #tpu.memory_space<vmem>> -> memref<1x128xi32, #tpu.memory_space<vmem>>
        %dma_wait3A_191 = tpu.memref_squeeze %dma_wait3A_190 : memref<1x128xi32, #tpu.memory_space<vmem>> -> memref<128xi32, #tpu.memory_space<vmem>>
        %dma_wait3A_192 = arith.constant 0 : i32
        %dma_wait3A_193 = arith.constant 0 : i32
        %dma_wait3A_194 = tpu.memref_slice %arg3[%dma_wait3A_192, %dma_wait3A_193] : memref<50000x64xf32, #tpu.memory_space<hbm>> -> memref<50000x64xf32, #tpu.memory_space<hbm>>
        tpu.wait_indirect_dma semaphore(%arg7 : memref<!tpu.dma_semaphore, #tpu.memory_space<semaphore_mem>>) src(%dma_wait3A_194 : memref<50000x64xf32, #tpu.memory_space<hbm>>) dst(%dma_wait3A_188 : memref<128x64xf32, #tpu.memory_space<vmem>>)
        %dma_wait3A_195 = arith.constant 8 : i32
        %dma_wait3A_196 = arith.constant 1024 : i32
        %dma_wait3A_197 = arith.constant 0 : i32
        %dma_wait3A_198 = tpu.memref_slice %arg6[%dma_wait3A_196, %dma_wait3A_197] : memref<1280x64xf32, #tpu.memory_space<vmem>> -> memref<128x64xf32, #tpu.memory_space<vmem>>
        %dma_wait3A_199 = arith.constant 0 : i32
        %dma_wait3A_200 = tpu.memref_slice %arg5[%dma_wait3A_195, %dma_wait3A_199] : memref<10x128xi32, #tpu.memory_space<vmem>> -> memref<1x128xi32, #tpu.memory_space<vmem>>
        %dma_wait3A_201 = tpu.memref_squeeze %dma_wait3A_200 : memref<1x128xi32, #tpu.memory_space<vmem>> -> memref<128xi32, #tpu.memory_space<vmem>>
        %dma_wait3A_202 = arith.constant 0 : i32
        %dma_wait3A_203 = arith.constant 0 : i32
        %dma_wait3A_204 = tpu.memref_slice %arg3[%dma_wait3A_202, %dma_wait3A_203] : memref<50000x64xf32, #tpu.memory_space<hbm>> -> memref<50000x64xf32, #tpu.memory_space<hbm>>
        tpu.wait_indirect_dma semaphore(%arg7 : memref<!tpu.dma_semaphore, #tpu.memory_space<semaphore_mem>>) src(%dma_wait3A_204 : memref<50000x64xf32, #tpu.memory_space<hbm>>) dst(%dma_wait3A_198 : memref<128x64xf32, #tpu.memory_space<vmem>>)
        %dma_wait3A_205 = arith.constant 9 : i32
        %dma_wait3A_206 = arith.constant 1152 : i32
        %dma_wait3A_207 = arith.constant 0 : i32
        %dma_wait3A_208 = tpu.memref_slice %arg6[%dma_wait3A_206, %dma_wait3A_207] : memref<1280x64xf32, #tpu.memory_space<vmem>> -> memref<128x64xf32, #tpu.memory_space<vmem>>
        %dma_wait3A_209 = arith.constant 0 : i32
        %dma_wait3A_210 = tpu.memref_slice %arg5[%dma_wait3A_205, %dma_wait3A_209] : memref<10x128xi32, #tpu.memory_space<vmem>> -> memref<1x128xi32, #tpu.memory_space<vmem>>
        %dma_wait3A_211 = tpu.memref_squeeze %dma_wait3A_210 : memref<1x128xi32, #tpu.memory_space<vmem>> -> memref<128xi32, #tpu.memory_space<vmem>>
        %dma_wait3A_212 = arith.constant 0 : i32
        %dma_wait3A_213 = arith.constant 0 : i32
        %dma_wait3A_214 = tpu.memref_slice %arg3[%dma_wait3A_212, %dma_wait3A_213] : memref<50000x64xf32, #tpu.memory_space<hbm>> -> memref<50000x64xf32, #tpu.memory_space<hbm>>
        tpu.wait_indirect_dma semaphore(%arg7 : memref<!tpu.dma_semaphore, #tpu.memory_space<semaphore_mem>>) src(%dma_wait3A_214 : memref<50000x64xf32, #tpu.memory_space<hbm>>) dst(%dma_wait3A_208 : memref<128x64xf32, #tpu.memory_space<vmem>>)
        %mul3A_215 = arith.constant 1280 : i32
        %mul3A_216 = arith.muli %add3A_12, %mul3A_215 : i32
        "tpu.region"() ({
          %run_scoped3A = tpu.sem_alloc : memref<!tpu.dma_semaphore, #tpu.memory_space<semaphore_mem>>
          %dma_start3A_217 = arith.constant 0 : i32
          %dma_start3A_218 = tpu.memref_slice %arg4[%mul3A_216, %dma_start3A_217] : memref<800000x64xf32, #tpu.memory_space<hbm>> -> memref<1280x64xf32, #tpu.memory_space<hbm>>
          %dma_start3A_219 = arith.constant 0 : i32
          %dma_start3A_220 = tpu.memref_slice %arg4[%mul3A_216, %dma_start3A_219] : memref<800000x64xf32, #tpu.memory_space<hbm>> -> memref<1280x64xf32, #tpu.memory_space<hbm>>
          tpu.enqueue_dma source(%arg6 : memref<1280x64xf32, #tpu.memory_space<vmem>>) target(%dma_start3A_220 : memref<1280x64xf32, #tpu.memory_space<hbm>>) target_semaphore(%run_scoped3A : memref<!tpu.dma_semaphore, #tpu.memory_space<semaphore_mem>>)
          %dma_wait3A_221 = arith.constant 0 : i32
          %dma_wait3A_222 = tpu.memref_slice %arg4[%mul3A_216, %dma_wait3A_221] : memref<800000x64xf32, #tpu.memory_space<hbm>> -> memref<1280x64xf32, #tpu.memory_space<hbm>>
          %dma_wait3A_223 = arith.constant 0 : i32
          %dma_wait3A_224 = tpu.memref_slice %arg4[%mul3A_216, %dma_wait3A_223] : memref<800000x64xf32, #tpu.memory_space<hbm>> -> memref<1280x64xf32, #tpu.memory_space<hbm>>
          tpu.wait_dma2 semaphore(%run_scoped3A : memref<!tpu.dma_semaphore, #tpu.memory_space<semaphore_mem>>) src(%arg6 : memref<1280x64xf32, #tpu.memory_space<vmem>>) dst(%dma_wait3A_224 : memref<1280x64xf32, #tpu.memory_space<hbm>>)
          tpu.yield
        }) : () -> ()
      } else {
      }
    }
    %scan3A_4 = arith.constant 20 : i32
    return
  }
}

#map = affine_map<(d0, d1) -> (0, 0)>
module attributes {stable_mosaic.version = 14 : i64} {
  func.func @kern(%arg0: i32, %arg1: i32, %arg2: memref<6250x128xi32, #tpu.memory_space<hbm>>, %arg3: memref<50000x64xf32, #tpu.memory_space<hbm>>, %arg4: memref<800000x64xf32, #tpu.memory_space<hbm>>, %arg5: memref<10x128xi32, #tpu.memory_space<vmem>>, %arg6: memref<1280x64xf32, #tpu.memory_space<vmem>>, %arg7: memref<!tpu.dma_semaphore, #tpu.memory_space<semaphore_mem>>) attributes {dimension_semantics = [#tpu.dimension_semantics<core_parallel>, #tpu.dimension_semantics<subcore_parallel>], iteration_bounds = array<i64: 2, 16>, scalar_prefetch = 0 : i64, scratch_operands = 3 : i64, tpu.core_type = #tpu.core_type<sc_vector_subcore>, window_params = [{transform_indices = #map}, {transform_indices = #map}, {transform_indices = #map}]} {
    %mul3A = arith.constant 2 : i32
    %mul3A_0 = arith.muli %arg1, %mul3A : i32
    %add3A = arith.addi %mul3A_0, %arg0 : i32
    %scan3A = arith.constant 0 : i32
    %scan3A_1 = arith.constant 20 : i32
    %scan3A_2 = arith.addi %scan3A, %scan3A_1 : i32
    %scan3A_3 = arith.constant 1 : i32
    scf.for %scan3A_5 = %scan3A to %scan3A_2 step %scan3A_3  : i32 {
      %mul3A_6 = arith.constant 1 : i32
      %mul3A_7 = arith.muli %scan3A_5, %mul3A_6 : i32
      %add3A_8 = arith.constant 0 : i32
      %add3A_9 = arith.addi %add3A_8, %mul3A_7 : i32
      %mul3A_10 = arith.constant 32 : i32
      %mul3A_11 = arith.muli %add3A_9, %mul3A_10 : i32
      %add3A_12 = arith.addi %mul3A_11, %add3A : i32
      %lt3A = arith.constant 625 : i32
      %lt3A_13 = arith.cmpi slt, %add3A_12, %lt3A : i32
      %convert_element_type3A = arith.extui %lt3A_13 : i1 to i32
      %cond3A = arith.constant 0 : i32
      %cond3A_14 = arith.cmpi ne, %convert_element_type3A, %cond3A : i32
      scf.if %cond3A_14 {
        %mul3A_15 = arith.constant 10 : i32
        %mul3A_16 = arith.muli %add3A_12, %mul3A_15 : i32
        "tpu.region"() ({
          %run_scoped3A = tpu.sem_alloc : memref<!tpu.dma_semaphore, #tpu.memory_space<semaphore_mem>>
          %dma_start3A_217 = arith.constant 0 : i32
          %dma_start3A_218 = tpu.memref_slice %arg2[%mul3A_16, %dma_start3A_217] : memref<6250x128xi32, #tpu.memory_space<hbm>> -> memref<10x128xi32, #tpu.memory_space<hbm>>
          %dma_start3A_219 = arith.constant 0 : i32
          %dma_start3A_220 = tpu.memref_slice %arg2[%mul3A_16, %dma_start3A_219] : memref<6250x128xi32, #tpu.memory_space<hbm>> -> memref<10x128xi32, #tpu.memory_space<hbm>>
          tpu.enqueue_dma source(%dma_start3A_220 : memref<10x128xi32, #tpu.memory_space<hbm>>) target(%arg5 : memref<10x128xi32, #tpu.memory_space<vmem>>) target_semaphore(%run_scoped3A : memref<!tpu.dma_semaphore, #tpu.memory_space<semaphore_mem>>)
          %dma_wait3A_221 = arith.constant 0 : i32
          %dma_wait3A_222 = tpu.memref_slice %arg2[%mul3A_16, %dma_wait3A_221] : memref<6250x128xi32, #tpu.memory_space<hbm>> -> memref<10x128xi32, #tpu.memory_space<hbm>>
          %dma_wait3A_223 = arith.constant 0 : i32
          %dma_wait3A_224 = tpu.memref_slice %arg2[%mul3A_16, %dma_wait3A_223] : memref<6250x128xi32, #tpu.memory_space<hbm>> -> memref<10x128xi32, #tpu.memory_space<hbm>>
          tpu.wait_dma2 semaphore(%run_scoped3A : memref<!tpu.dma_semaphore, #tpu.memory_space<semaphore_mem>>) src(%dma_wait3A_224 : memref<10x128xi32, #tpu.memory_space<hbm>>) dst(%arg5 : memref<10x128xi32, #tpu.memory_space<vmem>>)
          tpu.yield
        }) : () -> ()
        %dma_start3A = arith.constant 0 : i32
        %dma_start3A_17 = arith.constant 0 : i32
        %dma_start3A_18 = arith.constant 0 : i32
        %dma_start3A_19 = tpu.memref_slice %arg6[%dma_start3A_17, %dma_start3A_18] : memref<1280x64xf32, #tpu.memory_space<vmem>> -> memref<128x64xf32, #tpu.memory_space<vmem>>
        %dma_start3A_20 = arith.constant 0 : i32
        %dma_start3A_21 = tpu.memref_slice %arg5[%dma_start3A, %dma_start3A_20] : memref<10x128xi32, #tpu.memory_space<vmem>> -> memref<1x128xi32, #tpu.memory_space<vmem>>
        %dma_start3A_22 = tpu.memref_squeeze %dma_start3A_21 : memref<1x128xi32, #tpu.memory_space<vmem>> -> memref<128xi32, #tpu.memory_space<vmem>>
        %dma_start3A_23 = arith.constant 0 : i32
        %dma_start3A_24 = arith.constant 0 : i32
        %dma_start3A_25 = tpu.memref_slice %arg3[%dma_start3A_23, %dma_start3A_24] : memref<50000x64xf32, #tpu.memory_space<hbm>> -> memref<50000x64xf32, #tpu.memory_space<hbm>>
        tpu.enqueue_indirect_dma source(%dma_start3A_25 : memref<50000x64xf32, #tpu.memory_space<hbm>>) target(%dma_start3A_19 : memref<128x64xf32, #tpu.memory_space<vmem>>) offsets(%dma_start3A_22 : memref<128xi32, #tpu.memory_space<vmem>>) semaphore(%arg7 : memref<!tpu.dma_semaphore, #tpu.memory_space<semaphore_mem>>)
        %dma_start3A_26 = arith.constant 1 : i32
        %dma_start3A_27 = arith.constant 128 : i32
        %dma_start3A_28 = arith.constant 0 : i32
        %dma_start3A_29 = tpu.memref_slice %arg6[%dma_start3A_27, %dma_start3A_28] : memref<1280x64xf32, #tpu.memory_space<vmem>> -> memref<128x64xf32, #tpu.memory_space<vmem>>
        %dma_start3A_30 = arith.constant 0 : i32
        %dma_start3A_31 = tpu.memref_slice %arg5[%dma_start3A_26, %dma_start3A_30] : memref<10x128xi32, #tpu.memory_space<vmem>> -> memref<1x128xi32, #tpu.memory_space<vmem>>
        %dma_start3A_32 = tpu.memref_squeeze %dma_start3A_31 : memref<1x128xi32, #tpu.memory_space<vmem>> -> memref<128xi32, #tpu.memory_space<vmem>>
        %dma_start3A_33 = arith.constant 0 : i32
        %dma_start3A_34 = arith.constant 0 : i32
        %dma_start3A_35 = tpu.memref_slice %arg3[%dma_start3A_33, %dma_start3A_34] : memref<50000x64xf32, #tpu.memory_space<hbm>> -> memref<50000x64xf32, #tpu.memory_space<hbm>>
        tpu.enqueue_indirect_dma source(%dma_start3A_35 : memref<50000x64xf32, #tpu.memory_space<hbm>>) target(%dma_start3A_29 : memref<128x64xf32, #tpu.memory_space<vmem>>) offsets(%dma_start3A_32 : memref<128xi32, #tpu.memory_space<vmem>>) semaphore(%arg7 : memref<!tpu.dma_semaphore, #tpu.memory_space<semaphore_mem>>)
        %dma_start3A_36 = arith.constant 2 : i32
        %dma_start3A_37 = arith.constant 256 : i32
        %dma_start3A_38 = arith.constant 0 : i32
        %dma_start3A_39 = tpu.memref_slice %arg6[%dma_start3A_37, %dma_start3A_38] : memref<1280x64xf32, #tpu.memory_space<vmem>> -> memref<128x64xf32, #tpu.memory_space<vmem>>
        %dma_start3A_40 = arith.constant 0 : i32
        %dma_start3A_41 = tpu.memref_slice %arg5[%dma_start3A_36, %dma_start3A_40] : memref<10x128xi32, #tpu.memory_space<vmem>> -> memref<1x128xi32, #tpu.memory_space<vmem>>
        %dma_start3A_42 = tpu.memref_squeeze %dma_start3A_41 : memref<1x128xi32, #tpu.memory_space<vmem>> -> memref<128xi32, #tpu.memory_space<vmem>>
        %dma_start3A_43 = arith.constant 0 : i32
        %dma_start3A_44 = arith.constant 0 : i32
        %dma_start3A_45 = tpu.memref_slice %arg3[%dma_start3A_43, %dma_start3A_44] : memref<50000x64xf32, #tpu.memory_space<hbm>> -> memref<50000x64xf32, #tpu.memory_space<hbm>>
        tpu.enqueue_indirect_dma source(%dma_start3A_45 : memref<50000x64xf32, #tpu.memory_space<hbm>>) target(%dma_start3A_39 : memref<128x64xf32, #tpu.memory_space<vmem>>) offsets(%dma_start3A_42 : memref<128xi32, #tpu.memory_space<vmem>>) semaphore(%arg7 : memref<!tpu.dma_semaphore, #tpu.memory_space<semaphore_mem>>)
        %dma_start3A_46 = arith.constant 3 : i32
        %dma_start3A_47 = arith.constant 384 : i32
        %dma_start3A_48 = arith.constant 0 : i32
        %dma_start3A_49 = tpu.memref_slice %arg6[%dma_start3A_47, %dma_start3A_48] : memref<1280x64xf32, #tpu.memory_space<vmem>> -> memref<128x64xf32, #tpu.memory_space<vmem>>
        %dma_start3A_50 = arith.constant 0 : i32
        %dma_start3A_51 = tpu.memref_slice %arg5[%dma_start3A_46, %dma_start3A_50] : memref<10x128xi32, #tpu.memory_space<vmem>> -> memref<1x128xi32, #tpu.memory_space<vmem>>
        %dma_start3A_52 = tpu.memref_squeeze %dma_start3A_51 : memref<1x128xi32, #tpu.memory_space<vmem>> -> memref<128xi32, #tpu.memory_space<vmem>>
        %dma_start3A_53 = arith.constant 0 : i32
        %dma_start3A_54 = arith.constant 0 : i32
        %dma_start3A_55 = tpu.memref_slice %arg3[%dma_start3A_53, %dma_start3A_54] : memref<50000x64xf32, #tpu.memory_space<hbm>> -> memref<50000x64xf32, #tpu.memory_space<hbm>>
        tpu.enqueue_indirect_dma source(%dma_start3A_55 : memref<50000x64xf32, #tpu.memory_space<hbm>>) target(%dma_start3A_49 : memref<128x64xf32, #tpu.memory_space<vmem>>) offsets(%dma_start3A_52 : memref<128xi32, #tpu.memory_space<vmem>>) semaphore(%arg7 : memref<!tpu.dma_semaphore, #tpu.memory_space<semaphore_mem>>)
        %dma_start3A_56 = arith.constant 4 : i32
        %dma_start3A_57 = arith.constant 512 : i32
        %dma_start3A_58 = arith.constant 0 : i32
        %dma_start3A_59 = tpu.memref_slice %arg6[%dma_start3A_57, %dma_start3A_58] : memref<1280x64xf32, #tpu.memory_space<vmem>> -> memref<128x64xf32, #tpu.memory_space<vmem>>
        %dma_start3A_60 = arith.constant 0 : i32
        %dma_start3A_61 = tpu.memref_slice %arg5[%dma_start3A_56, %dma_start3A_60] : memref<10x128xi32, #tpu.memory_space<vmem>> -> memref<1x128xi32, #tpu.memory_space<vmem>>
        %dma_start3A_62 = tpu.memref_squeeze %dma_start3A_61 : memref<1x128xi32, #tpu.memory_space<vmem>> -> memref<128xi32, #tpu.memory_space<vmem>>
        %dma_start3A_63 = arith.constant 0 : i32
        %dma_start3A_64 = arith.constant 0 : i32
        %dma_start3A_65 = tpu.memref_slice %arg3[%dma_start3A_63, %dma_start3A_64] : memref<50000x64xf32, #tpu.memory_space<hbm>> -> memref<50000x64xf32, #tpu.memory_space<hbm>>
        tpu.enqueue_indirect_dma source(%dma_start3A_65 : memref<50000x64xf32, #tpu.memory_space<hbm>>) target(%dma_start3A_59 : memref<128x64xf32, #tpu.memory_space<vmem>>) offsets(%dma_start3A_62 : memref<128xi32, #tpu.memory_space<vmem>>) semaphore(%arg7 : memref<!tpu.dma_semaphore, #tpu.memory_space<semaphore_mem>>)
        %dma_start3A_66 = arith.constant 5 : i32
        %dma_start3A_67 = arith.constant 640 : i32
        %dma_start3A_68 = arith.constant 0 : i32
        %dma_start3A_69 = tpu.memref_slice %arg6[%dma_start3A_67, %dma_start3A_68] : memref<1280x64xf32, #tpu.memory_space<vmem>> -> memref<128x64xf32, #tpu.memory_space<vmem>>
        %dma_start3A_70 = arith.constant 0 : i32
        %dma_start3A_71 = tpu.memref_slice %arg5[%dma_start3A_66, %dma_start3A_70] : memref<10x128xi32, #tpu.memory_space<vmem>> -> memref<1x128xi32, #tpu.memory_space<vmem>>
        %dma_start3A_72 = tpu.memref_squeeze %dma_start3A_71 : memref<1x128xi32, #tpu.memory_space<vmem>> -> memref<128xi32, #tpu.memory_space<vmem>>
        %dma_start3A_73 = arith.constant 0 : i32
        %dma_start3A_74 = arith.constant 0 : i32
        %dma_start3A_75 = tpu.memref_slice %arg3[%dma_start3A_73, %dma_start3A_74] : memref<50000x64xf32, #tpu.memory_space<hbm>> -> memref<50000x64xf32, #tpu.memory_space<hbm>>
        tpu.enqueue_indirect_dma source(%dma_start3A_75 : memref<50000x64xf32, #tpu.memory_space<hbm>>) target(%dma_start3A_69 : memref<128x64xf32, #tpu.memory_space<vmem>>) offsets(%dma_start3A_72 : memref<128xi32, #tpu.memory_space<vmem>>) semaphore(%arg7 : memref<!tpu.dma_semaphore, #tpu.memory_space<semaphore_mem>>)
        %dma_start3A_76 = arith.constant 6 : i32
        %dma_start3A_77 = arith.constant 768 : i32
        %dma_start3A_78 = arith.constant 0 : i32
        %dma_start3A_79 = tpu.memref_slice %arg6[%dma_start3A_77, %dma_start3A_78] : memref<1280x64xf32, #tpu.memory_space<vmem>> -> memref<128x64xf32, #tpu.memory_space<vmem>>
        %dma_start3A_80 = arith.constant 0 : i32
        %dma_start3A_81 = tpu.memref_slice %arg5[%dma_start3A_76, %dma_start3A_80] : memref<10x128xi32, #tpu.memory_space<vmem>> -> memref<1x128xi32, #tpu.memory_space<vmem>>
        %dma_start3A_82 = tpu.memref_squeeze %dma_start3A_81 : memref<1x128xi32, #tpu.memory_space<vmem>> -> memref<128xi32, #tpu.memory_space<vmem>>
        %dma_start3A_83 = arith.constant 0 : i32
        %dma_start3A_84 = arith.constant 0 : i32
        %dma_start3A_85 = tpu.memref_slice %arg3[%dma_start3A_83, %dma_start3A_84] : memref<50000x64xf32, #tpu.memory_space<hbm>> -> memref<50000x64xf32, #tpu.memory_space<hbm>>
        tpu.enqueue_indirect_dma source(%dma_start3A_85 : memref<50000x64xf32, #tpu.memory_space<hbm>>) target(%dma_start3A_79 : memref<128x64xf32, #tpu.memory_space<vmem>>) offsets(%dma_start3A_82 : memref<128xi32, #tpu.memory_space<vmem>>) semaphore(%arg7 : memref<!tpu.dma_semaphore, #tpu.memory_space<semaphore_mem>>)
        %dma_start3A_86 = arith.constant 7 : i32
        %dma_start3A_87 = arith.constant 896 : i32
        %dma_start3A_88 = arith.constant 0 : i32
        %dma_start3A_89 = tpu.memref_slice %arg6[%dma_start3A_87, %dma_start3A_88] : memref<1280x64xf32, #tpu.memory_space<vmem>> -> memref<128x64xf32, #tpu.memory_space<vmem>>
        %dma_start3A_90 = arith.constant 0 : i32
        %dma_start3A_91 = tpu.memref_slice %arg5[%dma_start3A_86, %dma_start3A_90] : memref<10x128xi32, #tpu.memory_space<vmem>> -> memref<1x128xi32, #tpu.memory_space<vmem>>
        %dma_start3A_92 = tpu.memref_squeeze %dma_start3A_91 : memref<1x128xi32, #tpu.memory_space<vmem>> -> memref<128xi32, #tpu.memory_space<vmem>>
        %dma_start3A_93 = arith.constant 0 : i32
        %dma_start3A_94 = arith.constant 0 : i32
        %dma_start3A_95 = tpu.memref_slice %arg3[%dma_start3A_93, %dma_start3A_94] : memref<50000x64xf32, #tpu.memory_space<hbm>> -> memref<50000x64xf32, #tpu.memory_space<hbm>>
        tpu.enqueue_indirect_dma source(%dma_start3A_95 : memref<50000x64xf32, #tpu.memory_space<hbm>>) target(%dma_start3A_89 : memref<128x64xf32, #tpu.memory_space<vmem>>) offsets(%dma_start3A_92 : memref<128xi32, #tpu.memory_space<vmem>>) semaphore(%arg7 : memref<!tpu.dma_semaphore, #tpu.memory_space<semaphore_mem>>)
        %dma_start3A_96 = arith.constant 8 : i32
        %dma_start3A_97 = arith.constant 1024 : i32
        %dma_start3A_98 = arith.constant 0 : i32
        %dma_start3A_99 = tpu.memref_slice %arg6[%dma_start3A_97, %dma_start3A_98] : memref<1280x64xf32, #tpu.memory_space<vmem>> -> memref<128x64xf32, #tpu.memory_space<vmem>>
        %dma_start3A_100 = arith.constant 0 : i32
        %dma_start3A_101 = tpu.memref_slice %arg5[%dma_start3A_96, %dma_start3A_100] : memref<10x128xi32, #tpu.memory_space<vmem>> -> memref<1x128xi32, #tpu.memory_space<vmem>>
        %dma_start3A_102 = tpu.memref_squeeze %dma_start3A_101 : memref<1x128xi32, #tpu.memory_space<vmem>> -> memref<128xi32, #tpu.memory_space<vmem>>
        %dma_start3A_103 = arith.constant 0 : i32
        %dma_start3A_104 = arith.constant 0 : i32
        %dma_start3A_105 = tpu.memref_slice %arg3[%dma_start3A_103, %dma_start3A_104] : memref<50000x64xf32, #tpu.memory_space<hbm>> -> memref<50000x64xf32, #tpu.memory_space<hbm>>
        tpu.enqueue_indirect_dma source(%dma_start3A_105 : memref<50000x64xf32, #tpu.memory_space<hbm>>) target(%dma_start3A_99 : memref<128x64xf32, #tpu.memory_space<vmem>>) offsets(%dma_start3A_102 : memref<128xi32, #tpu.memory_space<vmem>>) semaphore(%arg7 : memref<!tpu.dma_semaphore, #tpu.memory_space<semaphore_mem>>)
        %dma_start3A_106 = arith.constant 9 : i32
        %dma_start3A_107 = arith.constant 1152 : i32
        %dma_start3A_108 = arith.constant 0 : i32
        %dma_start3A_109 = tpu.memref_slice %arg6[%dma_start3A_107, %dma_start3A_108] : memref<1280x64xf32, #tpu.memory_space<vmem>> -> memref<128x64xf32, #tpu.memory_space<vmem>>
        %dma_start3A_110 = arith.constant 0 : i32
        %dma_start3A_111 = tpu.memref_slice %arg5[%dma_start3A_106, %dma_start3A_110] : memref<10x128xi32, #tpu.memory_space<vmem>> -> memref<1x128xi32, #tpu.memory_space<vmem>>
        %dma_start3A_112 = tpu.memref_squeeze %dma_start3A_111 : memref<1x128xi32, #tpu.memory_space<vmem>> -> memref<128xi32, #tpu.memory_space<vmem>>
        %dma_start3A_113 = arith.constant 0 : i32
        %dma_start3A_114 = arith.constant 0 : i32
        %dma_start3A_115 = tpu.memref_slice %arg3[%dma_start3A_113, %dma_start3A_114] : memref<50000x64xf32, #tpu.memory_space<hbm>> -> memref<50000x64xf32, #tpu.memory_space<hbm>>
        tpu.enqueue_indirect_dma source(%dma_start3A_115 : memref<50000x64xf32, #tpu.memory_space<hbm>>) target(%dma_start3A_109 : memref<128x64xf32, #tpu.memory_space<vmem>>) offsets(%dma_start3A_112 : memref<128xi32, #tpu.memory_space<vmem>>) semaphore(%arg7 : memref<!tpu.dma_semaphore, #tpu.memory_space<semaphore_mem>>)
        %dma_wait3A = arith.constant 0 : i32
        %dma_wait3A_116 = arith.constant 0 : i32
        %dma_wait3A_117 = arith.constant 0 : i32
        %dma_wait3A_118 = tpu.memref_slice %arg6[%dma_wait3A_116, %dma_wait3A_117] : memref<1280x64xf32, #tpu.memory_space<vmem>> -> memref<128x64xf32, #tpu.memory_space<vmem>>
        %dma_wait3A_119 = arith.constant 0 : i32
        %dma_wait3A_120 = tpu.memref_slice %arg5[%dma_wait3A, %dma_wait3A_119] : memref<10x128xi32, #tpu.memory_space<vmem>> -> memref<1x128xi32, #tpu.memory_space<vmem>>
        %dma_wait3A_121 = tpu.memref_squeeze %dma_wait3A_120 : memref<1x128xi32, #tpu.memory_space<vmem>> -> memref<128xi32, #tpu.memory_space<vmem>>
        %dma_wait3A_122 = arith.constant 0 : i32
        %dma_wait3A_123 = arith.constant 0 : i32
        %dma_wait3A_124 = tpu.memref_slice %arg3[%dma_wait3A_122, %dma_wait3A_123] : memref<50000x64xf32, #tpu.memory_space<hbm>> -> memref<50000x64xf32, #tpu.memory_space<hbm>>
        tpu.wait_indirect_dma semaphore(%arg7 : memref<!tpu.dma_semaphore, #tpu.memory_space<semaphore_mem>>) src(%dma_wait3A_124 : memref<50000x64xf32, #tpu.memory_space<hbm>>) dst(%dma_wait3A_118 : memref<128x64xf32, #tpu.memory_space<vmem>>)
        %dma_wait3A_125 = arith.constant 1 : i32
        %dma_wait3A_126 = arith.constant 128 : i32
        %dma_wait3A_127 = arith.constant 0 : i32
        %dma_wait3A_128 = tpu.memref_slice %arg6[%dma_wait3A_126, %dma_wait3A_127] : memref<1280x64xf32, #tpu.memory_space<vmem>> -> memref<128x64xf32, #tpu.memory_space<vmem>>
        %dma_wait3A_129 = arith.constant 0 : i32
        %dma_wait3A_130 = tpu.memref_slice %arg5[%dma_wait3A_125, %dma_wait3A_129] : memref<10x128xi32, #tpu.memory_space<vmem>> -> memref<1x128xi32, #tpu.memory_space<vmem>>
        %dma_wait3A_131 = tpu.memref_squeeze %dma_wait3A_130 : memref<1x128xi32, #tpu.memory_space<vmem>> -> memref<128xi32, #tpu.memory_space<vmem>>
        %dma_wait3A_132 = arith.constant 0 : i32
        %dma_wait3A_133 = arith.constant 0 : i32
        %dma_wait3A_134 = tpu.memref_slice %arg3[%dma_wait3A_132, %dma_wait3A_133] : memref<50000x64xf32, #tpu.memory_space<hbm>> -> memref<50000x64xf32, #tpu.memory_space<hbm>>
        tpu.wait_indirect_dma semaphore(%arg7 : memref<!tpu.dma_semaphore, #tpu.memory_space<semaphore_mem>>) src(%dma_wait3A_134 : memref<50000x64xf32, #tpu.memory_space<hbm>>) dst(%dma_wait3A_128 : memref<128x64xf32, #tpu.memory_space<vmem>>)
        %dma_wait3A_135 = arith.constant 2 : i32
        %dma_wait3A_136 = arith.constant 256 : i32
        %dma_wait3A_137 = arith.constant 0 : i32
        %dma_wait3A_138 = tpu.memref_slice %arg6[%dma_wait3A_136, %dma_wait3A_137] : memref<1280x64xf32, #tpu.memory_space<vmem>> -> memref<128x64xf32, #tpu.memory_space<vmem>>
        %dma_wait3A_139 = arith.constant 0 : i32
        %dma_wait3A_140 = tpu.memref_slice %arg5[%dma_wait3A_135, %dma_wait3A_139] : memref<10x128xi32, #tpu.memory_space<vmem>> -> memref<1x128xi32, #tpu.memory_space<vmem>>
        %dma_wait3A_141 = tpu.memref_squeeze %dma_wait3A_140 : memref<1x128xi32, #tpu.memory_space<vmem>> -> memref<128xi32, #tpu.memory_space<vmem>>
        %dma_wait3A_142 = arith.constant 0 : i32
        %dma_wait3A_143 = arith.constant 0 : i32
        %dma_wait3A_144 = tpu.memref_slice %arg3[%dma_wait3A_142, %dma_wait3A_143] : memref<50000x64xf32, #tpu.memory_space<hbm>> -> memref<50000x64xf32, #tpu.memory_space<hbm>>
        tpu.wait_indirect_dma semaphore(%arg7 : memref<!tpu.dma_semaphore, #tpu.memory_space<semaphore_mem>>) src(%dma_wait3A_144 : memref<50000x64xf32, #tpu.memory_space<hbm>>) dst(%dma_wait3A_138 : memref<128x64xf32, #tpu.memory_space<vmem>>)
        %dma_wait3A_145 = arith.constant 3 : i32
        %dma_wait3A_146 = arith.constant 384 : i32
        %dma_wait3A_147 = arith.constant 0 : i32
        %dma_wait3A_148 = tpu.memref_slice %arg6[%dma_wait3A_146, %dma_wait3A_147] : memref<1280x64xf32, #tpu.memory_space<vmem>> -> memref<128x64xf32, #tpu.memory_space<vmem>>
        %dma_wait3A_149 = arith.constant 0 : i32
        %dma_wait3A_150 = tpu.memref_slice %arg5[%dma_wait3A_145, %dma_wait3A_149] : memref<10x128xi32, #tpu.memory_space<vmem>> -> memref<1x128xi32, #tpu.memory_space<vmem>>
        %dma_wait3A_151 = tpu.memref_squeeze %dma_wait3A_150 : memref<1x128xi32, #tpu.memory_space<vmem>> -> memref<128xi32, #tpu.memory_space<vmem>>
        %dma_wait3A_152 = arith.constant 0 : i32
        %dma_wait3A_153 = arith.constant 0 : i32
        %dma_wait3A_154 = tpu.memref_slice %arg3[%dma_wait3A_152, %dma_wait3A_153] : memref<50000x64xf32, #tpu.memory_space<hbm>> -> memref<50000x64xf32, #tpu.memory_space<hbm>>
        tpu.wait_indirect_dma semaphore(%arg7 : memref<!tpu.dma_semaphore, #tpu.memory_space<semaphore_mem>>) src(%dma_wait3A_154 : memref<50000x64xf32, #tpu.memory_space<hbm>>) dst(%dma_wait3A_148 : memref<128x64xf32, #tpu.memory_space<vmem>>)
        %dma_wait3A_155 = arith.constant 4 : i32
        %dma_wait3A_156 = arith.constant 512 : i32
        %dma_wait3A_157 = arith.constant 0 : i32
        %dma_wait3A_158 = tpu.memref_slice %arg6[%dma_wait3A_156, %dma_wait3A_157] : memref<1280x64xf32, #tpu.memory_space<vmem>> -> memref<128x64xf32, #tpu.memory_space<vmem>>
        %dma_wait3A_159 = arith.constant 0 : i32
        %dma_wait3A_160 = tpu.memref_slice %arg5[%dma_wait3A_155, %dma_wait3A_159] : memref<10x128xi32, #tpu.memory_space<vmem>> -> memref<1x128xi32, #tpu.memory_space<vmem>>
        %dma_wait3A_161 = tpu.memref_squeeze %dma_wait3A_160 : memref<1x128xi32, #tpu.memory_space<vmem>> -> memref<128xi32, #tpu.memory_space<vmem>>
        %dma_wait3A_162 = arith.constant 0 : i32
        %dma_wait3A_163 = arith.constant 0 : i32
        %dma_wait3A_164 = tpu.memref_slice %arg3[%dma_wait3A_162, %dma_wait3A_163] : memref<50000x64xf32, #tpu.memory_space<hbm>> -> memref<50000x64xf32, #tpu.memory_space<hbm>>
        tpu.wait_indirect_dma semaphore(%arg7 : memref<!tpu.dma_semaphore, #tpu.memory_space<semaphore_mem>>) src(%dma_wait3A_164 : memref<50000x64xf32, #tpu.memory_space<hbm>>) dst(%dma_wait3A_158 : memref<128x64xf32, #tpu.memory_space<vmem>>)
        %dma_wait3A_165 = arith.constant 5 : i32
        %dma_wait3A_166 = arith.constant 640 : i32
        %dma_wait3A_167 = arith.constant 0 : i32
        %dma_wait3A_168 = tpu.memref_slice %arg6[%dma_wait3A_166, %dma_wait3A_167] : memref<1280x64xf32, #tpu.memory_space<vmem>> -> memref<128x64xf32, #tpu.memory_space<vmem>>
        %dma_wait3A_169 = arith.constant 0 : i32
        %dma_wait3A_170 = tpu.memref_slice %arg5[%dma_wait3A_165, %dma_wait3A_169] : memref<10x128xi32, #tpu.memory_space<vmem>> -> memref<1x128xi32, #tpu.memory_space<vmem>>
        %dma_wait3A_171 = tpu.memref_squeeze %dma_wait3A_170 : memref<1x128xi32, #tpu.memory_space<vmem>> -> memref<128xi32, #tpu.memory_space<vmem>>
        %dma_wait3A_172 = arith.constant 0 : i32
        %dma_wait3A_173 = arith.constant 0 : i32
        %dma_wait3A_174 = tpu.memref_slice %arg3[%dma_wait3A_172, %dma_wait3A_173] : memref<50000x64xf32, #tpu.memory_space<hbm>> -> memref<50000x64xf32, #tpu.memory_space<hbm>>
        tpu.wait_indirect_dma semaphore(%arg7 : memref<!tpu.dma_semaphore, #tpu.memory_space<semaphore_mem>>) src(%dma_wait3A_174 : memref<50000x64xf32, #tpu.memory_space<hbm>>) dst(%dma_wait3A_168 : memref<128x64xf32, #tpu.memory_space<vmem>>)
        %dma_wait3A_175 = arith.constant 6 : i32
        %dma_wait3A_176 = arith.constant 768 : i32
        %dma_wait3A_177 = arith.constant 0 : i32
        %dma_wait3A_178 = tpu.memref_slice %arg6[%dma_wait3A_176, %dma_wait3A_177] : memref<1280x64xf32, #tpu.memory_space<vmem>> -> memref<128x64xf32, #tpu.memory_space<vmem>>
        %dma_wait3A_179 = arith.constant 0 : i32
        %dma_wait3A_180 = tpu.memref_slice %arg5[%dma_wait3A_175, %dma_wait3A_179] : memref<10x128xi32, #tpu.memory_space<vmem>> -> memref<1x128xi32, #tpu.memory_space<vmem>>
        %dma_wait3A_181 = tpu.memref_squeeze %dma_wait3A_180 : memref<1x128xi32, #tpu.memory_space<vmem>> -> memref<128xi32, #tpu.memory_space<vmem>>
        %dma_wait3A_182 = arith.constant 0 : i32
        %dma_wait3A_183 = arith.constant 0 : i32
        %dma_wait3A_184 = tpu.memref_slice %arg3[%dma_wait3A_182, %dma_wait3A_183] : memref<50000x64xf32, #tpu.memory_space<hbm>> -> memref<50000x64xf32, #tpu.memory_space<hbm>>
        tpu.wait_indirect_dma semaphore(%arg7 : memref<!tpu.dma_semaphore, #tpu.memory_space<semaphore_mem>>) src(%dma_wait3A_184 : memref<50000x64xf32, #tpu.memory_space<hbm>>) dst(%dma_wait3A_178 : memref<128x64xf32, #tpu.memory_space<vmem>>)
        %dma_wait3A_185 = arith.constant 7 : i32
        %dma_wait3A_186 = arith.constant 896 : i32
        %dma_wait3A_187 = arith.constant 0 : i32
        %dma_wait3A_188 = tpu.memref_slice %arg6[%dma_wait3A_186, %dma_wait3A_187] : memref<1280x64xf32, #tpu.memory_space<vmem>> -> memref<128x64xf32, #tpu.memory_space<vmem>>
        %dma_wait3A_189 = arith.constant 0 : i32
        %dma_wait3A_190 = tpu.memref_slice %arg5[%dma_wait3A_185, %dma_wait3A_189] : memref<10x128xi32, #tpu.memory_space<vmem>> -> memref<1x128xi32, #tpu.memory_space<vmem>>
        %dma_wait3A_191 = tpu.memref_squeeze %dma_wait3A_190 : memref<1x128xi32, #tpu.memory_space<vmem>> -> memref<128xi32, #tpu.memory_space<vmem>>
        %dma_wait3A_192 = arith.constant 0 : i32
        %dma_wait3A_193 = arith.constant 0 : i32
        %dma_wait3A_194 = tpu.memref_slice %arg3[%dma_wait3A_192, %dma_wait3A_193] : memref<50000x64xf32, #tpu.memory_space<hbm>> -> memref<50000x64xf32, #tpu.memory_space<hbm>>
        tpu.wait_indirect_dma semaphore(%arg7 : memref<!tpu.dma_semaphore, #tpu.memory_space<semaphore_mem>>) src(%dma_wait3A_194 : memref<50000x64xf32, #tpu.memory_space<hbm>>) dst(%dma_wait3A_188 : memref<128x64xf32, #tpu.memory_space<vmem>>)
        %dma_wait3A_195 = arith.constant 8 : i32
        %dma_wait3A_196 = arith.constant 1024 : i32
        %dma_wait3A_197 = arith.constant 0 : i32
        %dma_wait3A_198 = tpu.memref_slice %arg6[%dma_wait3A_196, %dma_wait3A_197] : memref<1280x64xf32, #tpu.memory_space<vmem>> -> memref<128x64xf32, #tpu.memory_space<vmem>>
        %dma_wait3A_199 = arith.constant 0 : i32
        %dma_wait3A_200 = tpu.memref_slice %arg5[%dma_wait3A_195, %dma_wait3A_199] : memref<10x128xi32, #tpu.memory_space<vmem>> -> memref<1x128xi32, #tpu.memory_space<vmem>>
        %dma_wait3A_201 = tpu.memref_squeeze %dma_wait3A_200 : memref<1x128xi32, #tpu.memory_space<vmem>> -> memref<128xi32, #tpu.memory_space<vmem>>
        %dma_wait3A_202 = arith.constant 0 : i32
        %dma_wait3A_203 = arith.constant 0 : i32
        %dma_wait3A_204 = tpu.memref_slice %arg3[%dma_wait3A_202, %dma_wait3A_203] : memref<50000x64xf32, #tpu.memory_space<hbm>> -> memref<50000x64xf32, #tpu.memory_space<hbm>>
        tpu.wait_indirect_dma semaphore(%arg7 : memref<!tpu.dma_semaphore, #tpu.memory_space<semaphore_mem>>) src(%dma_wait3A_204 : memref<50000x64xf32, #tpu.memory_space<hbm>>) dst(%dma_wait3A_198 : memref<128x64xf32, #tpu.memory_space<vmem>>)
        %dma_wait3A_205 = arith.constant 9 : i32
        %dma_wait3A_206 = arith.constant 1152 : i32
        %dma_wait3A_207 = arith.constant 0 : i32
        %dma_wait3A_208 = tpu.memref_slice %arg6[%dma_wait3A_206, %dma_wait3A_207] : memref<1280x64xf32, #tpu.memory_space<vmem>> -> memref<128x64xf32, #tpu.memory_space<vmem>>
        %dma_wait3A_209 = arith.constant 0 : i32
        %dma_wait3A_210 = tpu.memref_slice %arg5[%dma_wait3A_205, %dma_wait3A_209] : memref<10x128xi32, #tpu.memory_space<vmem>> -> memref<1x128xi32, #tpu.memory_space<vmem>>
        %dma_wait3A_211 = tpu.memref_squeeze %dma_wait3A_210 : memref<1x128xi32, #tpu.memory_space<vmem>> -> memref<128xi32, #tpu.memory_space<vmem>>
        %dma_wait3A_212 = arith.constant 0 : i32
        %dma_wait3A_213 = arith.constant 0 : i32
        %dma_wait3A_214 = tpu.memref_slice %arg3[%dma_wait3A_212, %dma_wait3A_213] : memref<50000x64xf32, #tpu.memory_space<hbm>> -> memref<50000x64xf32, #tpu.memory_space<hbm>>
        tpu.wait_indirect_dma semaphore(%arg7 : memref<!tpu.dma_semaphore, #tpu.memory_space<semaphore_mem>>) src(%dma_wait3A_214 : memref<50000x64xf32, #tpu.memory_space<hbm>>) dst(%dma_wait3A_208 : memref<128x64xf32, #tpu.memory_space<vmem>>)
        %mul3A_215 = arith.constant 1280 : i32
        %mul3A_216 = arith.muli %add3A_12, %mul3A_215 : i32
        "tpu.region"() ({
          %run_scoped3A = tpu.sem_alloc : memref<!tpu.dma_semaphore, #tpu.memory_space<semaphore_mem>>
          %dma_start3A_217 = arith.constant 0 : i32
          %dma_start3A_218 = tpu.memref_slice %arg4[%mul3A_216, %dma_start3A_217] : memref<800000x64xf32, #tpu.memory_space<hbm>> -> memref<1280x64xf32, #tpu.memory_space<hbm>>
          %dma_start3A_219 = arith.constant 0 : i32
          %dma_start3A_220 = tpu.memref_slice %arg4[%mul3A_216, %dma_start3A_219] : memref<800000x64xf32, #tpu.memory_space<hbm>> -> memref<1280x64xf32, #tpu.memory_space<hbm>>
          tpu.enqueue_dma source(%arg6 : memref<1280x64xf32, #tpu.memory_space<vmem>>) target(%dma_start3A_220 : memref<1280x64xf32, #tpu.memory_space<hbm>>) target_semaphore(%run_scoped3A : memref<!tpu.dma_semaphore, #tpu.memory_space<semaphore_mem>>)
          %dma_wait3A_221 = arith.constant 0 : i32
          %dma_wait3A_222 = tpu.memref_slice %arg4[%mul3A_216, %dma_wait3A_221] : memref<800000x64xf32, #tpu.memory_space<hbm>> -> memref<1280x64xf32, #tpu.memory_space<hbm>>
          %dma_wait3A_223 = arith.constant 0 : i32
          %dma_wait3A_224 = tpu.memref_slice %arg4[%mul3A_216, %dma_wait3A_223] : memref<800000x64xf32, #tpu.memory_space<hbm>> -> memref<1280x64xf32, #tpu.memory_space<hbm>>
          tpu.wait_dma2 semaphore(%run_scoped3A : memref<!tpu.dma_semaphore, #tpu.memory_space<semaphore_mem>>) src(%arg6 : memref<1280x64xf32, #tpu.memory_space<vmem>>) dst(%dma_wait3A_224 : memref<1280x64xf32, #tpu.memory_space<hbm>>)
          tpu.yield
        }) : () -> ()
      } else {
      }
    }
    %scan3A_4 = arith.constant 20 : i32
    return
  }
}

#map = affine_map<(d0, d1) -> (0, 0)>
module attributes {stable_mosaic.version = 14 : i64} {
  func.func @kern(%arg0: i32, %arg1: i32, %arg2: memref<6250x128xi32, #tpu.memory_space<hbm>>, %arg3: memref<800000x32xf32, #tpu.memory_space<hbm>>, %arg4: memref<800000x32xf32, #tpu.memory_space<hbm>>, %arg5: memref<50000x32xf32, #tpu.memory_space<hbm>>, %arg6: memref<50000x32xf32, #tpu.memory_space<hbm>>, %arg7: memref<5x128xi32, #tpu.memory_space<vmem>>, %arg8: memref<640x32xf32, #tpu.memory_space<vmem>>, %arg9: memref<80x32xf32, #tpu.memory_space<vmem>>, %arg10: memref<50000x32xf32, #tpu.memory_space<vmem_shared>>, %arg11: memref<!tpu.dma_semaphore, #tpu.memory_space<semaphore_mem>>) attributes {dimension_semantics = [#tpu.dimension_semantics<core_parallel>, #tpu.dimension_semantics<subcore_parallel>], iteration_bounds = array<i64: 2, 16>, scalar_prefetch = 0 : i64, scratch_operands = 5 : i64, tpu.core_type = #tpu.core_type<sc_vector_subcore>, window_params = [{transform_indices = #map}, {transform_indices = #map}, {transform_indices = #map}, {transform_indices = #map}, {transform_indices = #map}]} {
    %broadcast_in_dim3A = arith.constant 0.000000e+00 : f32
    %broadcast_in_dim3A_0 = vector.broadcast %broadcast_in_dim3A : f32 to vector<16xf32>
    %scan3A = arith.constant 0 : i32
    %scan3A_1 = arith.constant 80 : i32
    %scan3A_2 = arith.addi %scan3A, %scan3A_1 : i32
    %scan3A_3 = arith.constant 1 : i32
    scf.for %scan3A_21 = %scan3A to %scan3A_2 step %scan3A_3  : i32 {
      %mul3A = arith.constant 1 : i32
      %mul3A_22 = arith.muli %scan3A_21, %mul3A : i32
      %add3A = arith.constant 0 : i32
      %add3A_23 = arith.addi %add3A, %mul3A_22 : i32
      %swap3A = arith.index_cast %add3A_23 : i32 to index
      %swap3A_24 = arith.constant 0 : index
      %swap3A_25 = tpu.vector_load %arg9[%swap3A, %swap3A_24] {strides = array<i32>} : memref<80x32xf32, #tpu.memory_space<vmem>>, vector<1x16xf32>,
      %swap3A_26 = vector.shape_cast %swap3A_25 : vector<1x16xf32> to vector<16xf32>
      %swap3A_27 = vector.shape_cast %broadcast_in_dim3A_0 : vector<16xf32> to vector<1x16xf32>
      tpu.vector_store %arg9[%swap3A, %swap3A_24], %swap3A_27 {strides = array<i32>} : memref<80x32xf32, #tpu.memory_space<vmem>>, vector<1x16xf32>,
      %swap3A_28 = arith.index_cast %add3A_23 : i32 to index
      %swap3A_29 = arith.constant 16 : index
      %swap3A_30 = tpu.vector_load %arg9[%swap3A_28, %swap3A_29] {strides = array<i32>} : memref<80x32xf32, #tpu.memory_space<vmem>>, vector<1x16xf32>,
      %swap3A_31 = vector.shape_cast %swap3A_30 : vector<1x16xf32> to vector<16xf32>
      %swap3A_32 = vector.shape_cast %broadcast_in_dim3A_0 : vector<16xf32> to vector<1x16xf32>
      tpu.vector_store %arg9[%swap3A_28, %swap3A_29], %swap3A_32 {strides = array<i32>} : memref<80x32xf32, #tpu.memory_space<vmem>>, vector<1x16xf32>,
    }
    %scan3A_4 = arith.constant 80 : i32
    %scan3A_5 = arith.constant 0 : i32
    %scan3A_6 = arith.constant 40 : i32
    %scan3A_7 = arith.addi %scan3A_5, %scan3A_6 : i32
    %scan3A_8 = arith.constant 1 : i32
    scf.for %scan3A_21 = %scan3A_5 to %scan3A_7 step %scan3A_8  : i32 {
      %mul3A = arith.constant 1 : i32
      %mul3A_22 = arith.muli %scan3A_21, %mul3A : i32
      %add3A = arith.constant 0 : i32
      %add3A_23 = arith.addi %add3A, %mul3A_22 : i32
      %mul3A_24 = arith.constant 16 : i32
      %mul3A_25 = arith.muli %add3A_23, %mul3A_24 : i32
      %add3A_26 = arith.addi %mul3A_25, %arg1 : i32
      %lt3A = arith.constant 625 : i32
      %lt3A_27 = arith.cmpi slt, %add3A_26, %lt3A : i32
      %convert_element_type3A = arith.extui %lt3A_27 : i1 to i32
      %cond3A = arith.constant 0 : i32
      %cond3A_28 = arith.cmpi ne, %convert_element_type3A, %cond3A : i32
      scf.if %cond3A_28 {
        %mul3A_29 = arith.constant 80 : i32
        %mul3A_30 = arith.muli %add3A_26, %mul3A_29 : i32
        "tpu.region"() ({
          %run_scoped3A = tpu.sem_alloc : memref<!tpu.dma_semaphore, #tpu.memory_space<semaphore_mem>>
          %dma_start3A = arith.constant 0 : i32
          %dma_start3A_31 = tpu.memref_slice %arg10[%mul3A_30, %dma_start3A] : memref<50000x32xf32, #tpu.memory_space<vmem_shared>> -> memref<80x32xf32, #tpu.memory_space<vmem_shared>>
          %dma_start3A_32 = arith.constant 0 : i32
          %dma_start3A_33 = tpu.memref_slice %arg10[%mul3A_30, %dma_start3A_32] : memref<50000x32xf32, #tpu.memory_space<vmem_shared>> -> memref<80x32xf32, #tpu.memory_space<vmem_shared>>
          tpu.enqueue_dma source(%arg9 : memref<80x32xf32, #tpu.memory_space<vmem>>) target(%dma_start3A_33 : memref<80x32xf32, #tpu.memory_space<vmem_shared>>) target_semaphore(%run_scoped3A : memref<!tpu.dma_semaphore, #tpu.memory_space<semaphore_mem>>)
          %dma_wait3A = arith.constant 0 : i32
          %dma_wait3A_34 = tpu.memref_slice %arg10[%mul3A_30, %dma_wait3A] : memref<50000x32xf32, #tpu.memory_space<vmem_shared>> -> memref<80x32xf32, #tpu.memory_space<vmem_shared>>
          %dma_wait3A_35 = arith.constant 0 : i32
          %dma_wait3A_36 = tpu.memref_slice %arg10[%mul3A_30, %dma_wait3A_35] : memref<50000x32xf32, #tpu.memory_space<vmem_shared>> -> memref<80x32xf32, #tpu.memory_space<vmem_shared>>
          tpu.wait_dma2 semaphore(%run_scoped3A : memref<!tpu.dma_semaphore, #tpu.memory_space<semaphore_mem>>) src(%arg9 : memref<80x32xf32, #tpu.memory_space<vmem>>) dst(%dma_wait3A_36 : memref<80x32xf32, #tpu.memory_space<vmem_shared>>)
          tpu.yield
        }) : () -> ()
      } else {
      }
    }
    %scan3A_9 = arith.constant 40 : i32
    %barrier3A = arith.constant 0 : index
    tpu.barrier barrier_id(%barrier3A)
    %scan3A_10 = arith.constant 0 : i32
    %scan3A_11 = arith.constant 79 : i32
    %scan3A_12 = arith.addi %scan3A_10, %scan3A_11 : i32
    %scan3A_13 = arith.constant 1 : i32
    scf.for %scan3A_21 = %scan3A_10 to %scan3A_12 step %scan3A_13  : i32 {
      %mul3A = arith.constant 1 : i32
      %mul3A_22 = arith.muli %scan3A_21, %mul3A : i32
      %add3A = arith.constant 0 : i32
      %add3A_23 = arith.addi %add3A, %mul3A_22 : i32
      %mul3A_24 = arith.constant 16 : i32
      %mul3A_25 = arith.muli %add3A_23, %mul3A_24 : i32
      %add3A_26 = arith.addi %mul3A_25, %arg1 : i32
      %lt3A = arith.constant 1250 : i32
      %lt3A_27 = arith.cmpi slt, %add3A_26, %lt3A : i32
      %convert_element_type3A = arith.extui %lt3A_27 : i1 to i32
      %cond3A = arith.constant 0 : i32
      %cond3A_28 = arith.cmpi ne, %convert_element_type3A, %cond3A : i32
      scf.if %cond3A_28 {
        %mul3A_29 = arith.constant 640 : i32
        %mul3A_30 = arith.muli %add3A_26, %mul3A_29 : i32
        %mul3A_31 = arith.constant 5 : i32
        %mul3A_32 = arith.muli %add3A_26, %mul3A_31 : i32
        "tpu.region"() ({
          %run_scoped3A = tpu.sem_alloc : memref<!tpu.dma_semaphore, #tpu.memory_space<semaphore_mem>>
          %dma_start3A_139 = arith.constant 0 : i32
          %dma_start3A_140 = tpu.memref_slice %arg2[%mul3A_32, %dma_start3A_139] : memref<6250x128xi32, #tpu.memory_space<hbm>> -> memref<5x128xi32, #tpu.memory_space<hbm>>
          %dma_start3A_141 = arith.constant 0 : i32
          %dma_start3A_142 = tpu.memref_slice %arg2[%mul3A_32, %dma_start3A_141] : memref<6250x128xi32, #tpu.memory_space<hbm>> -> memref<5x128xi32, #tpu.memory_space<hbm>>
          tpu.enqueue_dma source(%dma_start3A_142 : memref<5x128xi32, #tpu.memory_space<hbm>>) target(%arg7 : memref<5x128xi32, #tpu.memory_space<vmem>>) target_semaphore(%run_scoped3A : memref<!tpu.dma_semaphore, #tpu.memory_space<semaphore_mem>>)
          %dma_wait3A_143 = arith.constant 0 : i32
          %dma_wait3A_144 = tpu.memref_slice %arg2[%mul3A_32, %dma_wait3A_143] : memref<6250x128xi32, #tpu.memory_space<hbm>> -> memref<5x128xi32, #tpu.memory_space<hbm>>
          %dma_wait3A_145 = arith.constant 0 : i32
          %dma_wait3A_146 = tpu.memref_slice %arg2[%mul3A_32, %dma_wait3A_145] : memref<6250x128xi32, #tpu.memory_space<hbm>> -> memref<5x128xi32, #tpu.memory_space<hbm>>
          tpu.wait_dma2 semaphore(%run_scoped3A : memref<!tpu.dma_semaphore, #tpu.memory_space<semaphore_mem>>) src(%dma_wait3A_146 : memref<5x128xi32, #tpu.memory_space<hbm>>) dst(%arg7 : memref<5x128xi32, #tpu.memory_space<vmem>>)
          tpu.yield
        }) : () -> ()
        %eq3A = arith.constant 0 : i32
        %eq3A_33 = arith.cmpi eq, %arg0, %eq3A : i32
        %convert_element_type3A_34 = arith.extui %eq3A_33 : i1 to i32
        %cond3A_35 = arith.constant 0 : i32
        %cond3A_36 = arith.cmpi ne, %convert_element_type3A_34, %cond3A_35 : i32
        scf.if %cond3A_36 {
          "tpu.region"() ({
            %run_scoped3A = tpu.sem_alloc : memref<!tpu.dma_semaphore, #tpu.memory_space<semaphore_mem>>
            %dma_start3A_139 = arith.constant 0 : i32
            %dma_start3A_140 = tpu.memref_slice %arg3[%mul3A_30, %dma_start3A_139] : memref<800000x32xf32, #tpu.memory_space<hbm>> -> memref<640x32xf32, #tpu.memory_space<hbm>>
            %dma_start3A_141 = arith.constant 0 : i32
            %dma_start3A_142 = tpu.memref_slice %arg3[%mul3A_30, %dma_start3A_141] : memref<800000x32xf32, #tpu.memory_space<hbm>> -> memref<640x32xf32, #tpu.memory_space<hbm>>
            tpu.enqueue_dma source(%dma_start3A_142 : memref<640x32xf32, #tpu.memory_space<hbm>>) target(%arg8 : memref<640x32xf32, #tpu.memory_space<vmem>>) target_semaphore(%run_scoped3A : memref<!tpu.dma_semaphore, #tpu.memory_space<semaphore_mem>>)
            %dma_wait3A_143 = arith.constant 0 : i32
            %dma_wait3A_144 = tpu.memref_slice %arg3[%mul3A_30, %dma_wait3A_143] : memref<800000x32xf32, #tpu.memory_space<hbm>> -> memref<640x32xf32, #tpu.memory_space<hbm>>
            %dma_wait3A_145 = arith.constant 0 : i32
            %dma_wait3A_146 = tpu.memref_slice %arg3[%mul3A_30, %dma_wait3A_145] : memref<800000x32xf32, #tpu.memory_space<hbm>> -> memref<640x32xf32, #tpu.memory_space<hbm>>
            tpu.wait_dma2 semaphore(%run_scoped3A : memref<!tpu.dma_semaphore, #tpu.memory_space<semaphore_mem>>) src(%dma_wait3A_146 : memref<640x32xf32, #tpu.memory_space<hbm>>) dst(%arg8 : memref<640x32xf32, #tpu.memory_space<vmem>>)
            tpu.yield
          }) : () -> ()
        } else {
        }
        %ne3A = arith.constant 0 : i32
        %ne3A_37 = arith.cmpi ne, %arg0, %ne3A : i32
        %convert_element_type3A_38 = arith.extui %ne3A_37 : i1 to i32
        %cond3A_39 = arith.constant 0 : i32
        %cond3A_40 = arith.cmpi ne, %convert_element_type3A_38, %cond3A_39 : i32
        scf.if %cond3A_40 {
          "tpu.region"() ({
            %run_scoped3A = tpu.sem_alloc : memref<!tpu.dma_semaphore, #tpu.memory_space<semaphore_mem>>
            %dma_start3A_139 = arith.constant 0 : i32
            %dma_start3A_140 = tpu.memref_slice %arg4[%mul3A_30, %dma_start3A_139] : memref<800000x32xf32, #tpu.memory_space<hbm>> -> memref<640x32xf32, #tpu.memory_space<hbm>>
            %dma_start3A_141 = arith.constant 0 : i32
            %dma_start3A_142 = tpu.memref_slice %arg4[%mul3A_30, %dma_start3A_141] : memref<800000x32xf32, #tpu.memory_space<hbm>> -> memref<640x32xf32, #tpu.memory_space<hbm>>
            tpu.enqueue_dma source(%dma_start3A_142 : memref<640x32xf32, #tpu.memory_space<hbm>>) target(%arg8 : memref<640x32xf32, #tpu.memory_space<vmem>>) target_semaphore(%run_scoped3A : memref<!tpu.dma_semaphore, #tpu.memory_space<semaphore_mem>>)
            %dma_wait3A_143 = arith.constant 0 : i32
            %dma_wait3A_144 = tpu.memref_slice %arg4[%mul3A_30, %dma_wait3A_143] : memref<800000x32xf32, #tpu.memory_space<hbm>> -> memref<640x32xf32, #tpu.memory_space<hbm>>
            %dma_wait3A_145 = arith.constant 0 : i32
            %dma_wait3A_146 = tpu.memref_slice %arg4[%mul3A_30, %dma_wait3A_145] : memref<800000x32xf32, #tpu.memory_space<hbm>> -> memref<640x32xf32, #tpu.memory_space<hbm>>
            tpu.wait_dma2 semaphore(%run_scoped3A : memref<!tpu.dma_semaphore, #tpu.memory_space<semaphore_mem>>) src(%dma_wait3A_146 : memref<640x32xf32, #tpu.memory_space<hbm>>) dst(%arg8 : memref<640x32xf32, #tpu.memory_space<vmem>>)
            tpu.yield
          }) : () -> ()
        } else {
        }
        %dma_start3A = arith.constant 0 : i32
        %dma_start3A_41 = arith.constant 0 : i32
        %dma_start3A_42 = arith.constant 0 : i32
        %dma_start3A_43 = tpu.memref_slice %arg8[%dma_start3A_41, %dma_start3A_42] : memref<640x32xf32, #tpu.memory_space<vmem>> -> memref<128x32xf32, #tpu.memory_space<vmem>>
        %dma_start3A_44 = arith.constant 0 : i32
        %dma_start3A_45 = tpu.memref_slice %arg7[%dma_start3A, %dma_start3A_44] : memref<5x128xi32, #tpu.memory_space<vmem>> -> memref<1x128xi32, #tpu.memory_space<vmem>>
        %dma_start3A_46 = tpu.memref_squeeze %dma_start3A_45 : memref<1x128xi32, #tpu.memory_space<vmem>> -> memref<128xi32, #tpu.memory_space<vmem>>
        %dma_start3A_47 = arith.constant 0 : i32
        %dma_start3A_48 = arith.constant 0 : i32
        %dma_start3A_49 = tpu.memref_slice %arg10[%dma_start3A_47, %dma_start3A_48] : memref<50000x32xf32, #tpu.memory_space<vmem_shared>> -> memref<50000x32xf32, #tpu.memory_space<vmem_shared>>
        tpu.enqueue_indirect_dma source(%dma_start3A_43 : memref<128x32xf32, #tpu.memory_space<vmem>>) target(%dma_start3A_49 : memref<50000x32xf32, #tpu.memory_space<vmem_shared>>) offsets(%dma_start3A_46 : memref<128xi32, #tpu.memory_space<vmem>>) semaphore(%arg11 : memref<!tpu.dma_semaphore, #tpu.memory_space<semaphore_mem>>) {add = true}
        %dma_start3A_50 = arith.constant 1 : i32
        %dma_start3A_51 = arith.constant 128 : i32
        %dma_start3A_52 = arith.constant 0 : i32
        %dma_start3A_53 = tpu.memref_slice %arg8[%dma_start3A_51, %dma_start3A_52] : memref<640x32xf32, #tpu.memory_space<vmem>> -> memref<128x32xf32, #tpu.memory_space<vmem>>
        %dma_start3A_54 = arith.constant 0 : i32
        %dma_start3A_55 = tpu.memref_slice %arg7[%dma_start3A_50, %dma_start3A_54] : memref<5x128xi32, #tpu.memory_space<vmem>> -> memref<1x128xi32, #tpu.memory_space<vmem>>
        %dma_start3A_56 = tpu.memref_squeeze %dma_start3A_55 : memref<1x128xi32, #tpu.memory_space<vmem>> -> memref<128xi32, #tpu.memory_space<vmem>>
        %dma_start3A_57 = arith.constant 0 : i32
        %dma_start3A_58 = arith.constant 0 : i32
        %dma_start3A_59 = tpu.memref_slice %arg10[%dma_start3A_57, %dma_start3A_58] : memref<50000x32xf32, #tpu.memory_space<vmem_shared>> -> memref<50000x32xf32, #tpu.memory_space<vmem_shared>>
        tpu.enqueue_indirect_dma source(%dma_start3A_53 : memref<128x32xf32, #tpu.memory_space<vmem>>) target(%dma_start3A_59 : memref<50000x32xf32, #tpu.memory_space<vmem_shared>>) offsets(%dma_start3A_56 : memref<128xi32, #tpu.memory_space<vmem>>) semaphore(%arg11 : memref<!tpu.dma_semaphore, #tpu.memory_space<semaphore_mem>>) {add = true}
        %dma_start3A_60 = arith.constant 2 : i32
        %dma_start3A_61 = arith.constant 256 : i32
        %dma_start3A_62 = arith.constant 0 : i32
        %dma_start3A_63 = tpu.memref_slice %arg8[%dma_start3A_61, %dma_start3A_62] : memref<640x32xf32, #tpu.memory_space<vmem>> -> memref<128x32xf32, #tpu.memory_space<vmem>>
        %dma_start3A_64 = arith.constant 0 : i32
        %dma_start3A_65 = tpu.memref_slice %arg7[%dma_start3A_60, %dma_start3A_64] : memref<5x128xi32, #tpu.memory_space<vmem>> -> memref<1x128xi32, #tpu.memory_space<vmem>>
        %dma_start3A_66 = tpu.memref_squeeze %dma_start3A_65 : memref<1x128xi32, #tpu.memory_space<vmem>> -> memref<128xi32, #tpu.memory_space<vmem>>
        %dma_start3A_67 = arith.constant 0 : i32
        %dma_start3A_68 = arith.constant 0 : i32
        %dma_start3A_69 = tpu.memref_slice %arg10[%dma_start3A_67, %dma_start3A_68] : memref<50000x32xf32, #tpu.memory_space<vmem_shared>> -> memref<50000x32xf32, #tpu.memory_space<vmem_shared>>
        tpu.enqueue_indirect_dma source(%dma_start3A_63 : memref<128x32xf32, #tpu.memory_space<vmem>>) target(%dma_start3A_69 : memref<50000x32xf32, #tpu.memory_space<vmem_shared>>) offsets(%dma_start3A_66 : memref<128xi32, #tpu.memory_space<vmem>>) semaphore(%arg11 : memref<!tpu.dma_semaphore, #tpu.memory_space<semaphore_mem>>) {add = true}
        %dma_start3A_70 = arith.constant 3 : i32
        %dma_start3A_71 = arith.constant 384 : i32
        %dma_start3A_72 = arith.constant 0 : i32
        %dma_start3A_73 = tpu.memref_slice %arg8[%dma_start3A_71, %dma_start3A_72] : memref<640x32xf32, #tpu.memory_space<vmem>> -> memref<128x32xf32, #tpu.memory_space<vmem>>
        %dma_start3A_74 = arith.constant 0 : i32
        %dma_start3A_75 = tpu.memref_slice %arg7[%dma_start3A_70, %dma_start3A_74] : memref<5x128xi32, #tpu.memory_space<vmem>> -> memref<1x128xi32, #tpu.memory_space<vmem>>
        %dma_start3A_76 = tpu.memref_squeeze %dma_start3A_75 : memref<1x128xi32, #tpu.memory_space<vmem>> -> memref<128xi32, #tpu.memory_space<vmem>>
        %dma_start3A_77 = arith.constant 0 : i32
        %dma_start3A_78 = arith.constant 0 : i32
        %dma_start3A_79 = tpu.memref_slice %arg10[%dma_start3A_77, %dma_start3A_78] : memref<50000x32xf32, #tpu.memory_space<vmem_shared>> -> memref<50000x32xf32, #tpu.memory_space<vmem_shared>>
        tpu.enqueue_indirect_dma source(%dma_start3A_73 : memref<128x32xf32, #tpu.memory_space<vmem>>) target(%dma_start3A_79 : memref<50000x32xf32, #tpu.memory_space<vmem_shared>>) offsets(%dma_start3A_76 : memref<128xi32, #tpu.memory_space<vmem>>) semaphore(%arg11 : memref<!tpu.dma_semaphore, #tpu.memory_space<semaphore_mem>>) {add = true}
        %dma_start3A_80 = arith.constant 4 : i32
        %dma_start3A_81 = arith.constant 512 : i32
        %dma_start3A_82 = arith.constant 0 : i32
        %dma_start3A_83 = tpu.memref_slice %arg8[%dma_start3A_81, %dma_start3A_82] : memref<640x32xf32, #tpu.memory_space<vmem>> -> memref<128x32xf32, #tpu.memory_space<vmem>>
        %dma_start3A_84 = arith.constant 0 : i32
        %dma_start3A_85 = tpu.memref_slice %arg7[%dma_start3A_80, %dma_start3A_84] : memref<5x128xi32, #tpu.memory_space<vmem>> -> memref<1x128xi32, #tpu.memory_space<vmem>>
        %dma_start3A_86 = tpu.memref_squeeze %dma_start3A_85 : memref<1x128xi32, #tpu.memory_space<vmem>> -> memref<128xi32, #tpu.memory_space<vmem>>
        %dma_start3A_87 = arith.constant 0 : i32
        %dma_start3A_88 = arith.constant 0 : i32
        %dma_start3A_89 = tpu.memref_slice %arg10[%dma_start3A_87, %dma_start3A_88] : memref<50000x32xf32, #tpu.memory_space<vmem_shared>> -> memref<50000x32xf32, #tpu.memory_space<vmem_shared>>
        tpu.enqueue_indirect_dma source(%dma_start3A_83 : memref<128x32xf32, #tpu.memory_space<vmem>>) target(%dma_start3A_89 : memref<50000x32xf32, #tpu.memory_space<vmem_shared>>) offsets(%dma_start3A_86 : memref<128xi32, #tpu.memory_space<vmem>>) semaphore(%arg11 : memref<!tpu.dma_semaphore, #tpu.memory_space<semaphore_mem>>) {add = true}
        %dma_wait3A = arith.constant 0 : i32
        %dma_wait3A_90 = arith.constant 0 : i32
        %dma_wait3A_91 = arith.constant 0 : i32
        %dma_wait3A_92 = tpu.memref_slice %arg8[%dma_wait3A_90, %dma_wait3A_91] : memref<640x32xf32, #tpu.memory_space<vmem>> -> memref<128x32xf32, #tpu.memory_space<vmem>>
        %dma_wait3A_93 = arith.constant 0 : i32
        %dma_wait3A_94 = tpu.memref_slice %arg7[%dma_wait3A, %dma_wait3A_93] : memref<5x128xi32, #tpu.memory_space<vmem>> -> memref<1x128xi32, #tpu.memory_space<vmem>>
        %dma_wait3A_95 = tpu.memref_squeeze %dma_wait3A_94 : memref<1x128xi32, #tpu.memory_space<vmem>> -> memref<128xi32, #tpu.memory_space<vmem>>
        %dma_wait3A_96 = arith.constant 0 : i32
        %dma_wait3A_97 = arith.constant 0 : i32
        %dma_wait3A_98 = tpu.memref_slice %arg10[%dma_wait3A_96, %dma_wait3A_97] : memref<50000x32xf32, #tpu.memory_space<vmem_shared>> -> memref<50000x32xf32, #tpu.memory_space<vmem_shared>>
        tpu.wait_indirect_dma semaphore(%arg11 : memref<!tpu.dma_semaphore, #tpu.memory_space<semaphore_mem>>) src(%dma_wait3A_92 : memref<128x32xf32, #tpu.memory_space<vmem>>) dst(%dma_wait3A_98 : memref<50000x32xf32, #tpu.memory_space<vmem_shared>>)
        %dma_wait3A_99 = arith.constant 1 : i32
        %dma_wait3A_100 = arith.constant 128 : i32
        %dma_wait3A_101 = arith.constant 0 : i32
        %dma_wait3A_102 = tpu.memref_slice %arg8[%dma_wait3A_100, %dma_wait3A_101] : memref<640x32xf32, #tpu.memory_space<vmem>> -> memref<128x32xf32, #tpu.memory_space<vmem>>
        %dma_wait3A_103 = arith.constant 0 : i32
        %dma_wait3A_104 = tpu.memref_slice %arg7[%dma_wait3A_99, %dma_wait3A_103] : memref<5x128xi32, #tpu.memory_space<vmem>> -> memref<1x128xi32, #tpu.memory_space<vmem>>
        %dma_wait3A_105 = tpu.memref_squeeze %dma_wait3A_104 : memref<1x128xi32, #tpu.memory_space<vmem>> -> memref<128xi32, #tpu.memory_space<vmem>>
        %dma_wait3A_106 = arith.constant 0 : i32
        %dma_wait3A_107 = arith.constant 0 : i32
        %dma_wait3A_108 = tpu.memref_slice %arg10[%dma_wait3A_106, %dma_wait3A_107] : memref<50000x32xf32, #tpu.memory_space<vmem_shared>> -> memref<50000x32xf32, #tpu.memory_space<vmem_shared>>
        tpu.wait_indirect_dma semaphore(%arg11 : memref<!tpu.dma_semaphore, #tpu.memory_space<semaphore_mem>>) src(%dma_wait3A_102 : memref<128x32xf32, #tpu.memory_space<vmem>>) dst(%dma_wait3A_108 : memref<50000x32xf32, #tpu.memory_space<vmem_shared>>)
        %dma_wait3A_109 = arith.constant 2 : i32
        %dma_wait3A_110 = arith.constant 256 : i32
        %dma_wait3A_111 = arith.constant 0 : i32
        %dma_wait3A_112 = tpu.memref_slice %arg8[%dma_wait3A_110, %dma_wait3A_111] : memref<640x32xf32, #tpu.memory_space<vmem>> -> memref<128x32xf32, #tpu.memory_space<vmem>>
        %dma_wait3A_113 = arith.constant 0 : i32
        %dma_wait3A_114 = tpu.memref_slice %arg7[%dma_wait3A_109, %dma_wait3A_113] : memref<5x128xi32, #tpu.memory_space<vmem>> -> memref<1x128xi32, #tpu.memory_space<vmem>>
        %dma_wait3A_115 = tpu.memref_squeeze %dma_wait3A_114 : memref<1x128xi32, #tpu.memory_space<vmem>> -> memref<128xi32, #tpu.memory_space<vmem>>
        %dma_wait3A_116 = arith.constant 0 : i32
        %dma_wait3A_117 = arith.constant 0 : i32
        %dma_wait3A_118 = tpu.memref_slice %arg10[%dma_wait3A_116, %dma_wait3A_117] : memref<50000x32xf32, #tpu.memory_space<vmem_shared>> -> memref<50000x32xf32, #tpu.memory_space<vmem_shared>>
        tpu.wait_indirect_dma semaphore(%arg11 : memref<!tpu.dma_semaphore, #tpu.memory_space<semaphore_mem>>) src(%dma_wait3A_112 : memref<128x32xf32, #tpu.memory_space<vmem>>) dst(%dma_wait3A_118 : memref<50000x32xf32, #tpu.memory_space<vmem_shared>>)
        %dma_wait3A_119 = arith.constant 3 : i32
        %dma_wait3A_120 = arith.constant 384 : i32
        %dma_wait3A_121 = arith.constant 0 : i32
        %dma_wait3A_122 = tpu.memref_slice %arg8[%dma_wait3A_120, %dma_wait3A_121] : memref<640x32xf32, #tpu.memory_space<vmem>> -> memref<128x32xf32, #tpu.memory_space<vmem>>
        %dma_wait3A_123 = arith.constant 0 : i32
        %dma_wait3A_124 = tpu.memref_slice %arg7[%dma_wait3A_119, %dma_wait3A_123] : memref<5x128xi32, #tpu.memory_space<vmem>> -> memref<1x128xi32, #tpu.memory_space<vmem>>
        %dma_wait3A_125 = tpu.memref_squeeze %dma_wait3A_124 : memref<1x128xi32, #tpu.memory_space<vmem>> -> memref<128xi32, #tpu.memory_space<vmem>>
        %dma_wait3A_126 = arith.constant 0 : i32
        %dma_wait3A_127 = arith.constant 0 : i32
        %dma_wait3A_128 = tpu.memref_slice %arg10[%dma_wait3A_126, %dma_wait3A_127] : memref<50000x32xf32, #tpu.memory_space<vmem_shared>> -> memref<50000x32xf32, #tpu.memory_space<vmem_shared>>
        tpu.wait_indirect_dma semaphore(%arg11 : memref<!tpu.dma_semaphore, #tpu.memory_space<semaphore_mem>>) src(%dma_wait3A_122 : memref<128x32xf32, #tpu.memory_space<vmem>>) dst(%dma_wait3A_128 : memref<50000x32xf32, #tpu.memory_space<vmem_shared>>)
        %dma_wait3A_129 = arith.constant 4 : i32
        %dma_wait3A_130 = arith.constant 512 : i32
        %dma_wait3A_131 = arith.constant 0 : i32
        %dma_wait3A_132 = tpu.memref_slice %arg8[%dma_wait3A_130, %dma_wait3A_131] : memref<640x32xf32, #tpu.memory_space<vmem>> -> memref<128x32xf32, #tpu.memory_space<vmem>>
        %dma_wait3A_133 = arith.constant 0 : i32
        %dma_wait3A_134 = tpu.memref_slice %arg7[%dma_wait3A_129, %dma_wait3A_133] : memref<5x128xi32, #tpu.memory_space<vmem>> -> memref<1x128xi32, #tpu.memory_space<vmem>>
        %dma_wait3A_135 = tpu.memref_squeeze %dma_wait3A_134 : memref<1x128xi32, #tpu.memory_space<vmem>> -> memref<128xi32, #tpu.memory_space<vmem>>
        %dma_wait3A_136 = arith.constant 0 : i32
        %dma_wait3A_137 = arith.constant 0 : i32
        %dma_wait3A_138 = tpu.memref_slice %arg10[%dma_wait3A_136, %dma_wait3A_137] : memref<50000x32xf32, #tpu.memory_space<vmem_shared>> -> memref<50000x32xf32, #tpu.memory_space<vmem_shared>>
        tpu.wait_indirect_dma semaphore(%arg11 : memref<!tpu.dma_semaphore, #tpu.memory_space<semaphore_mem>>) src(%dma_wait3A_132 : memref<128x32xf32, #tpu.memory_space<vmem>>) dst(%dma_wait3A_138 : memref<50000x32xf32, #tpu.memory_space<vmem_shared>>)
      } else {
      }
    }
    %scan3A_14 = arith.constant 79 : i32
    %barrier3A_15 = arith.constant 0 : index
    tpu.barrier barrier_id(%barrier3A_15)
    %scan3A_16 = arith.constant 0 : i32
    %scan3A_17 = arith.constant 40 : i32
    %scan3A_18 = arith.addi %scan3A_16, %scan3A_17 : i32
    %scan3A_19 = arith.constant 1 : i32
    scf.for %scan3A_21 = %scan3A_16 to %scan3A_18 step %scan3A_19  : i32 {
      %mul3A = arith.constant 1 : i32
      %mul3A_22 = arith.muli %scan3A_21, %mul3A : i32
      %add3A = arith.constant 0 : i32
      %add3A_23 = arith.addi %add3A, %mul3A_22 : i32
      %mul3A_24 = arith.constant 16 : i32
      %mul3A_25 = arith.muli %add3A_23, %mul3A_24 : i32
      %add3A_26 = arith.addi %mul3A_25, %arg1 : i32
      %lt3A = arith.constant 625 : i32
      %lt3A_27 = arith.cmpi slt, %add3A_26, %lt3A : i32
      %convert_element_type3A = arith.extui %lt3A_27 : i1 to i32
      %cond3A = arith.constant 0 : i32
      %cond3A_28 = arith.cmpi ne, %convert_element_type3A, %cond3A : i32
      scf.if %cond3A_28 {
        %mul3A_29 = arith.constant 80 : i32
        %mul3A_30 = arith.muli %add3A_26, %mul3A_29 : i32
        %eq3A = arith.constant 0 : i32
        %eq3A_31 = arith.cmpi eq, %arg0, %eq3A : i32
        %convert_element_type3A_32 = arith.extui %eq3A_31 : i1 to i32
        %cond3A_33 = arith.constant 0 : i32
        %cond3A_34 = arith.cmpi ne, %convert_element_type3A_32, %cond3A_33 : i32
        scf.if %cond3A_34 {
          "tpu.region"() ({
            %run_scoped3A = tpu.sem_alloc : memref<!tpu.dma_semaphore, #tpu.memory_space<semaphore_mem>>
            %dma_start3A = arith.constant 0 : i32
            %dma_start3A_39 = tpu.memref_slice %arg5[%mul3A_30, %dma_start3A] : memref<50000x32xf32, #tpu.memory_space<hbm>> -> memref<80x32xf32, #tpu.memory_space<hbm>>
            %dma_start3A_40 = arith.constant 0 : i32
            %dma_start3A_41 = tpu.memref_slice %arg10[%mul3A_30, %dma_start3A_40] : memref<50000x32xf32, #tpu.memory_space<vmem_shared>> -> memref<80x32xf32, #tpu.memory_space<vmem_shared>>
            tpu.enqueue_dma source(%dma_start3A_41 : memref<80x32xf32, #tpu.memory_space<vmem_shared>>) target(%dma_start3A_39 : memref<80x32xf32, #tpu.memory_space<hbm>>) target_semaphore(%run_scoped3A : memref<!tpu.dma_semaphore, #tpu.memory_space<semaphore_mem>>)
            %dma_wait3A = arith.constant 0 : i32
            %dma_wait3A_42 = tpu.memref_slice %arg5[%mul3A_30, %dma_wait3A] : memref<50000x32xf32, #tpu.memory_space<hbm>> -> memref<80x32xf32, #tpu.memory_space<hbm>>
            %dma_wait3A_43 = arith.constant 0 : i32
            %dma_wait3A_44 = tpu.memref_slice %arg10[%mul3A_30, %dma_wait3A_43] : memref<50000x32xf32, #tpu.memory_space<vmem_shared>> -> memref<80x32xf32, #tpu.memory_space<vmem_shared>>
            tpu.wait_dma2 semaphore(%run_scoped3A : memref<!tpu.dma_semaphore, #tpu.memory_space<semaphore_mem>>) src(%dma_wait3A_44 : memref<80x32xf32, #tpu.memory_space<vmem_shared>>) dst(%dma_wait3A_42 : memref<80x32xf32, #tpu.memory_space<hbm>>)
            tpu.yield
          }) : () -> ()
        } else {
        }
        %ne3A = arith.constant 0 : i32
        %ne3A_35 = arith.cmpi ne, %arg0, %ne3A : i32
        %convert_element_type3A_36 = arith.extui %ne3A_35 : i1 to i32
        %cond3A_37 = arith.constant 0 : i32
        %cond3A_38 = arith.cmpi ne, %convert_element_type3A_36, %cond3A_37 : i32
        scf.if %cond3A_38 {
          "tpu.region"() ({
            %run_scoped3A = tpu.sem_alloc : memref<!tpu.dma_semaphore, #tpu.memory_space<semaphore_mem>>
            %dma_start3A = arith.constant 0 : i32
            %dma_start3A_39 = tpu.memref_slice %arg6[%mul3A_30, %dma_start3A] : memref<50000x32xf32, #tpu.memory_space<hbm>> -> memref<80x32xf32, #tpu.memory_space<hbm>>
            %dma_start3A_40 = arith.constant 0 : i32
            %dma_start3A_41 = tpu.memref_slice %arg10[%mul3A_30, %dma_start3A_40] : memref<50000x32xf32, #tpu.memory_space<vmem_shared>> -> memref<80x32xf32, #tpu.memory_space<vmem_shared>>
            tpu.enqueue_dma source(%dma_start3A_41 : memref<80x32xf32, #tpu.memory_space<vmem_shared>>) target(%dma_start3A_39 : memref<80x32xf32, #tpu.memory_space<hbm>>) target_semaphore(%run_scoped3A : memref<!tpu.dma_semaphore, #tpu.memory_space<semaphore_mem>>)
            %dma_wait3A = arith.constant 0 : i32
            %dma_wait3A_42 = tpu.memref_slice %arg6[%mul3A_30, %dma_wait3A] : memref<50000x32xf32, #tpu.memory_space<hbm>> -> memref<80x32xf32, #tpu.memory_space<hbm>>
            %dma_wait3A_43 = arith.constant 0 : i32
            %dma_wait3A_44 = tpu.memref_slice %arg10[%mul3A_30, %dma_wait3A_43] : memref<50000x32xf32, #tpu.memory_space<vmem_shared>> -> memref<80x32xf32, #tpu.memory_space<vmem_shared>>
            tpu.wait_dma2 semaphore(%run_scoped3A : memref<!tpu.dma_semaphore, #tpu.memory_space<semaphore_mem>>) src(%dma_wait3A_44 : memref<80x32xf32, #tpu.memory_space<vmem_shared>>) dst(%dma_wait3A_42 : memref<80x32xf32, #tpu.memory_space<hbm>>)
            tpu.yield
          }) : () -> ()
        } else {
        }
      } else {
      }
    }
    %scan3A_20 = arith.constant 40 : i32
    return
  }
}

#map = affine_map<(d0, d1) -> (0, 0)>
module attributes {stable_mosaic.version = 14 : i64} {
  func.func @kern(%arg0: i32, %arg1: i32, %arg2: memref<6250x128xi32, #tpu.memory_space<hbm>>, %arg3: memref<800000x32xf32, #tpu.memory_space<hbm>>, %arg4: memref<800000x32xf32, #tpu.memory_space<hbm>>, %arg5: memref<50000x32xf32, #tpu.memory_space<hbm>>, %arg6: memref<50000x32xf32, #tpu.memory_space<hbm>>, %arg7: memref<5x128xi32, #tpu.memory_space<vmem>>, %arg8: memref<640x32xf32, #tpu.memory_space<vmem>>, %arg9: memref<80x32xf32, #tpu.memory_space<vmem>>, %arg10: memref<50000x32xf32, #tpu.memory_space<vmem_shared>>, %arg11: memref<!tpu.dma_semaphore, #tpu.memory_space<semaphore_mem>>) attributes {dimension_semantics = [#tpu.dimension_semantics<core_parallel>, #tpu.dimension_semantics<subcore_parallel>], iteration_bounds = array<i64: 2, 16>, scalar_prefetch = 0 : i64, scratch_operands = 5 : i64, tpu.core_type = #tpu.core_type<sc_vector_subcore>, window_params = [{transform_indices = #map}, {transform_indices = #map}, {transform_indices = #map}, {transform_indices = #map}, {transform_indices = #map}]} {
    %broadcast_in_dim3A = arith.constant 0.000000e+00 : f32
    %broadcast_in_dim3A_0 = vector.broadcast %broadcast_in_dim3A : f32 to vector<16xf32>
    %scan3A = arith.constant 0 : i32
    %scan3A_1 = arith.constant 80 : i32
    %scan3A_2 = arith.addi %scan3A, %scan3A_1 : i32
    %scan3A_3 = arith.constant 1 : i32
    scf.for %scan3A_21 = %scan3A to %scan3A_2 step %scan3A_3  : i32 {
      %mul3A = arith.constant 1 : i32
      %mul3A_22 = arith.muli %scan3A_21, %mul3A : i32
      %add3A = arith.constant 0 : i32
      %add3A_23 = arith.addi %add3A, %mul3A_22 : i32
      %swap3A = arith.index_cast %add3A_23 : i32 to index
      %swap3A_24 = arith.constant 0 : index
      %swap3A_25 = tpu.vector_load %arg9[%swap3A, %swap3A_24] {strides = array<i32>} : memref<80x32xf32, #tpu.memory_space<vmem>>, vector<1x16xf32>,
      %swap3A_26 = vector.shape_cast %swap3A_25 : vector<1x16xf32> to vector<16xf32>
      %swap3A_27 = vector.shape_cast %broadcast_in_dim3A_0 : vector<16xf32> to vector<1x16xf32>
      tpu.vector_store %arg9[%swap3A, %swap3A_24], %swap3A_27 {strides = array<i32>} : memref<80x32xf32, #tpu.memory_space<vmem>>, vector<1x16xf32>,
      %swap3A_28 = arith.index_cast %add3A_23 : i32 to index
      %swap3A_29 = arith.constant 16 : index
      %swap3A_30 = tpu.vector_load %arg9[%swap3A_28, %swap3A_29] {strides = array<i32>} : memref<80x32xf32, #tpu.memory_space<vmem>>, vector<1x16xf32>,
      %swap3A_31 = vector.shape_cast %swap3A_30 : vector<1x16xf32> to vector<16xf32>
      %swap3A_32 = vector.shape_cast %broadcast_in_dim3A_0 : vector<16xf32> to vector<1x16xf32>
      tpu.vector_store %arg9[%swap3A_28, %swap3A_29], %swap3A_32 {strides = array<i32>} : memref<80x32xf32, #tpu.memory_space<vmem>>, vector<1x16xf32>,
    }
    %scan3A_4 = arith.constant 80 : i32
    %scan3A_5 = arith.constant 0 : i32
    %scan3A_6 = arith.constant 40 : i32
    %scan3A_7 = arith.addi %scan3A_5, %scan3A_6 : i32
    %scan3A_8 = arith.constant 1 : i32
    scf.for %scan3A_21 = %scan3A_5 to %scan3A_7 step %scan3A_8  : i32 {
      %mul3A = arith.constant 1 : i32
      %mul3A_22 = arith.muli %scan3A_21, %mul3A : i32
      %add3A = arith.constant 0 : i32
      %add3A_23 = arith.addi %add3A, %mul3A_22 : i32
      %mul3A_24 = arith.constant 16 : i32
      %mul3A_25 = arith.muli %add3A_23, %mul3A_24 : i32
      %add3A_26 = arith.addi %mul3A_25, %arg1 : i32
      %lt3A = arith.constant 625 : i32
      %lt3A_27 = arith.cmpi slt, %add3A_26, %lt3A : i32
      %convert_element_type3A = arith.extui %lt3A_27 : i1 to i32
      %cond3A = arith.constant 0 : i32
      %cond3A_28 = arith.cmpi ne, %convert_element_type3A, %cond3A : i32
      scf.if %cond3A_28 {
        %mul3A_29 = arith.constant 80 : i32
        %mul3A_30 = arith.muli %add3A_26, %mul3A_29 : i32
        "tpu.region"() ({
          %run_scoped3A = tpu.sem_alloc : memref<!tpu.dma_semaphore, #tpu.memory_space<semaphore_mem>>
          %dma_start3A = arith.constant 0 : i32
          %dma_start3A_31 = tpu.memref_slice %arg10[%mul3A_30, %dma_start3A] : memref<50000x32xf32, #tpu.memory_space<vmem_shared>> -> memref<80x32xf32, #tpu.memory_space<vmem_shared>>
          %dma_start3A_32 = arith.constant 0 : i32
          %dma_start3A_33 = tpu.memref_slice %arg10[%mul3A_30, %dma_start3A_32] : memref<50000x32xf32, #tpu.memory_space<vmem_shared>> -> memref<80x32xf32, #tpu.memory_space<vmem_shared>>
          tpu.enqueue_dma source(%arg9 : memref<80x32xf32, #tpu.memory_space<vmem>>) target(%dma_start3A_33 : memref<80x32xf32, #tpu.memory_space<vmem_shared>>) target_semaphore(%run_scoped3A : memref<!tpu.dma_semaphore, #tpu.memory_space<semaphore_mem>>)
          %dma_wait3A = arith.constant 0 : i32
          %dma_wait3A_34 = tpu.memref_slice %arg10[%mul3A_30, %dma_wait3A] : memref<50000x32xf32, #tpu.memory_space<vmem_shared>> -> memref<80x32xf32, #tpu.memory_space<vmem_shared>>
          %dma_wait3A_35 = arith.constant 0 : i32
          %dma_wait3A_36 = tpu.memref_slice %arg10[%mul3A_30, %dma_wait3A_35] : memref<50000x32xf32, #tpu.memory_space<vmem_shared>> -> memref<80x32xf32, #tpu.memory_space<vmem_shared>>
          tpu.wait_dma2 semaphore(%run_scoped3A : memref<!tpu.dma_semaphore, #tpu.memory_space<semaphore_mem>>) src(%arg9 : memref<80x32xf32, #tpu.memory_space<vmem>>) dst(%dma_wait3A_36 : memref<80x32xf32, #tpu.memory_space<vmem_shared>>)
          tpu.yield
        }) : () -> ()
      } else {
      }
    }
    %scan3A_9 = arith.constant 40 : i32
    %barrier3A = arith.constant 0 : index
    tpu.barrier barrier_id(%barrier3A)
    %scan3A_10 = arith.constant 0 : i32
    %scan3A_11 = arith.constant 79 : i32
    %scan3A_12 = arith.addi %scan3A_10, %scan3A_11 : i32
    %scan3A_13 = arith.constant 1 : i32
    scf.for %scan3A_21 = %scan3A_10 to %scan3A_12 step %scan3A_13  : i32 {
      %mul3A = arith.constant 1 : i32
      %mul3A_22 = arith.muli %scan3A_21, %mul3A : i32
      %add3A = arith.constant 0 : i32
      %add3A_23 = arith.addi %add3A, %mul3A_22 : i32
      %mul3A_24 = arith.constant 16 : i32
      %mul3A_25 = arith.muli %add3A_23, %mul3A_24 : i32
      %add3A_26 = arith.addi %mul3A_25, %arg1 : i32
      %lt3A = arith.constant 1250 : i32
      %lt3A_27 = arith.cmpi slt, %add3A_26, %lt3A : i32
      %convert_element_type3A = arith.extui %lt3A_27 : i1 to i32
      %cond3A = arith.constant 0 : i32
      %cond3A_28 = arith.cmpi ne, %convert_element_type3A, %cond3A : i32
      scf.if %cond3A_28 {
        %mul3A_29 = arith.constant 640 : i32
        %mul3A_30 = arith.muli %add3A_26, %mul3A_29 : i32
        %mul3A_31 = arith.constant 5 : i32
        %mul3A_32 = arith.muli %add3A_26, %mul3A_31 : i32
        "tpu.region"() ({
          %run_scoped3A = tpu.sem_alloc : memref<!tpu.dma_semaphore, #tpu.memory_space<semaphore_mem>>
          %dma_start3A_139 = arith.constant 0 : i32
          %dma_start3A_140 = tpu.memref_slice %arg2[%mul3A_32, %dma_start3A_139] : memref<6250x128xi32, #tpu.memory_space<hbm>> -> memref<5x128xi32, #tpu.memory_space<hbm>>
          %dma_start3A_141 = arith.constant 0 : i32
          %dma_start3A_142 = tpu.memref_slice %arg2[%mul3A_32, %dma_start3A_141] : memref<6250x128xi32, #tpu.memory_space<hbm>> -> memref<5x128xi32, #tpu.memory_space<hbm>>
          tpu.enqueue_dma source(%dma_start3A_142 : memref<5x128xi32, #tpu.memory_space<hbm>>) target(%arg7 : memref<5x128xi32, #tpu.memory_space<vmem>>) target_semaphore(%run_scoped3A : memref<!tpu.dma_semaphore, #tpu.memory_space<semaphore_mem>>)
          %dma_wait3A_143 = arith.constant 0 : i32
          %dma_wait3A_144 = tpu.memref_slice %arg2[%mul3A_32, %dma_wait3A_143] : memref<6250x128xi32, #tpu.memory_space<hbm>> -> memref<5x128xi32, #tpu.memory_space<hbm>>
          %dma_wait3A_145 = arith.constant 0 : i32
          %dma_wait3A_146 = tpu.memref_slice %arg2[%mul3A_32, %dma_wait3A_145] : memref<6250x128xi32, #tpu.memory_space<hbm>> -> memref<5x128xi32, #tpu.memory_space<hbm>>
          tpu.wait_dma2 semaphore(%run_scoped3A : memref<!tpu.dma_semaphore, #tpu.memory_space<semaphore_mem>>) src(%dma_wait3A_146 : memref<5x128xi32, #tpu.memory_space<hbm>>) dst(%arg7 : memref<5x128xi32, #tpu.memory_space<vmem>>)
          tpu.yield
        }) : () -> ()
        %eq3A = arith.constant 0 : i32
        %eq3A_33 = arith.cmpi eq, %arg0, %eq3A : i32
        %convert_element_type3A_34 = arith.extui %eq3A_33 : i1 to i32
        %cond3A_35 = arith.constant 0 : i32
        %cond3A_36 = arith.cmpi ne, %convert_element_type3A_34, %cond3A_35 : i32
        scf.if %cond3A_36 {
          "tpu.region"() ({
            %run_scoped3A = tpu.sem_alloc : memref<!tpu.dma_semaphore, #tpu.memory_space<semaphore_mem>>
            %dma_start3A_139 = arith.constant 0 : i32
            %dma_start3A_140 = tpu.memref_slice %arg3[%mul3A_30, %dma_start3A_139] : memref<800000x32xf32, #tpu.memory_space<hbm>> -> memref<640x32xf32, #tpu.memory_space<hbm>>
            %dma_start3A_141 = arith.constant 0 : i32
            %dma_start3A_142 = tpu.memref_slice %arg3[%mul3A_30, %dma_start3A_141] : memref<800000x32xf32, #tpu.memory_space<hbm>> -> memref<640x32xf32, #tpu.memory_space<hbm>>
            tpu.enqueue_dma source(%dma_start3A_142 : memref<640x32xf32, #tpu.memory_space<hbm>>) target(%arg8 : memref<640x32xf32, #tpu.memory_space<vmem>>) target_semaphore(%run_scoped3A : memref<!tpu.dma_semaphore, #tpu.memory_space<semaphore_mem>>)
            %dma_wait3A_143 = arith.constant 0 : i32
            %dma_wait3A_144 = tpu.memref_slice %arg3[%mul3A_30, %dma_wait3A_143] : memref<800000x32xf32, #tpu.memory_space<hbm>> -> memref<640x32xf32, #tpu.memory_space<hbm>>
            %dma_wait3A_145 = arith.constant 0 : i32
            %dma_wait3A_146 = tpu.memref_slice %arg3[%mul3A_30, %dma_wait3A_145] : memref<800000x32xf32, #tpu.memory_space<hbm>> -> memref<640x32xf32, #tpu.memory_space<hbm>>
            tpu.wait_dma2 semaphore(%run_scoped3A : memref<!tpu.dma_semaphore, #tpu.memory_space<semaphore_mem>>) src(%dma_wait3A_146 : memref<640x32xf32, #tpu.memory_space<hbm>>) dst(%arg8 : memref<640x32xf32, #tpu.memory_space<vmem>>)
            tpu.yield
          }) : () -> ()
        } else {
        }
        %ne3A = arith.constant 0 : i32
        %ne3A_37 = arith.cmpi ne, %arg0, %ne3A : i32
        %convert_element_type3A_38 = arith.extui %ne3A_37 : i1 to i32
        %cond3A_39 = arith.constant 0 : i32
        %cond3A_40 = arith.cmpi ne, %convert_element_type3A_38, %cond3A_39 : i32
        scf.if %cond3A_40 {
          "tpu.region"() ({
            %run_scoped3A = tpu.sem_alloc : memref<!tpu.dma_semaphore, #tpu.memory_space<semaphore_mem>>
            %dma_start3A_139 = arith.constant 0 : i32
            %dma_start3A_140 = tpu.memref_slice %arg4[%mul3A_30, %dma_start3A_139] : memref<800000x32xf32, #tpu.memory_space<hbm>> -> memref<640x32xf32, #tpu.memory_space<hbm>>
            %dma_start3A_141 = arith.constant 0 : i32
            %dma_start3A_142 = tpu.memref_slice %arg4[%mul3A_30, %dma_start3A_141] : memref<800000x32xf32, #tpu.memory_space<hbm>> -> memref<640x32xf32, #tpu.memory_space<hbm>>
            tpu.enqueue_dma source(%dma_start3A_142 : memref<640x32xf32, #tpu.memory_space<hbm>>) target(%arg8 : memref<640x32xf32, #tpu.memory_space<vmem>>) target_semaphore(%run_scoped3A : memref<!tpu.dma_semaphore, #tpu.memory_space<semaphore_mem>>)
            %dma_wait3A_143 = arith.constant 0 : i32
            %dma_wait3A_144 = tpu.memref_slice %arg4[%mul3A_30, %dma_wait3A_143] : memref<800000x32xf32, #tpu.memory_space<hbm>> -> memref<640x32xf32, #tpu.memory_space<hbm>>
            %dma_wait3A_145 = arith.constant 0 : i32
            %dma_wait3A_146 = tpu.memref_slice %arg4[%mul3A_30, %dma_wait3A_145] : memref<800000x32xf32, #tpu.memory_space<hbm>> -> memref<640x32xf32, #tpu.memory_space<hbm>>
            tpu.wait_dma2 semaphore(%run_scoped3A : memref<!tpu.dma_semaphore, #tpu.memory_space<semaphore_mem>>) src(%dma_wait3A_146 : memref<640x32xf32, #tpu.memory_space<hbm>>) dst(%arg8 : memref<640x32xf32, #tpu.memory_space<vmem>>)
            tpu.yield
          }) : () -> ()
        } else {
        }
        %dma_start3A = arith.constant 0 : i32
        %dma_start3A_41 = arith.constant 0 : i32
        %dma_start3A_42 = arith.constant 0 : i32
        %dma_start3A_43 = tpu.memref_slice %arg8[%dma_start3A_41, %dma_start3A_42] : memref<640x32xf32, #tpu.memory_space<vmem>> -> memref<128x32xf32, #tpu.memory_space<vmem>>
        %dma_start3A_44 = arith.constant 0 : i32
        %dma_start3A_45 = tpu.memref_slice %arg7[%dma_start3A, %dma_start3A_44] : memref<5x128xi32, #tpu.memory_space<vmem>> -> memref<1x128xi32, #tpu.memory_space<vmem>>
        %dma_start3A_46 = tpu.memref_squeeze %dma_start3A_45 : memref<1x128xi32, #tpu.memory_space<vmem>> -> memref<128xi32, #tpu.memory_space<vmem>>
        %dma_start3A_47 = arith.constant 0 : i32
        %dma_start3A_48 = arith.constant 0 : i32
        %dma_start3A_49 = tpu.memref_slice %arg10[%dma_start3A_47, %dma_start3A_48] : memref<50000x32xf32, #tpu.memory_space<vmem_shared>> -> memref<50000x32xf32, #tpu.memory_space<vmem_shared>>
        tpu.enqueue_indirect_dma source(%dma_start3A_43 : memref<128x32xf32, #tpu.memory_space<vmem>>) target(%dma_start3A_49 : memref<50000x32xf32, #tpu.memory_space<vmem_shared>>) offsets(%dma_start3A_46 : memref<128xi32, #tpu.memory_space<vmem>>) semaphore(%arg11 : memref<!tpu.dma_semaphore, #tpu.memory_space<semaphore_mem>>) {add = true}
        %dma_start3A_50 = arith.constant 1 : i32
        %dma_start3A_51 = arith.constant 128 : i32
        %dma_start3A_52 = arith.constant 0 : i32
        %dma_start3A_53 = tpu.memref_slice %arg8[%dma_start3A_51, %dma_start3A_52] : memref<640x32xf32, #tpu.memory_space<vmem>> -> memref<128x32xf32, #tpu.memory_space<vmem>>
        %dma_start3A_54 = arith.constant 0 : i32
        %dma_start3A_55 = tpu.memref_slice %arg7[%dma_start3A_50, %dma_start3A_54] : memref<5x128xi32, #tpu.memory_space<vmem>> -> memref<1x128xi32, #tpu.memory_space<vmem>>
        %dma_start3A_56 = tpu.memref_squeeze %dma_start3A_55 : memref<1x128xi32, #tpu.memory_space<vmem>> -> memref<128xi32, #tpu.memory_space<vmem>>
        %dma_start3A_57 = arith.constant 0 : i32
        %dma_start3A_58 = arith.constant 0 : i32
        %dma_start3A_59 = tpu.memref_slice %arg10[%dma_start3A_57, %dma_start3A_58] : memref<50000x32xf32, #tpu.memory_space<vmem_shared>> -> memref<50000x32xf32, #tpu.memory_space<vmem_shared>>
        tpu.enqueue_indirect_dma source(%dma_start3A_53 : memref<128x32xf32, #tpu.memory_space<vmem>>) target(%dma_start3A_59 : memref<50000x32xf32, #tpu.memory_space<vmem_shared>>) offsets(%dma_start3A_56 : memref<128xi32, #tpu.memory_space<vmem>>) semaphore(%arg11 : memref<!tpu.dma_semaphore, #tpu.memory_space<semaphore_mem>>) {add = true}
        %dma_start3A_60 = arith.constant 2 : i32
        %dma_start3A_61 = arith.constant 256 : i32
        %dma_start3A_62 = arith.constant 0 : i32
        %dma_start3A_63 = tpu.memref_slice %arg8[%dma_start3A_61, %dma_start3A_62] : memref<640x32xf32, #tpu.memory_space<vmem>> -> memref<128x32xf32, #tpu.memory_space<vmem>>
        %dma_start3A_64 = arith.constant 0 : i32
        %dma_start3A_65 = tpu.memref_slice %arg7[%dma_start3A_60, %dma_start3A_64] : memref<5x128xi32, #tpu.memory_space<vmem>> -> memref<1x128xi32, #tpu.memory_space<vmem>>
        %dma_start3A_66 = tpu.memref_squeeze %dma_start3A_65 : memref<1x128xi32, #tpu.memory_space<vmem>> -> memref<128xi32, #tpu.memory_space<vmem>>
        %dma_start3A_67 = arith.constant 0 : i32
        %dma_start3A_68 = arith.constant 0 : i32
        %dma_start3A_69 = tpu.memref_slice %arg10[%dma_start3A_67, %dma_start3A_68] : memref<50000x32xf32, #tpu.memory_space<vmem_shared>> -> memref<50000x32xf32, #tpu.memory_space<vmem_shared>>
        tpu.enqueue_indirect_dma source(%dma_start3A_63 : memref<128x32xf32, #tpu.memory_space<vmem>>) target(%dma_start3A_69 : memref<50000x32xf32, #tpu.memory_space<vmem_shared>>) offsets(%dma_start3A_66 : memref<128xi32, #tpu.memory_space<vmem>>) semaphore(%arg11 : memref<!tpu.dma_semaphore, #tpu.memory_space<semaphore_mem>>) {add = true}
        %dma_start3A_70 = arith.constant 3 : i32
        %dma_start3A_71 = arith.constant 384 : i32
        %dma_start3A_72 = arith.constant 0 : i32
        %dma_start3A_73 = tpu.memref_slice %arg8[%dma_start3A_71, %dma_start3A_72] : memref<640x32xf32, #tpu.memory_space<vmem>> -> memref<128x32xf32, #tpu.memory_space<vmem>>
        %dma_start3A_74 = arith.constant 0 : i32
        %dma_start3A_75 = tpu.memref_slice %arg7[%dma_start3A_70, %dma_start3A_74] : memref<5x128xi32, #tpu.memory_space<vmem>> -> memref<1x128xi32, #tpu.memory_space<vmem>>
        %dma_start3A_76 = tpu.memref_squeeze %dma_start3A_75 : memref<1x128xi32, #tpu.memory_space<vmem>> -> memref<128xi32, #tpu.memory_space<vmem>>
        %dma_start3A_77 = arith.constant 0 : i32
        %dma_start3A_78 = arith.constant 0 : i32
        %dma_start3A_79 = tpu.memref_slice %arg10[%dma_start3A_77, %dma_start3A_78] : memref<50000x32xf32, #tpu.memory_space<vmem_shared>> -> memref<50000x32xf32, #tpu.memory_space<vmem_shared>>
        tpu.enqueue_indirect_dma source(%dma_start3A_73 : memref<128x32xf32, #tpu.memory_space<vmem>>) target(%dma_start3A_79 : memref<50000x32xf32, #tpu.memory_space<vmem_shared>>) offsets(%dma_start3A_76 : memref<128xi32, #tpu.memory_space<vmem>>) semaphore(%arg11 : memref<!tpu.dma_semaphore, #tpu.memory_space<semaphore_mem>>) {add = true}
        %dma_start3A_80 = arith.constant 4 : i32
        %dma_start3A_81 = arith.constant 512 : i32
        %dma_start3A_82 = arith.constant 0 : i32
        %dma_start3A_83 = tpu.memref_slice %arg8[%dma_start3A_81, %dma_start3A_82] : memref<640x32xf32, #tpu.memory_space<vmem>> -> memref<128x32xf32, #tpu.memory_space<vmem>>
        %dma_start3A_84 = arith.constant 0 : i32
        %dma_start3A_85 = tpu.memref_slice %arg7[%dma_start3A_80, %dma_start3A_84] : memref<5x128xi32, #tpu.memory_space<vmem>> -> memref<1x128xi32, #tpu.memory_space<vmem>>
        %dma_start3A_86 = tpu.memref_squeeze %dma_start3A_85 : memref<1x128xi32, #tpu.memory_space<vmem>> -> memref<128xi32, #tpu.memory_space<vmem>>
        %dma_start3A_87 = arith.constant 0 : i32
        %dma_start3A_88 = arith.constant 0 : i32
        %dma_start3A_89 = tpu.memref_slice %arg10[%dma_start3A_87, %dma_start3A_88] : memref<50000x32xf32, #tpu.memory_space<vmem_shared>> -> memref<50000x32xf32, #tpu.memory_space<vmem_shared>>
        tpu.enqueue_indirect_dma source(%dma_start3A_83 : memref<128x32xf32, #tpu.memory_space<vmem>>) target(%dma_start3A_89 : memref<50000x32xf32, #tpu.memory_space<vmem_shared>>) offsets(%dma_start3A_86 : memref<128xi32, #tpu.memory_space<vmem>>) semaphore(%arg11 : memref<!tpu.dma_semaphore, #tpu.memory_space<semaphore_mem>>) {add = true}
        %dma_wait3A = arith.constant 0 : i32
        %dma_wait3A_90 = arith.constant 0 : i32
        %dma_wait3A_91 = arith.constant 0 : i32
        %dma_wait3A_92 = tpu.memref_slice %arg8[%dma_wait3A_90, %dma_wait3A_91] : memref<640x32xf32, #tpu.memory_space<vmem>> -> memref<128x32xf32, #tpu.memory_space<vmem>>
        %dma_wait3A_93 = arith.constant 0 : i32
        %dma_wait3A_94 = tpu.memref_slice %arg7[%dma_wait3A, %dma_wait3A_93] : memref<5x128xi32, #tpu.memory_space<vmem>> -> memref<1x128xi32, #tpu.memory_space<vmem>>
        %dma_wait3A_95 = tpu.memref_squeeze %dma_wait3A_94 : memref<1x128xi32, #tpu.memory_space<vmem>> -> memref<128xi32, #tpu.memory_space<vmem>>
        %dma_wait3A_96 = arith.constant 0 : i32
        %dma_wait3A_97 = arith.constant 0 : i32
        %dma_wait3A_98 = tpu.memref_slice %arg10[%dma_wait3A_96, %dma_wait3A_97] : memref<50000x32xf32, #tpu.memory_space<vmem_shared>> -> memref<50000x32xf32, #tpu.memory_space<vmem_shared>>
        tpu.wait_indirect_dma semaphore(%arg11 : memref<!tpu.dma_semaphore, #tpu.memory_space<semaphore_mem>>) src(%dma_wait3A_92 : memref<128x32xf32, #tpu.memory_space<vmem>>) dst(%dma_wait3A_98 : memref<50000x32xf32, #tpu.memory_space<vmem_shared>>)
        %dma_wait3A_99 = arith.constant 1 : i32
        %dma_wait3A_100 = arith.constant 128 : i32
        %dma_wait3A_101 = arith.constant 0 : i32
        %dma_wait3A_102 = tpu.memref_slice %arg8[%dma_wait3A_100, %dma_wait3A_101] : memref<640x32xf32, #tpu.memory_space<vmem>> -> memref<128x32xf32, #tpu.memory_space<vmem>>
        %dma_wait3A_103 = arith.constant 0 : i32
        %dma_wait3A_104 = tpu.memref_slice %arg7[%dma_wait3A_99, %dma_wait3A_103] : memref<5x128xi32, #tpu.memory_space<vmem>> -> memref<1x128xi32, #tpu.memory_space<vmem>>
        %dma_wait3A_105 = tpu.memref_squeeze %dma_wait3A_104 : memref<1x128xi32, #tpu.memory_space<vmem>> -> memref<128xi32, #tpu.memory_space<vmem>>
        %dma_wait3A_106 = arith.constant 0 : i32
        %dma_wait3A_107 = arith.constant 0 : i32
        %dma_wait3A_108 = tpu.memref_slice %arg10[%dma_wait3A_106, %dma_wait3A_107] : memref<50000x32xf32, #tpu.memory_space<vmem_shared>> -> memref<50000x32xf32, #tpu.memory_space<vmem_shared>>
        tpu.wait_indirect_dma semaphore(%arg11 : memref<!tpu.dma_semaphore, #tpu.memory_space<semaphore_mem>>) src(%dma_wait3A_102 : memref<128x32xf32, #tpu.memory_space<vmem>>) dst(%dma_wait3A_108 : memref<50000x32xf32, #tpu.memory_space<vmem_shared>>)
        %dma_wait3A_109 = arith.constant 2 : i32
        %dma_wait3A_110 = arith.constant 256 : i32
        %dma_wait3A_111 = arith.constant 0 : i32
        %dma_wait3A_112 = tpu.memref_slice %arg8[%dma_wait3A_110, %dma_wait3A_111] : memref<640x32xf32, #tpu.memory_space<vmem>> -> memref<128x32xf32, #tpu.memory_space<vmem>>
        %dma_wait3A_113 = arith.constant 0 : i32
        %dma_wait3A_114 = tpu.memref_slice %arg7[%dma_wait3A_109, %dma_wait3A_113] : memref<5x128xi32, #tpu.memory_space<vmem>> -> memref<1x128xi32, #tpu.memory_space<vmem>>
        %dma_wait3A_115 = tpu.memref_squeeze %dma_wait3A_114 : memref<1x128xi32, #tpu.memory_space<vmem>> -> memref<128xi32, #tpu.memory_space<vmem>>
        %dma_wait3A_116 = arith.constant 0 : i32
        %dma_wait3A_117 = arith.constant 0 : i32
        %dma_wait3A_118 = tpu.memref_slice %arg10[%dma_wait3A_116, %dma_wait3A_117] : memref<50000x32xf32, #tpu.memory_space<vmem_shared>> -> memref<50000x32xf32, #tpu.memory_space<vmem_shared>>
        tpu.wait_indirect_dma semaphore(%arg11 : memref<!tpu.dma_semaphore, #tpu.memory_space<semaphore_mem>>) src(%dma_wait3A_112 : memref<128x32xf32, #tpu.memory_space<vmem>>) dst(%dma_wait3A_118 : memref<50000x32xf32, #tpu.memory_space<vmem_shared>>)
        %dma_wait3A_119 = arith.constant 3 : i32
        %dma_wait3A_120 = arith.constant 384 : i32
        %dma_wait3A_121 = arith.constant 0 : i32
        %dma_wait3A_122 = tpu.memref_slice %arg8[%dma_wait3A_120, %dma_wait3A_121] : memref<640x32xf32, #tpu.memory_space<vmem>> -> memref<128x32xf32, #tpu.memory_space<vmem>>
        %dma_wait3A_123 = arith.constant 0 : i32
        %dma_wait3A_124 = tpu.memref_slice %arg7[%dma_wait3A_119, %dma_wait3A_123] : memref<5x128xi32, #tpu.memory_space<vmem>> -> memref<1x128xi32, #tpu.memory_space<vmem>>
        %dma_wait3A_125 = tpu.memref_squeeze %dma_wait3A_124 : memref<1x128xi32, #tpu.memory_space<vmem>> -> memref<128xi32, #tpu.memory_space<vmem>>
        %dma_wait3A_126 = arith.constant 0 : i32
        %dma_wait3A_127 = arith.constant 0 : i32
        %dma_wait3A_128 = tpu.memref_slice %arg10[%dma_wait3A_126, %dma_wait3A_127] : memref<50000x32xf32, #tpu.memory_space<vmem_shared>> -> memref<50000x32xf32, #tpu.memory_space<vmem_shared>>
        tpu.wait_indirect_dma semaphore(%arg11 : memref<!tpu.dma_semaphore, #tpu.memory_space<semaphore_mem>>) src(%dma_wait3A_122 : memref<128x32xf32, #tpu.memory_space<vmem>>) dst(%dma_wait3A_128 : memref<50000x32xf32, #tpu.memory_space<vmem_shared>>)
        %dma_wait3A_129 = arith.constant 4 : i32
        %dma_wait3A_130 = arith.constant 512 : i32
        %dma_wait3A_131 = arith.constant 0 : i32
        %dma_wait3A_132 = tpu.memref_slice %arg8[%dma_wait3A_130, %dma_wait3A_131] : memref<640x32xf32, #tpu.memory_space<vmem>> -> memref<128x32xf32, #tpu.memory_space<vmem>>
        %dma_wait3A_133 = arith.constant 0 : i32
        %dma_wait3A_134 = tpu.memref_slice %arg7[%dma_wait3A_129, %dma_wait3A_133] : memref<5x128xi32, #tpu.memory_space<vmem>> -> memref<1x128xi32, #tpu.memory_space<vmem>>
        %dma_wait3A_135 = tpu.memref_squeeze %dma_wait3A_134 : memref<1x128xi32, #tpu.memory_space<vmem>> -> memref<128xi32, #tpu.memory_space<vmem>>
        %dma_wait3A_136 = arith.constant 0 : i32
        %dma_wait3A_137 = arith.constant 0 : i32
        %dma_wait3A_138 = tpu.memref_slice %arg10[%dma_wait3A_136, %dma_wait3A_137] : memref<50000x32xf32, #tpu.memory_space<vmem_shared>> -> memref<50000x32xf32, #tpu.memory_space<vmem_shared>>
        tpu.wait_indirect_dma semaphore(%arg11 : memref<!tpu.dma_semaphore, #tpu.memory_space<semaphore_mem>>) src(%dma_wait3A_132 : memref<128x32xf32, #tpu.memory_space<vmem>>) dst(%dma_wait3A_138 : memref<50000x32xf32, #tpu.memory_space<vmem_shared>>)
      } else {
      }
    }
    %scan3A_14 = arith.constant 79 : i32
    %barrier3A_15 = arith.constant 0 : index
    tpu.barrier barrier_id(%barrier3A_15)
    %scan3A_16 = arith.constant 0 : i32
    %scan3A_17 = arith.constant 40 : i32
    %scan3A_18 = arith.addi %scan3A_16, %scan3A_17 : i32
    %scan3A_19 = arith.constant 1 : i32
    scf.for %scan3A_21 = %scan3A_16 to %scan3A_18 step %scan3A_19  : i32 {
      %mul3A = arith.constant 1 : i32
      %mul3A_22 = arith.muli %scan3A_21, %mul3A : i32
      %add3A = arith.constant 0 : i32
      %add3A_23 = arith.addi %add3A, %mul3A_22 : i32
      %mul3A_24 = arith.constant 16 : i32
      %mul3A_25 = arith.muli %add3A_23, %mul3A_24 : i32
      %add3A_26 = arith.addi %mul3A_25, %arg1 : i32
      %lt3A = arith.constant 625 : i32
      %lt3A_27 = arith.cmpi slt, %add3A_26, %lt3A : i32
      %convert_element_type3A = arith.extui %lt3A_27 : i1 to i32
      %cond3A = arith.constant 0 : i32
      %cond3A_28 = arith.cmpi ne, %convert_element_type3A, %cond3A : i32
      scf.if %cond3A_28 {
        %mul3A_29 = arith.constant 80 : i32
        %mul3A_30 = arith.muli %add3A_26, %mul3A_29 : i32
        %eq3A = arith.constant 0 : i32
        %eq3A_31 = arith.cmpi eq, %arg0, %eq3A : i32
        %convert_element_type3A_32 = arith.extui %eq3A_31 : i1 to i32
        %cond3A_33 = arith.constant 0 : i32
        %cond3A_34 = arith.cmpi ne, %convert_element_type3A_32, %cond3A_33 : i32
        scf.if %cond3A_34 {
          "tpu.region"() ({
            %run_scoped3A = tpu.sem_alloc : memref<!tpu.dma_semaphore, #tpu.memory_space<semaphore_mem>>
            %dma_start3A = arith.constant 0 : i32
            %dma_start3A_39 = tpu.memref_slice %arg5[%mul3A_30, %dma_start3A] : memref<50000x32xf32, #tpu.memory_space<hbm>> -> memref<80x32xf32, #tpu.memory_space<hbm>>
            %dma_start3A_40 = arith.constant 0 : i32
            %dma_start3A_41 = tpu.memref_slice %arg10[%mul3A_30, %dma_start3A_40] : memref<50000x32xf32, #tpu.memory_space<vmem_shared>> -> memref<80x32xf32, #tpu.memory_space<vmem_shared>>
            tpu.enqueue_dma source(%dma_start3A_41 : memref<80x32xf32, #tpu.memory_space<vmem_shared>>) target(%dma_start3A_39 : memref<80x32xf32, #tpu.memory_space<hbm>>) target_semaphore(%run_scoped3A : memref<!tpu.dma_semaphore, #tpu.memory_space<semaphore_mem>>)
            %dma_wait3A = arith.constant 0 : i32
            %dma_wait3A_42 = tpu.memref_slice %arg5[%mul3A_30, %dma_wait3A] : memref<50000x32xf32, #tpu.memory_space<hbm>> -> memref<80x32xf32, #tpu.memory_space<hbm>>
            %dma_wait3A_43 = arith.constant 0 : i32
            %dma_wait3A_44 = tpu.memref_slice %arg10[%mul3A_30, %dma_wait3A_43] : memref<50000x32xf32, #tpu.memory_space<vmem_shared>> -> memref<80x32xf32, #tpu.memory_space<vmem_shared>>
            tpu.wait_dma2 semaphore(%run_scoped3A : memref<!tpu.dma_semaphore, #tpu.memory_space<semaphore_mem>>) src(%dma_wait3A_44 : memref<80x32xf32, #tpu.memory_space<vmem_shared>>) dst(%dma_wait3A_42 : memref<80x32xf32, #tpu.memory_space<hbm>>)
            tpu.yield
          }) : () -> ()
        } else {
        }
        %ne3A = arith.constant 0 : i32
        %ne3A_35 = arith.cmpi ne, %arg0, %ne3A : i32
        %convert_element_type3A_36 = arith.extui %ne3A_35 : i1 to i32
        %cond3A_37 = arith.constant 0 : i32
        %cond3A_38 = arith.cmpi ne, %convert_element_type3A_36, %cond3A_37 : i32
        scf.if %cond3A_38 {
          "tpu.region"() ({
            %run_scoped3A = tpu.sem_alloc : memref<!tpu.dma_semaphore, #tpu.memory_space<semaphore_mem>>
            %dma_start3A = arith.constant 0 : i32
            %dma_start3A_39 = tpu.memref_slice %arg6[%mul3A_30, %dma_start3A] : memref<50000x32xf32, #tpu.memory_space<hbm>> -> memref<80x32xf32, #tpu.memory_space<hbm>>
            %dma_start3A_40 = arith.constant 0 : i32
            %dma_start3A_41 = tpu.memref_slice %arg10[%mul3A_30, %dma_start3A_40] : memref<50000x32xf32, #tpu.memory_space<vmem_shared>> -> memref<80x32xf32, #tpu.memory_space<vmem_shared>>
            tpu.enqueue_dma source(%dma_start3A_41 : memref<80x32xf32, #tpu.memory_space<vmem_shared>>) target(%dma_start3A_39 : memref<80x32xf32, #tpu.memory_space<hbm>>) target_semaphore(%run_scoped3A : memref<!tpu.dma_semaphore, #tpu.memory_space<semaphore_mem>>)
            %dma_wait3A = arith.constant 0 : i32
            %dma_wait3A_42 = tpu.memref_slice %arg6[%mul3A_30, %dma_wait3A] : memref<50000x32xf32, #tpu.memory_space<hbm>> -> memref<80x32xf32, #tpu.memory_space<hbm>>
            %dma_wait3A_43 = arith.constant 0 : i32
            %dma_wait3A_44 = tpu.memref_slice %arg10[%mul3A_30, %dma_wait3A_43] : memref<50000x32xf32, #tpu.memory_space<vmem_shared>> -> memref<80x32xf32, #tpu.memory_space<vmem_shared>>
            tpu.wait_dma2 semaphore(%run_scoped3A : memref<!tpu.dma_semaphore, #tpu.memory_space<semaphore_mem>>) src(%dma_wait3A_44 : memref<80x32xf32, #tpu.memory_space<vmem_shared>>) dst(%dma_wait3A_42 : memref<80x32xf32, #tpu.memory_space<hbm>>)
            tpu.yield
          }) : () -> ()
        } else {
        }
      } else {
      }
    }
    %scan3A_20 = arith.constant 40 : i32
    return
  }
}

module attributes {stable_mosaic.version = 14 : i64} {
  func.func @body(%arg0: i32, %arg1: memref<5000x8xf32, #tpu.memory_space<vmem>>, %arg2: memref<8x64xf32, #tpu.memory_space<vmem>>, %arg3: memref<1x64xf32, #tpu.memory_space<vmem>>, %arg4: memref<5000x64xf32, #tpu.memory_space<vmem>>) attributes {dimension_semantics = [#tpu.dimension_semantics<arbitrary>], iteration_bounds = array<i64: 10>, scalar_prefetch = 0 : i64, scratch_operands = 0 : i64, tpu.core_type = #tpu.core_type<tc>, window_params = [{transform_indices = @transform_0, window_bounds = array<i64: 5000, 8>}, {pipeline_mode = #tpu.pipeline_mode<synchronous>, transform_indices = @transform_1, window_bounds = array<i64: 8, 64>}, {pipeline_mode = #tpu.pipeline_mode<synchronous>, transform_indices = @transform_2, window_bounds = array<i64: 1, 64>}, {transform_indices = @transform_3, window_bounds = array<i64: 5000, 64>}]} {
    %get3A = arith.constant 0 : index
    %get3A_0 = arith.constant 0 : index
    %get3A_1 = vector.load %arg1[%get3A, %get3A_0] : memref<5000x8xf32, #tpu.memory_space<vmem>>, vector<5000x8xf32>
    %get3A_2 = arith.constant 0 : index
    %get3A_3 = arith.constant 0 : index
    %get3A_4 = vector.load %arg2[%get3A_2, %get3A_3] : memref<8x64xf32, #tpu.memory_space<vmem>>, vector<8x64xf32>
    %convert_element_type3A = arith.truncf %get3A_1 : vector<5000x8xf32> to vector<5000x8xbf16>
    %convert_element_type3A_5 = arith.truncf %get3A_4 : vector<8x64xf32> to vector<8x64xbf16>
    %dot_general3A = arith.constant dense<0.000000e+00> : vector<5000x64xf32>
    %dot_general3A_6 = tpu.matmul %convert_element_type3A, %convert_element_type3A_5, %dot_general3A {dimension_numbers = #tpu.dot_dimension_numbers<[1], [0], [0], [1], [0, 0, 1, 1], [], []>, transpose_lhs_hint = false} : vector<5000x8xbf16>, vector<8x64xbf16>, vector<5000x64xf32> -> vector<5000x64xf32>
    %get3A_7 = arith.constant 0 : index
    %get3A_8 = arith.constant 0 : index
    %get3A_9 = vector.load %arg3[%get3A_7, %get3A_8] : memref<1x64xf32, #tpu.memory_space<vmem>>, vector<1x64xf32>
    %add3A = vector.broadcast %get3A_9 : vector<1x64xf32> to vector<5000x64xf32>
    %add3A_10 = arith.addf %dot_general3A_6, %add3A : vector<5000x64xf32>
    %max3A = arith.constant 0.000000e+00 : f32
    %max3A_11 = vector.broadcast %max3A : f32 to vector<5000x64xf32>
    %max3A_12 = arith.maximumf %add3A_10, %max3A_11 : vector<5000x64xf32>
    %swap3A = arith.constant 0 : index
    %swap3A_13 = arith.constant 0 : index
    %swap3A_14 = vector.load %arg4[%swap3A, %swap3A_13] : memref<5000x64xf32, #tpu.memory_space<vmem>>, vector<5000x64xf32>
    tpu.vector_store %arg4[%swap3A, %swap3A_13], %max3A_12 {strides = array<i32>} : memref<5000x64xf32, #tpu.memory_space<vmem>>, vector<5000x64xf32>,
    return
  }
  func.func @transform_0(%arg0: i32) -> (i32, i32) {
    %c0_i32 = arith.constant 0 : i32
    %c0_i32_0 = arith.constant 0 : i32
    return %arg0, %c0_i32 : i32, i32
  }
  func.func @transform_1(%arg0: i32) -> (i32, i32) {
    %c0_i32 = arith.constant 0 : i32
    %c0_i32_0 = arith.constant 0 : i32
    %c0_i32_1 = arith.constant 0 : i32
    return %c0_i32, %c0_i32_0 : i32, i32
  }
  func.func @transform_2(%arg0: i32) -> (i32, i32) {
    %c0_i32 = arith.constant 0 : i32
    %c0_i32_0 = arith.constant 0 : i32
    %c0_i32_1 = arith.constant 0 : i32
    return %c0_i32, %c0_i32_0 : i32, i32
  }
  func.func @transform_3(%arg0: i32) -> (i32, i32) {
    %c0_i32 = arith.constant 0 : i32
    %c0_i32_0 = arith.constant 0 : i32
    return %arg0, %c0_i32 : i32, i32
  }
}

module attributes {stable_mosaic.version = 14 : i64} {
  func.func @body(%arg0: i32, %arg1: memref<5000x64xf32, #tpu.memory_space<vmem>>, %arg2: memref<5000x2xf32, #tpu.memory_space<vmem>>, %arg3: memref<2x64xf32, #tpu.memory_space<vmem>>, %arg4: memref<1x64xf32, #tpu.memory_space<vmem>>, %arg5: memref<64x64xf32, #tpu.memory_space<vmem>>, %arg6: memref<1x64xf32, #tpu.memory_space<vmem>>, %arg7: memref<5000x32xf32, #tpu.memory_space<vmem>>, %arg8: memref<5000x32xf32, #tpu.memory_space<vmem>>) attributes {dimension_semantics = [#tpu.dimension_semantics<arbitrary>], iteration_bounds = array<i64: 160>, scalar_prefetch = 0 : i64, scratch_operands = 0 : i64, tpu.core_type = #tpu.core_type<tc>, window_params = [{transform_indices = @transform_0, window_bounds = array<i64: 5000, 64>}, {transform_indices = @transform_1, window_bounds = array<i64: 5000, 2>}, {pipeline_mode = #tpu.pipeline_mode<synchronous>, transform_indices = @transform_2, window_bounds = array<i64: 2, 64>}, {pipeline_mode = #tpu.pipeline_mode<synchronous>, transform_indices = @transform_3, window_bounds = array<i64: 1, 64>}, {pipeline_mode = #tpu.pipeline_mode<synchronous>, transform_indices = @transform_4, window_bounds = array<i64: 64, 64>}, {pipeline_mode = #tpu.pipeline_mode<synchronous>, transform_indices = @transform_5, window_bounds = array<i64: 1, 64>}, {transform_indices = @transform_6, window_bounds = array<i64: 5000, 32>}, {transform_indices = @transform_7, window_bounds = array<i64: 5000, 32>}]} {
    %get3A = arith.constant 0 : index
    %get3A_0 = arith.constant 0 : index
    %get3A_1 = vector.load %arg2[%get3A, %get3A_0] : memref<5000x2xf32, #tpu.memory_space<vmem>>, vector<5000x2xf32>
    %get3A_2 = arith.constant 0 : index
    %get3A_3 = arith.constant 0 : index
    %get3A_4 = vector.load %arg3[%get3A_2, %get3A_3] : memref<2x64xf32, #tpu.memory_space<vmem>>, vector<2x64xf32>
    %convert_element_type3A = arith.truncf %get3A_1 : vector<5000x2xf32> to vector<5000x2xbf16>
    %convert_element_type3A_5 = arith.truncf %get3A_4 : vector<2x64xf32> to vector<2x64xbf16>
    %dot_general3A = arith.constant dense<0.000000e+00> : vector<5000x64xf32>
    %dot_general3A_6 = tpu.matmul %convert_element_type3A, %convert_element_type3A_5, %dot_general3A {dimension_numbers = #tpu.dot_dimension_numbers<[1], [0], [0], [1], [0, 0, 1, 1], [], []>, transpose_lhs_hint = false} : vector<5000x2xbf16>, vector<2x64xbf16>, vector<5000x64xf32> -> vector<5000x64xf32>
    %get3A_7 = arith.constant 0 : index
    %get3A_8 = arith.constant 0 : index
    %get3A_9 = vector.load %arg4[%get3A_7, %get3A_8] : memref<1x64xf32, #tpu.memory_space<vmem>>, vector<1x64xf32>
    %add3A = vector.broadcast %get3A_9 : vector<1x64xf32> to vector<5000x64xf32>
    %add3A_10 = arith.addf %dot_general3A_6, %add3A : vector<5000x64xf32>
    %max3A = arith.constant 0.000000e+00 : f32
    %max3A_11 = vector.broadcast %max3A : f32 to vector<5000x64xf32>
    %max3A_12 = arith.maximumf %add3A_10, %max3A_11 : vector<5000x64xf32>
    %get3A_13 = arith.constant 0 : index
    %get3A_14 = arith.constant 0 : index
    %get3A_15 = vector.load %arg1[%get3A_13, %get3A_14] : memref<5000x64xf32, #tpu.memory_space<vmem>>, vector<5000x64xf32>
    %add3A_16 = arith.addf %get3A_15, %max3A_12 : vector<5000x64xf32>
    %get3A_17 = arith.constant 0 : index
    %get3A_18 = arith.constant 0 : index
    %get3A_19 = vector.load %arg5[%get3A_17, %get3A_18] : memref<64x64xf32, #tpu.memory_space<vmem>>, vector<64x64xf32>
    %convert_element_type3A_20 = arith.truncf %add3A_16 : vector<5000x64xf32> to vector<5000x64xbf16>
    %convert_element_type3A_21 = arith.truncf %get3A_19 : vector<64x64xf32> to vector<64x64xbf16>
    %dot_general3A_22 = arith.constant dense<0.000000e+00> : vector<5000x64xf32>
    %dot_general3A_23 = tpu.matmul %convert_element_type3A_20, %convert_element_type3A_21, %dot_general3A_22 {dimension_numbers = #tpu.dot_dimension_numbers<[1], [0], [0], [1], [0, 0, 1, 1], [], []>, transpose_lhs_hint = false} : vector<5000x64xbf16>, vector<64x64xbf16>, vector<5000x64xf32> -> vector<5000x64xf32>
    %get3A_24 = arith.constant 0 : index
    %get3A_25 = arith.constant 0 : index
    %get3A_26 = vector.load %arg6[%get3A_24, %get3A_25] : memref<1x64xf32, #tpu.memory_space<vmem>>, vector<1x64xf32>
    %add3A_27 = vector.broadcast %get3A_26 : vector<1x64xf32> to vector<5000x64xf32>
    %add3A_28 = arith.addf %dot_general3A_23, %add3A_27 : vector<5000x64xf32>
    %max3A_29 = arith.constant 0.000000e+00 : f32
    %max3A_30 = vector.broadcast %max3A_29 : f32 to vector<5000x64xf32>
    %max3A_31 = arith.maximumf %add3A_28, %max3A_30 : vector<5000x64xf32>
    %slice3A = vector.extract_strided_slice %max3A_31 {offsets = [0, 0], sizes = [5000, 32], strides = [1, 1]} : vector<5000x64xf32> to vector<5000x32xf32>
    %swap3A = arith.constant 0 : index
    %swap3A_32 = arith.constant 0 : index
    %swap3A_33 = vector.load %arg7[%swap3A, %swap3A_32] : memref<5000x32xf32, #tpu.memory_space<vmem>>, vector<5000x32xf32>
    tpu.vector_store %arg7[%swap3A, %swap3A_32], %slice3A {strides = array<i32>} : memref<5000x32xf32, #tpu.memory_space<vmem>>, vector<5000x32xf32>,
    %slice3A_34 = vector.extract_strided_slice %max3A_31 {offsets = [0, 32], sizes = [5000, 32], strides = [1, 1]} : vector<5000x64xf32> to vector<5000x32xf32>
    %swap3A_35 = arith.constant 0 : index
    %swap3A_36 = arith.constant 0 : index
    %swap3A_37 = vector.load %arg8[%swap3A_35, %swap3A_36] : memref<5000x32xf32, #tpu.memory_space<vmem>>, vector<5000x32xf32>
    tpu.vector_store %arg8[%swap3A_35, %swap3A_36], %slice3A_34 {strides = array<i32>} : memref<5000x32xf32, #tpu.memory_space<vmem>>, vector<5000x32xf32>,
    return
  }
  func.func @transform_0(%arg0: i32) -> (i32, i32) {
    %c0_i32 = arith.constant 0 : i32
    %c0_i32_0 = arith.constant 0 : i32
    return %arg0, %c0_i32 : i32, i32
  }
  func.func @transform_1(%arg0: i32) -> (i32, i32) {
    %c0_i32 = arith.constant 0 : i32
    %c0_i32_0 = arith.constant 0 : i32
    return %arg0, %c0_i32 : i32, i32
  }
  func.func @transform_2(%arg0: i32) -> (i32, i32) {
    %c0_i32 = arith.constant 0 : i32
    %c0_i32_0 = arith.constant 0 : i32
    %c0_i32_1 = arith.constant 0 : i32
    return %c0_i32, %c0_i32_0 : i32, i32
  }
  func.func @transform_3(%arg0: i32) -> (i32, i32) {
    %c0_i32 = arith.constant 0 : i32
    %c0_i32_0 = arith.constant 0 : i32
    %c0_i32_1 = arith.constant 0 : i32
    return %c0_i32, %c0_i32_0 : i32, i32
  }
  func.func @transform_4(%arg0: i32) -> (i32, i32) {
    %c0_i32 = arith.constant 0 : i32
    %c0_i32_0 = arith.constant 0 : i32
    %c0_i32_1 = arith.constant 0 : i32
    return %c0_i32, %c0_i32_0 : i32, i32
  }
  func.func @transform_5(%arg0: i32) -> (i32, i32) {
    %c0_i32 = arith.constant 0 : i32
    %c0_i32_0 = arith.constant 0 : i32
    %c0_i32_1 = arith.constant 0 : i32
    return %c0_i32, %c0_i32_0 : i32, i32
  }
  func.func @transform_6(%arg0: i32) -> (i32, i32) {
    %c0_i32 = arith.constant 0 : i32
    %c0_i32_0 = arith.constant 0 : i32
    return %arg0, %c0_i32 : i32, i32
  }
  func.func @transform_7(%arg0: i32) -> (i32, i32) {
    %c0_i32 = arith.constant 0 : i32
    %c0_i32_0 = arith.constant 0 : i32
    return %arg0, %c0_i32 : i32, i32
  }
}

module attributes {stable_mosaic.version = 14 : i64} {
  func.func @body(%arg0: i32, %arg1: memref<5000x64xf32, #tpu.memory_space<vmem>>, %arg2: memref<5000x32xf32, #tpu.memory_space<vmem>>, %arg3: memref<5000x32xf32, #tpu.memory_space<vmem>>, %arg4: memref<64x64xf32, #tpu.memory_space<vmem>>, %arg5: memref<32x64xf32, #tpu.memory_space<vmem>>, %arg6: memref<32x64xf32, #tpu.memory_space<vmem>>, %arg7: memref<1x64xf32, #tpu.memory_space<vmem>>, %arg8: memref<5000x64xf32, #tpu.memory_space<vmem>>) attributes {dimension_semantics = [#tpu.dimension_semantics<arbitrary>], iteration_bounds = array<i64: 10>, scalar_prefetch = 0 : i64, scratch_operands = 0 : i64, tpu.core_type = #tpu.core_type<tc>, window_params = [{transform_indices = @transform_0, window_bounds = array<i64: 5000, 64>}, {transform_indices = @transform_1, window_bounds = array<i64: 5000, 32>}, {transform_indices = @transform_2, window_bounds = array<i64: 5000, 32>}, {pipeline_mode = #tpu.pipeline_mode<synchronous>, transform_indices = @transform_3, window_bounds = array<i64: 64, 64>}, {pipeline_mode = #tpu.pipeline_mode<synchronous>, transform_indices = @transform_4, window_bounds = array<i64: 32, 64>}, {pipeline_mode = #tpu.pipeline_mode<synchronous>, transform_indices = @transform_5, window_bounds = array<i64: 32, 64>}, {pipeline_mode = #tpu.pipeline_mode<synchronous>, transform_indices = @transform_6, window_bounds = array<i64: 1, 64>}, {transform_indices = @transform_7, window_bounds = array<i64: 5000, 64>}]} {
    %get3A = arith.constant 0 : index
    %get3A_0 = arith.constant 0 : index
    %get3A_1 = vector.load %arg1[%get3A, %get3A_0] : memref<5000x64xf32, #tpu.memory_space<vmem>>, vector<5000x64xf32>
    %get3A_2 = arith.constant 0 : index
    %get3A_3 = arith.constant 0 : index
    %get3A_4 = vector.load %arg4[%get3A_2, %get3A_3] : memref<64x64xf32, #tpu.memory_space<vmem>>, vector<64x64xf32>
    %convert_element_type3A = arith.truncf %get3A_1 : vector<5000x64xf32> to vector<5000x64xbf16>
    %convert_element_type3A_5 = arith.truncf %get3A_4 : vector<64x64xf32> to vector<64x64xbf16>
    %dot_general3A = arith.constant dense<0.000000e+00> : vector<5000x64xf32>
    %dot_general3A_6 = tpu.matmul %convert_element_type3A, %convert_element_type3A_5, %dot_general3A {dimension_numbers = #tpu.dot_dimension_numbers<[1], [0], [0], [1], [0, 0, 1, 1], [], []>, transpose_lhs_hint = false} : vector<5000x64xbf16>, vector<64x64xbf16>, vector<5000x64xf32> -> vector<5000x64xf32>
    %get3A_7 = arith.constant 0 : index
    %get3A_8 = arith.constant 0 : index
    %get3A_9 = vector.load %arg2[%get3A_7, %get3A_8] : memref<5000x32xf32, #tpu.memory_space<vmem>>, vector<5000x32xf32>
    %get3A_10 = arith.constant 0 : index
    %get3A_11 = arith.constant 0 : index
    %get3A_12 = vector.load %arg5[%get3A_10, %get3A_11] : memref<32x64xf32, #tpu.memory_space<vmem>>, vector<32x64xf32>
    %convert_element_type3A_13 = arith.truncf %get3A_9 : vector<5000x32xf32> to vector<5000x32xbf16>
    %convert_element_type3A_14 = arith.truncf %get3A_12 : vector<32x64xf32> to vector<32x64xbf16>
    %dot_general3A_15 = arith.constant dense<0.000000e+00> : vector<5000x64xf32>
    %dot_general3A_16 = tpu.matmul %convert_element_type3A_13, %convert_element_type3A_14, %dot_general3A_15 {dimension_numbers = #tpu.dot_dimension_numbers<[1], [0], [0], [1], [0, 0, 1, 1], [], []>, transpose_lhs_hint = false} : vector<5000x32xbf16>, vector<32x64xbf16>, vector<5000x64xf32> -> vector<5000x64xf32>
    %add3A = arith.addf %dot_general3A_6, %dot_general3A_16 : vector<5000x64xf32>
    %get3A_17 = arith.constant 0 : index
    %get3A_18 = arith.constant 0 : index
    %get3A_19 = vector.load %arg3[%get3A_17, %get3A_18] : memref<5000x32xf32, #tpu.memory_space<vmem>>, vector<5000x32xf32>
    %get3A_20 = arith.constant 0 : index
    %get3A_21 = arith.constant 0 : index
    %get3A_22 = vector.load %arg6[%get3A_20, %get3A_21] : memref<32x64xf32, #tpu.memory_space<vmem>>, vector<32x64xf32>
    %convert_element_type3A_23 = arith.truncf %get3A_19 : vector<5000x32xf32> to vector<5000x32xbf16>
    %convert_element_type3A_24 = arith.truncf %get3A_22 : vector<32x64xf32> to vector<32x64xbf16>
    %dot_general3A_25 = arith.constant dense<0.000000e+00> : vector<5000x64xf32>
    %dot_general3A_26 = tpu.matmul %convert_element_type3A_23, %convert_element_type3A_24, %dot_general3A_25 {dimension_numbers = #tpu.dot_dimension_numbers<[1], [0], [0], [1], [0, 0, 1, 1], [], []>, transpose_lhs_hint = false} : vector<5000x32xbf16>, vector<32x64xbf16>, vector<5000x64xf32> -> vector<5000x64xf32>
    %add3A_27 = arith.addf %add3A, %dot_general3A_26 : vector<5000x64xf32>
    %get3A_28 = arith.constant 0 : index
    %get3A_29 = arith.constant 0 : index
    %get3A_30 = vector.load %arg7[%get3A_28, %get3A_29] : memref<1x64xf32, #tpu.memory_space<vmem>>, vector<1x64xf32>
    %add3A_31 = vector.broadcast %get3A_30 : vector<1x64xf32> to vector<5000x64xf32>
    %add3A_32 = arith.addf %add3A_27, %add3A_31 : vector<5000x64xf32>
    %max3A = arith.constant 0.000000e+00 : f32
    %max3A_33 = vector.broadcast %max3A : f32 to vector<5000x64xf32>
    %max3A_34 = arith.maximumf %add3A_32, %max3A_33 : vector<5000x64xf32>
    %swap3A = arith.constant 0 : index
    %swap3A_35 = arith.constant 0 : index
    %swap3A_36 = vector.load %arg8[%swap3A, %swap3A_35] : memref<5000x64xf32, #tpu.memory_space<vmem>>, vector<5000x64xf32>
    tpu.vector_store %arg8[%swap3A, %swap3A_35], %max3A_34 {strides = array<i32>} : memref<5000x64xf32, #tpu.memory_space<vmem>>, vector<5000x64xf32>,
    return
  }
  func.func @transform_0(%arg0: i32) -> (i32, i32) {
    %c0_i32 = arith.constant 0 : i32
    %c0_i32_0 = arith.constant 0 : i32
    return %arg0, %c0_i32 : i32, i32
  }
  func.func @transform_1(%arg0: i32) -> (i32, i32) {
    %c0_i32 = arith.constant 0 : i32
    %c0_i32_0 = arith.constant 0 : i32
    return %arg0, %c0_i32 : i32, i32
  }
  func.func @transform_2(%arg0: i32) -> (i32, i32) {
    %c0_i32 = arith.constant 0 : i32
    %c0_i32_0 = arith.constant 0 : i32
    return %arg0, %c0_i32 : i32, i32
  }
  func.func @transform_3(%arg0: i32) -> (i32, i32) {
    %c0_i32 = arith.constant 0 : i32
    %c0_i32_0 = arith.constant 0 : i32
    %c0_i32_1 = arith.constant 0 : i32
    return %c0_i32, %c0_i32_0 : i32, i32
  }
  func.func @transform_4(%arg0: i32) -> (i32, i32) {
    %c0_i32 = arith.constant 0 : i32
    %c0_i32_0 = arith.constant 0 : i32
    %c0_i32_1 = arith.constant 0 : i32
    return %c0_i32, %c0_i32_0 : i32, i32
  }
  func.func @transform_5(%arg0: i32) -> (i32, i32) {
    %c0_i32 = arith.constant 0 : i32
    %c0_i32_0 = arith.constant 0 : i32
    %c0_i32_1 = arith.constant 0 : i32
    return %c0_i32, %c0_i32_0 : i32, i32
  }
  func.func @transform_6(%arg0: i32) -> (i32, i32) {
    %c0_i32 = arith.constant 0 : i32
    %c0_i32_0 = arith.constant 0 : i32
    %c0_i32_1 = arith.constant 0 : i32
    return %c0_i32, %c0_i32_0 : i32, i32
  }
  func.func @transform_7(%arg0: i32) -> (i32, i32) {
    %c0_i32 = arith.constant 0 : i32
    %c0_i32_0 = arith.constant 0 : i32
    return %arg0, %c0_i32 : i32, i32
  }
}

module attributes {stable_mosaic.version = 14 : i64} {
  func.func @body(%arg0: i32, %arg1: memref<5000x64xf32, #tpu.memory_space<vmem>>, %arg2: memref<5000x32xf32, #tpu.memory_space<vmem>>, %arg3: memref<5000x32xf32, #tpu.memory_space<vmem>>, %arg4: memref<64x64xf32, #tpu.memory_space<vmem>>, %arg5: memref<32x64xf32, #tpu.memory_space<vmem>>, %arg6: memref<32x64xf32, #tpu.memory_space<vmem>>, %arg7: memref<1x64xf32, #tpu.memory_space<vmem>>, %arg8: memref<64x1xf32, #tpu.memory_space<vmem>>, %arg9: memref<1x1xf32, #tpu.memory_space<vmem>>, %arg10: memref<5000x1xf32, #tpu.memory_space<vmem>>, %arg11: memref<64x128xf32, #tpu.memory_space<vmem>>, %arg12: memref<1x128xf32, #tpu.memory_space<vmem>>, %arg13: memref<5000x1xf32, #tpu.memory_space<vmem>>, %arg14: memref<1x1x128xf32, #tpu.memory_space<vmem>>) attributes {dimension_semantics = [#tpu.dimension_semantics<arbitrary>], iteration_bounds = array<i64: 10>, scalar_prefetch = 0 : i64, scratch_operands = 0 : i64, tpu.core_type = #tpu.core_type<tc>, window_params = [{transform_indices = @transform_0, window_bounds = array<i64: 5000, 64>}, {transform_indices = @transform_1, window_bounds = array<i64: 5000, 32>}, {transform_indices = @transform_2, window_bounds = array<i64: 5000, 32>}, {pipeline_mode = #tpu.pipeline_mode<synchronous>, transform_indices = @transform_3, window_bounds = array<i64: 64, 64>}, {pipeline_mode = #tpu.pipeline_mode<synchronous>, transform_indices = @transform_4, window_bounds = array<i64: 32, 64>}, {pipeline_mode = #tpu.pipeline_mode<synchronous>, transform_indices = @transform_5, window_bounds = array<i64: 32, 64>}, {pipeline_mode = #tpu.pipeline_mode<synchronous>, transform_indices = @transform_6, window_bounds = array<i64: 1, 64>}, {pipeline_mode = #tpu.pipeline_mode<synchronous>, transform_indices = @transform_7, window_bounds = array<i64: 64, 1>}, {pipeline_mode = #tpu.pipeline_mode<synchronous>, transform_indices = @transform_8, window_bounds = array<i64: 1, 1>}, {transform_indices = @transform_9, window_bounds = array<i64: 5000, 1>}, {pipeline_mode = #tpu.pipeline_mode<synchronous>, transform_indices = @transform_10, window_bounds = array<i64: 64, 128>}, {pipeline_mode = #tpu.pipeline_mode<synchronous>, transform_indices = @transform_11, window_bounds = array<i64: 1, 128>}, {transform_indices = @transform_12, window_bounds = array<i64: 5000, 1>}, {transform_indices = @transform_13, window_bounds = array<i64: 1, 1, 128>}]} {
    %get3A = arith.constant 0 : index
    %get3A_0 = arith.constant 0 : index
    %get3A_1 = vector.load %arg1[%get3A, %get3A_0] : memref<5000x64xf32, #tpu.memory_space<vmem>>, vector<5000x64xf32>
    %get3A_2 = arith.constant 0 : index
    %get3A_3 = arith.constant 0 : index
    %get3A_4 = vector.load %arg4[%get3A_2, %get3A_3] : memref<64x64xf32, #tpu.memory_space<vmem>>, vector<64x64xf32>
    %convert_element_type3A = arith.truncf %get3A_1 : vector<5000x64xf32> to vector<5000x64xbf16>
    %convert_element_type3A_5 = arith.truncf %get3A_4 : vector<64x64xf32> to vector<64x64xbf16>
    %dot_general3A = arith.constant dense<0.000000e+00> : vector<5000x64xf32>
    %dot_general3A_6 = tpu.matmul %convert_element_type3A, %convert_element_type3A_5, %dot_general3A {dimension_numbers = #tpu.dot_dimension_numbers<[1], [0], [0], [1], [0, 0, 1, 1], [], []>, transpose_lhs_hint = false} : vector<5000x64xbf16>, vector<64x64xbf16>, vector<5000x64xf32> -> vector<5000x64xf32>
    %get3A_7 = arith.constant 0 : index
    %get3A_8 = arith.constant 0 : index
    %get3A_9 = vector.load %arg2[%get3A_7, %get3A_8] : memref<5000x32xf32, #tpu.memory_space<vmem>>, vector<5000x32xf32>
    %get3A_10 = arith.constant 0 : index
    %get3A_11 = arith.constant 0 : index
    %get3A_12 = vector.load %arg5[%get3A_10, %get3A_11] : memref<32x64xf32, #tpu.memory_space<vmem>>, vector<32x64xf32>
    %convert_element_type3A_13 = arith.truncf %get3A_9 : vector<5000x32xf32> to vector<5000x32xbf16>
    %convert_element_type3A_14 = arith.truncf %get3A_12 : vector<32x64xf32> to vector<32x64xbf16>
    %dot_general3A_15 = arith.constant dense<0.000000e+00> : vector<5000x64xf32>
    %dot_general3A_16 = tpu.matmul %convert_element_type3A_13, %convert_element_type3A_14, %dot_general3A_15 {dimension_numbers = #tpu.dot_dimension_numbers<[1], [0], [0], [1], [0, 0, 1, 1], [], []>, transpose_lhs_hint = false} : vector<5000x32xbf16>, vector<32x64xbf16>, vector<5000x64xf32> -> vector<5000x64xf32>
    %add3A = arith.addf %dot_general3A_6, %dot_general3A_16 : vector<5000x64xf32>
    %get3A_17 = arith.constant 0 : index
    %get3A_18 = arith.constant 0 : index
    %get3A_19 = vector.load %arg3[%get3A_17, %get3A_18] : memref<5000x32xf32, #tpu.memory_space<vmem>>, vector<5000x32xf32>
    %get3A_20 = arith.constant 0 : index
    %get3A_21 = arith.constant 0 : index
    %get3A_22 = vector.load %arg6[%get3A_20, %get3A_21] : memref<32x64xf32, #tpu.memory_space<vmem>>, vector<32x64xf32>
    %convert_element_type3A_23 = arith.truncf %get3A_19 : vector<5000x32xf32> to vector<5000x32xbf16>
    %convert_element_type3A_24 = arith.truncf %get3A_22 : vector<32x64xf32> to vector<32x64xbf16>
    %dot_general3A_25 = arith.constant dense<0.000000e+00> : vector<5000x64xf32>
    %dot_general3A_26 = tpu.matmul %convert_element_type3A_23, %convert_element_type3A_24, %dot_general3A_25 {dimension_numbers = #tpu.dot_dimension_numbers<[1], [0], [0], [1], [0, 0, 1, 1], [], []>, transpose_lhs_hint = false} : vector<5000x32xbf16>, vector<32x64xbf16>, vector<5000x64xf32> -> vector<5000x64xf32>
    %add3A_27 = arith.addf %add3A, %dot_general3A_26 : vector<5000x64xf32>
    %get3A_28 = arith.constant 0 : index
    %get3A_29 = arith.constant 0 : index
    %get3A_30 = vector.load %arg7[%get3A_28, %get3A_29] : memref<1x64xf32, #tpu.memory_space<vmem>>, vector<1x64xf32>
    %add3A_31 = vector.broadcast %get3A_30 : vector<1x64xf32> to vector<5000x64xf32>
    %add3A_32 = arith.addf %add3A_27, %add3A_31 : vector<5000x64xf32>
    %max3A = arith.constant 0.000000e+00 : f32
    %max3A_33 = vector.broadcast %max3A : f32 to vector<5000x64xf32>
    %max3A_34 = arith.maximumf %add3A_32, %max3A_33 : vector<5000x64xf32>
    %get3A_35 = arith.constant 0 : index
    %get3A_36 = arith.constant 0 : index
    %get3A_37 = vector.load %arg8[%get3A_35, %get3A_36] : memref<64x1xf32, #tpu.memory_space<vmem>>, vector<64x1xf32>
    %convert_element_type3A_38 = arith.truncf %max3A_34 : vector<5000x64xf32> to vector<5000x64xbf16>
    %convert_element_type3A_39 = arith.truncf %get3A_37 : vector<64x1xf32> to vector<64x1xbf16>
    %dot_general3A_40 = arith.constant dense<0.000000e+00> : vector<5000x1xf32>
    %dot_general3A_41 = tpu.matmul %convert_element_type3A_38, %convert_element_type3A_39, %dot_general3A_40 {dimension_numbers = #tpu.dot_dimension_numbers<[1], [0], [0], [1], [0, 0, 1, 1], [], []>, transpose_lhs_hint = false} : vector<5000x64xbf16>, vector<64x1xbf16>, vector<5000x1xf32> -> vector<5000x1xf32>
    %get3A_42 = arith.constant 0 : index
    %get3A_43 = arith.constant 0 : index
    %get3A_44 = vector.load %arg9[%get3A_42, %get3A_43] : memref<1x1xf32, #tpu.memory_space<vmem>>, vector<1x1xf32>
    %add3A_45 = vector.broadcast %get3A_44 : vector<1x1xf32> to vector<5000x1xf32>
    %add3A_46 = arith.addf %dot_general3A_41, %add3A_45 : vector<5000x1xf32>
    %get3A_47 = arith.constant 0 : index
    %get3A_48 = arith.constant 0 : index
    %get3A_49 = vector.load %arg10[%get3A_47, %get3A_48] : memref<5000x1xf32, #tpu.memory_space<vmem>>, vector<5000x1xf32>
    %gt3A = arith.constant 0.000000e+00 : f32
    %gt3A_50 = vector.broadcast %gt3A : f32 to vector<5000x1xf32>
    %gt3A_51 = arith.cmpf ogt, %get3A_49, %gt3A_50 : vector<5000x1xf32>
    %jit3A = arith.constant -1.000000e+09 : f32
    %broadcast_in_dim3A = vector.broadcast %jit3A : f32 to vector<5000x1xf32>
    %select_n3A = arith.select %gt3A_51, %add3A_46, %broadcast_in_dim3A : vector<5000x1xi1>, vector<5000x1xf32>
    %swap3A = arith.constant 0 : index
    %swap3A_52 = arith.constant 0 : index
    %swap3A_53 = vector.load %arg13[%swap3A, %swap3A_52] : memref<5000x1xf32, #tpu.memory_space<vmem>>, vector<5000x1xf32>
    tpu.vector_store %arg13[%swap3A, %swap3A_52], %select_n3A {strides = array<i32>} : memref<5000x1xf32, #tpu.memory_space<vmem>>, vector<5000x1xf32>,
    %reduce_sum3A = arith.constant dense<0.000000e+00> : vector<64xf32>
    %reduce_sum3A_54 = vector.multi_reduction <add>, %max3A_34, %reduce_sum3A [0] : vector<5000x64xf32> to vector<64xf32>
    %broadcast_in_dim3A_55 = vector.shape_cast %reduce_sum3A_54 : vector<64xf32> to vector<1x64xf32>
    %mul3A = arith.constant 2.000000e-04 : f32
    %mul3A_56 = vector.broadcast %mul3A : f32 to vector<1x64xf32>
    %mul3A_57 = arith.mulf %broadcast_in_dim3A_55, %mul3A_56 : vector<1x64xf32>
    %get3A_58 = arith.constant 0 : index
    %get3A_59 = arith.constant 0 : index
    %get3A_60 = vector.load %arg11[%get3A_58, %get3A_59] : memref<64x128xf32, #tpu.memory_space<vmem>>, vector<64x128xf32>
    %convert_element_type3A_61 = arith.truncf %mul3A_57 : vector<1x64xf32> to vector<1x64xbf16>
    %convert_element_type3A_62 = arith.truncf %get3A_60 : vector<64x128xf32> to vector<64x128xbf16>
    %dot_general3A_63 = arith.constant dense<0.000000e+00> : vector<1x128xf32>
    %dot_general3A_64 = tpu.matmul %convert_element_type3A_61, %convert_element_type3A_62, %dot_general3A_63 {dimension_numbers = #tpu.dot_dimension_numbers<[1], [0], [0], [1], [0, 0, 1, 1], [], []>, transpose_lhs_hint = false} : vector<1x64xbf16>, vector<64x128xbf16>, vector<1x128xf32> -> vector<1x128xf32>
    %get3A_65 = arith.constant 0 : index
    %get3A_66 = arith.constant 0 : index
    %get3A_67 = vector.load %arg12[%get3A_65, %get3A_66] : memref<1x128xf32, #tpu.memory_space<vmem>>, vector<1x128xf32>
    %add3A_68 = arith.addf %dot_general3A_64, %get3A_67 : vector<1x128xf32>
    %broadcast_in_dim3A_69 = vector.shape_cast %add3A_68 : vector<1x128xf32> to vector<1x1x128xf32>
    %swap3A_70 = arith.constant 0 : index
    %swap3A_71 = arith.constant 0 : index
    %swap3A_72 = arith.constant 0 : index
    %swap3A_73 = vector.load %arg14[%swap3A_70, %swap3A_71, %swap3A_72] : memref<1x1x128xf32, #tpu.memory_space<vmem>>, vector<1x1x128xf32>
    tpu.vector_store %arg14[%swap3A_70, %swap3A_71, %swap3A_72], %broadcast_in_dim3A_69 {strides = array<i32>} : memref<1x1x128xf32, #tpu.memory_space<vmem>>, vector<1x1x128xf32>,
    return
  }
  func.func @transform_0(%arg0: i32) -> (i32, i32) {
    %c0_i32 = arith.constant 0 : i32
    %c0_i32_0 = arith.constant 0 : i32
    return %arg0, %c0_i32 : i32, i32
  }
  func.func @transform_1(%arg0: i32) -> (i32, i32) {
    %c0_i32 = arith.constant 0 : i32
    %c0_i32_0 = arith.constant 0 : i32
    return %arg0, %c0_i32 : i32, i32
  }
  func.func @transform_2(%arg0: i32) -> (i32, i32) {
    %c0_i32 = arith.constant 0 : i32
    %c0_i32_0 = arith.constant 0 : i32
    return %arg0, %c0_i32 : i32, i32
  }
  func.func @transform_3(%arg0: i32) -> (i32, i32) {
    %c0_i32 = arith.constant 0 : i32
    %c0_i32_0 = arith.constant 0 : i32
    %c0_i32_1 = arith.constant 0 : i32
    return %c0_i32, %c0_i32_0 : i32, i32
  }
  func.func @transform_4(%arg0: i32) -> (i32, i32) {
    %c0_i32 = arith.constant 0 : i32
    %c0_i32_0 = arith.constant 0 : i32
    %c0_i32_1 = arith.constant 0 : i32
    return %c0_i32, %c0_i32_0 : i32, i32
  }
  func.func @transform_5(%arg0: i32) -> (i32, i32) {
    %c0_i32 = arith.constant 0 : i32
    %c0_i32_0 = arith.constant 0 : i32
    %c0_i32_1 = arith.constant 0 : i32
    return %c0_i32, %c0_i32_0 : i32, i32
  }
  func.func @transform_6(%arg0: i32) -> (i32, i32) {
    %c0_i32 = arith.constant 0 : i32
    %c0_i32_0 = arith.constant 0 : i32
    %c0_i32_1 = arith.constant 0 : i32
    return %c0_i32, %c0_i32_0 : i32, i32
  }
  func.func @transform_7(%arg0: i32) -> (i32, i32) {
    %c0_i32 = arith.constant 0 : i32
    %c0_i32_0 = arith.constant 0 : i32
    %c0_i32_1 = arith.constant 0 : i32
    return %c0_i32, %c0_i32_0 : i32, i32
  }
  func.func @transform_8(%arg0: i32) -> (i32, i32) {
    %c0_i32 = arith.constant 0 : i32
    %c0_i32_0 = arith.constant 0 : i32
    %c0_i32_1 = arith.constant 0 : i32
    return %c0_i32, %c0_i32_0 : i32, i32
  }
  func.func @transform_9(%arg0: i32) -> (i32, i32) {
    %c0_i32 = arith.constant 0 : i32
    %c0_i32_0 = arith.constant 0 : i32
    return %arg0, %c0_i32 : i32, i32
  }
  func.func @transform_10(%arg0: i32) -> (i32, i32) {
    %c0_i32 = arith.constant 0 : i32
    %c0_i32_0 = arith.constant 0 : i32
    %c0_i32_1 = arith.constant 0 : i32
    return %c0_i32, %c0_i32_0 : i32, i32
  }
  func.func @transform_11(%arg0: i32) -> (i32, i32) {
    %c0_i32 = arith.constant 0 : i32
    %c0_i32_0 = arith.constant 0 : i32
    %c0_i32_1 = arith.constant 0 : i32
    return %c0_i32, %c0_i32_0 : i32, i32
  }
  func.func @transform_12(%arg0: i32) -> (i32, i32) {
    %c0_i32 = arith.constant 0 : i32
    %c0_i32_0 = arith.constant 0 : i32
    return %arg0, %c0_i32 : i32, i32
  }
  func.func @transform_13(%arg0: i32) -> (i32, i32, i32) {
    %c0_i32 = arith.constant 0 : i32
    %c0_i32_0 = arith.constant 0 : i32
    %c0_i32_1 = arith.constant 0 : i32
    return %arg0, %c0_i32, %c0_i32_0 : i32, i32, i32
  }
}

</mosaic_0001>

<sc_bundles>
// kernel: kernel.11.cloned.1.call-start
scs
__scs_entry_jumppad:
0x0: {  	(pc) =	sbr.rel $0x88, $3  }
0x1: {  	(tag) =	ssettag $0x0;
	lr =	simm.s32 $0x1  }
0x2: {  	[smem:$0x3F8B] =	sst lr;
	_ =	strace $0xD0000000  }
0x3: {  	_ = 	snop  }
0x4: {  	_ = 	snop  }
0x5: {  	_ = 	snop  }
0x6: {  	_ = 	snop  }
0x7: {  	_ = 	snop  }
__scs_overlays_trampoline_lowered:
0x8: {  	[smem:$0x3F9A] =	sst s0  }
0x9: {  	[smem:$0x3F9B] =	sst s1  }
0xa: {  	[smem:$0x3F9C] =	sst s2  }
0xb: {  	[smem:$0x3F9D] =	sst s3  }
0xc: {  	[smem:$0x3F9E] =	sst s4  }
0xd: {  	[smem:$0x3F9F] =	sst s5  }
0xe: {  	[smem:$0x3FA0] =	sst s6  }
0xf: {  	[smem:$0x3FA1] =	sst s7  }
0x10: {  	[smem:$0x3FA2] =	sst s8  }
0x11: {  	[smem:$0x3FA3] =	sst s9;
	s0 =	simm.s32 @!p0 $0x0  }
0x12: {  	s1 =	sld [smem:$0x3F89];
	s0 =	simm.s32 @p0 $0x1  }
0x13: {  	[smem:$0x3FA4] =	sst s0;
	s0 =	simm.s32 @!p1 $0x0  }
0x14: {  	s2 =	sld [smem:$0x3F88];
	s0 =	simm.s32 @p1 $0x1  }
0x15: {  	[smem:$0x3FA5] =	sst s0;
	s0 =	simm.s32 @!p2 $0x0  }
0x16: {  	s3 =	sld [smem:$0x3FDB];
	s0 =	simm.s32 @p2 $0x1  }
0x17: {  	s4 =	simm.s32 $0x1BF5;
	[smem:$0x3FA7] =	sst s0  }
0x18: {  	s0 =	sld [smem:$0x3F8A];
	_ =	swait.ge [sflag:s4], $0x0  }
0x19: {  	s7 =	sld [smem:$0x3F8B]  }
0x1a: {  	s8 =	sadd.s32 $0xFFFFE003, lr  }
0x1b: {  	s9 =	sadd.s32 $0xFFFFFEF7, lr;
	s5 =	simm.s32 $0xFFFFFFFF;
	p2 =	slt.u32 s8, $0xFFFFF086  }
0x1c: {  	p1 =	slt.u32 s9, $0xF7A;
	s5 =	simm.s32 @!p2 $0x0  }
0x1d: {  	s5 =	simm.s32 @p1 $0x1;
	p0 =	seq.s32 s7, s2  }
0x1e: {  	s7 =	smul.u32 @!p0 $0xF7A, s2;
	p2 =	seq.s32 @!p0 s5, $0x0  }
0x1f: {  	s9 =	smul.u32 $0xF7A, s1;
	s8 =	simm.s32 @!p0 $0x1BF5;
	p2 =	por !p2, p0  }
0x20: {  	[sflag:s8] =	ssyncset.s32 @!p0 $0xFFFFF086;
	s6 =	sadd.s32 @!p0 s3, s7;
	s7 =	simm.s32 @!p0 $0x108  }
0x21: {  	s3 =	sadd.s32 s3, s9;
	s6 =	sadd.s32 @!p0 $0x88, s6;
	s7 =	simm.s32 @p2 $0x1082  }
0x22: {  	[simem:s7], [sflag:s8] =	dma.local @!p0 [hbm:s6], $0xF7A  }
0x23: {  	s9 =	sor.u32 $0xD0000000, s2;
	s6 =	simm.s32 $0x108;
	_ =	swait.ge @!p0 [sflag:s8], $0x0  }
0x24: {  	s3 =	sadd.s32 $0x88, s3;
	s6 =	simm.s32 @!p1 $0x1082;
	[sflag:s4] =	ssyncset.s32 $0xFFFFF086  }
0x25: {  	[simem:s6], [sflag:s4] =	dma.local [hbm:s3], $0xF7A  }
0x26: {  	[smem:$0x3F8B] =	sst s1;
	(tag) =	ssettag s2;
	_ =	strace s9  }
0x27: {  	s1 =	sld [smem:$0x3F9B]  }
0x28: {  	s2 =	sld [smem:$0x3F9C]  }
0x29: {  	s4 =	sld [smem:$0x3F9E]  }
0x2a: {  	p0 =	seq.s32 s5, $0x0;
	s5 =	sld [smem:$0x3F9F]  }
0x2b: {  	s6 =	sld [smem:$0x3FA0]  }
0x2c: {  	s7 =	sld [smem:$0x3FA1]  }
0x2d: {  	s3 =	simm.s32 $0x108;
	s8 =	sld [smem:$0x3FA2]  }
0x2e: {  	s3 =	simm.s32 @!p0 $0x1082;
	s9 =	sld [smem:$0x3FA3]  }
0x2f: {  	lr =	sadd.s32 s0, s3;
	s0 =	sld [smem:$0x3F9A]  }
0x30: {  	s3 =	sld [smem:$0x3F9D]  }
0x31: {  	[smem:$0x3FA6] =	sst s10  }
0x32: {  	s10 =	sld [smem:$0x3FA4];
	_ =	sdelay $0x3  }
0x33: {  	p0 =	seq.s32 s10, $0x1;
	s10 =	sld [smem:$0x3FA6];
	_ =	sdelay $0x3  }
0x34: {  	[smem:$0x3FA6] =	sst s10  }
0x35: {  	s10 =	sld [smem:$0x3FA5];
	_ =	sdelay $0x3  }
0x36: {  	p1 =	seq.s32 s10, $0x1;
	s10 =	sld [smem:$0x3FA6];
	_ =	sdelay $0x3  }
0x37: {  	[smem:$0x3FA6] =	sst s10  }
0x38: {  	s10 =	sld [smem:$0x3FA7]  }
0x39: {  	_ = 	snop;
	(pc) =	sbr.ind lr, $3  }
0x3a: {  	_ = 	snop  }
0x3b: {  	_ = 	snop  }
0x3c: {  	p2 =	seq.s32 s10, $0x1;
	s10 =	sld [smem:$0x3FA6]  }
0x3d: {  	_ =	shalt  }
0x3e: {  	_ =	shalt  }
0x3f: {  	_ =	shalt  }
0x40: {  	_ =	shalt  }
0x41: {  	_ =	shalt  }
0x42: {  	_ =	shalt  }
0x43: {  	_ =	shalt  }
0x44: {  	_ =	shalt  }
0x45: {  	_ =	shalt  }
0x46: {  	_ =	shalt  }
0x47: {  	_ =	shalt  }
0x48: {  	_ =	shalt  }
0x49: {  	_ =	shalt  }
0x4a: {  	_ =	shalt  }
0x4b: {  	_ =	shalt  }
0x4c: {  	_ =	shalt  }
0x4d: {  	_ =	shalt  }
0x4e: {  	_ =	shalt  }
0x4f: {  	_ =	shalt  }
0x50: {  	_ =	shalt  }
0x51: {  	_ =	shalt  }
0x52: {  	_ =	shalt  }
0x53: {  	_ =	shalt  }
0x54: {  	_ =	shalt  }
0x55: {  	_ =	shalt  }
0x56: {  	_ =	shalt  }
0x57: {  	_ =	shalt  }
0x58: {  	_ =	shalt  }
0x59: {  	_ =	shalt  }
0x5a: {  	_ =	shalt  }
0x5b: {  	_ =	shalt  }
0x5c: {  	_ =	shalt  }
0x5d: {  	_ =	shalt  }
0x5e: {  	_ =	shalt  }
0x5f: {  	_ =	shalt  }
0x60: {  	_ =	shalt  }
0x61: {  	_ =	shalt  }
0x62: {  	_ =	shalt  }
0x63: {  	_ =	shalt  }
0x64: {  	_ =	shalt  }
0x65: {  	_ =	shalt  }
0x66: {  	_ =	shalt  }
0x67: {  	_ =	shalt  }
0x68: {  	_ =	shalt  }
0x69: {  	_ =	shalt  }
0x6a: {  	_ =	shalt  }
0x6b: {  	_ =	shalt  }
0x6c: {  	_ =	shalt  }
0x6d: {  	_ =	shalt  }
0x6e: {  	_ =	shalt  }
0x6f: {  	_ =	shalt  }
0x70: {  	_ =	shalt  }
0x71: {  	_ =	shalt  }
0x72: {  	_ =	shalt  }
0x73: {  	_ =	shalt  }
0x74: {  	_ =	shalt  }
0x75: {  	_ =	shalt  }
0x76: {  	_ =	shalt  }
0x77: {  	_ =	shalt  }
0x78: {  	_ =	shalt  }
0x79: {  	_ =	shalt  }
0x7a: {  	_ =	shalt  }
0x7b: {  	_ =	shalt  }
0x7c: {  	_ =	shalt  }
0x7d: {  	_ =	shalt  }
0x7e: {  	_ =	shalt  }
0x7f: {  	_ =	shalt  }
0x80: {  	_ =	shalt  }
0x81: {  	_ =	shalt  }
0x82: {  	_ =	shalt  }
0x83: {  	_ =	shalt  }
0x84: {  	_ =	shalt  }
0x85: {  	_ =	shalt  }
0x86: {  	_ =	shalt  }
0x87: {  	_ =	shalt  }
.Lfunc_end0:
.L_simem_size_0:
called_computation_lowered:
.L_overlay_start_0:
0x88: {  	s2 =	sld [smem:$0x3FD9]  }
0x89: {  	s3 =	sld [smem:$0x3FFE];
	_ =	sdelay $0x1  }
0x8a: {  	s1 =	srdreg.scid  }
0x8b: {  	s0 =	sand.u32 $0x1, s1  }
0x8c: {  	s16 =	sshll.u32 s0, $0xA;
	s2 =	sadd.s32 s3, s2  }
0x8d: {  	s2 =	sadd.s32 s2, s16  }
0x8e: {  	[smem:$0x3FB2] =	sst s2  }
0x8f: {  	_ = 	snop  }
0x90: {  	(tm) =	ssettm $0x1  }
0x91: {  	s17 =	sld [smem:$0x3FFB];
	_ =	sdelay $0x3  }
0x92: {  	_ =	strace s17  }
0x93: {  	s2 =	sld [smem:$0x3FFC];
	_ =	sdelay $0x3  }
0x94: {  	_ =	strace s2  }
0x95: {  	s2 =	sld [smem:$0x3FFD];
	_ =	sdelay $0x3  }
0x96: {  	_ =	strace s2  }
0x97: {  	_ =	strace $0x8FFFFFFF  }
0x98: {  	s18 =	sld [smem:$0x3FDB];
	_ =	sdelay $0x1  }
0x99: {  	s19 =	simm.s32 $_scs_section_size  }
0x9a: {  	s4 =	simm.s32 $_size__tile_overlayer_lowered;
	s5 =	simm.s32 $_tile_overlayer_lowered  }
0x9b: {  	s22 =	simm.s32 $0x1BFF;
	s21 =	sshll.u32 s5, $0x1;
	s2 =	sadd.s32 s19, s18  }
0x9c: {  	s6 =	simm.s32 $0x0;
	s20 =	sshll.u32 s4, $0x1;
	s4 =	sadd.s32 s21, s2  }
0x9d: {  	[timem:s6], [sflag:s22] =	dma.local [hbm:s4], s20  }
0x9e: {  	_ =	swait.ge [sflag:s22], s20  }
0x9f: {  	s3 =	ssub.s32 $0x0, s20;
	[sflag:s22] =	ssyncset.done $0x0  }
0xa0: {  	[sflag:s22] =	ssyncadd.s32 s3;
	_ =	sdelay $0x1  }
0xa1: {  	s23 =	simm.s32 $0x1B8B  }
0xa2: {  	_ =	swait.ge [sflag:s23], $0x1  }
0xa3: {  	[sflag:s23] =	ssyncset.done $0x0  }
0xa4: {  	s25 =	simm.s32 $0x1B8E;
	s24 =	sld [smem:$0x3FFE];
	[sflag:s23] =	ssyncadd.s32 $0xFFFFFFFF  }
0xa5: {  	s26 =	simm.s32 $execute0_lowered;
	[smem:$0x3FD2] =	sst s25  }
0xa6: {  	s4 =	sshll.u32 s26, $0x1;
	_ =	strace $0x80000046;
	[dreg:$0x1] =	wrdreg $0xFFFFFFFF  }
0xa7: {  	s28 =	simm.s32 $_size_execute0_lowered;
	s2 =	sadd.s32 s2, s4;
	[dreg:$0x0] =	wrdreg $0x0  }
0xa8: {  	s4 =	sshll.u32 s28, $0x1;
	[dreg:$0x2] =	wrdreg s2  }
0xa9: {  	[dreg:$0x3] =	wrdreg s4  }
0xaa: {  	[dreg:$0x4] =	wrdreg $0xC0  }
0xab: {  	_ =	task [dreg:s6], $0x5FFFF  }
0xac: {  	[dreg:$0x1] =	wrdreg $0xFFFFFFFF  }
0xad: {  	[dreg:$0x0] =	wrdreg $0x60  }
0xae: {  	[dreg:$0x2] =	wrdreg s24  }
0xaf: {  	[dreg:$0x3] =	wrdreg $0x9  }
0xb0: {  	_ =	task.clear_ibuf [dreg:s6], $0x4FFFF;
	_ =	strace $0x90000046  }
0xb1: {  	s29 =	simm.s32 $0x9;
	_ =	strace $0x80000048  }
0xb2: {  	_ =	swait.ge [sflag:s29], $0x1  }
0xb3: {  	[sflag:s29] =	ssyncadd.s32 $0xFFFFFFFF  }
0xb4: {  	_ =	strace $0x90000048  }
0xb5: {  	_ =	sfence  }
0xb6: {  	s30 =	sld [smem:$0x0];
	_ =	sdelay $0x2  }
0xb7: {  	s31 =	sshll.u32 s1, $0xD;
	s1 =	sshrl.u32 s1, $0x2  }
0xb8: {  	s3 =	sand.u32 $0x4000, s31;
	s1 =	sadd.s32 s1, s30  }
0xb9: {  	s0 =	sor.u32 s3, s0;
	s1 =	sshll.u32 s1, $0x11  }
0xba: {  	s0 =	sor.u32 s1, s0  }
0xbb: {  	s0 =	sadd.s32 $0x8F2B, s0  }
0xbc: {  	[sflag:s0] =	ssyncadd.remote.s32 $0x1  }
0xbd: {  	_ =	sfence.sel $0xFFFF  }
0xbe: {  	[dreg:$0x0] =	wrdreg $0xFFFFFFFF;
	(pc) =	sbr.abs _section_cstart, $3  }
0xbf: {  	[dreg:$0x1] =	wrdreg $0xFFFFFFFF  }
0xc0: {  	_ =	task.clear_ibuf [dreg:s6], $0x2FFFF;
	_ =	strace $0x9FFFFFFF  }
0xc1: {  	(tm) =	ssettm $0x7FFFFFFF  }
tec
execute0_lowered:
.L_overlay_start_1:
0x0: {  	(tag) =	ssettag $0x1  }
0x1: {  	s0 =	rddreg [dreg:$0x0];
	s10 =	stileid.u32  }
0x2: {  	s2 =	simm.s32 $0x0;
	s3 =	srdreg.scid;
	s11 =	simm.s32 $0x2500  }
0x3: {  	s12 =	simm.s32 $0x100;
	s13 =	simm.s32 $0x4500;
	s14 =	simm.s32 $0x180  }
0x4: {  	s15 =	simm.s32 $0x6500;
	s16 =	simm.s32 $0x200;
	s17 =	simm.s32 $0x8500  }
0x5: {  	s18 =	simm.s32 $0x280;
	s19 =	simm.s32 $0xA500;
	s20 =	simm.s32 $0x300  }
0x6: {  	s21 =	simm.s32 $0xC500;
	s22 =	simm.s32 $0x380;
	s23 =	simm.s32 $0xE500  }
0x7: {  	s24 =	simm.s32 $0x400;
	s28 =	simm.s32 $0x12500;
	s29 =	simm.s32 $0x1  }
0x8: {  	s30 =	simm.s32 $0x2;
	s31 =	simm.s32 $0x0;
	s1 =	smul.u32 $0x140, s10  }
0x9: {  	[smem:$0x7FF] =	sst s2;
	s4 =	smul.u32 $0x5000, s10;
	s5 =	sand.u32 $0x1, s3  }
0xa: {  	s3 =	sadd.s32 $0x4800, s0;
	s26 =	sshll.u32 s10, $0x1;
	s10 =	simm.s32 $0x500  }
0xb: {  	_ =	strace $0x80000047;
	s6 =	ssub.s32 $0x2, s5;
	s7 =	smul.u32 $0xA0, s5  }
0xc: {  	s9 =	smul.u32 $0x2800, s5;
	s1 =	sadd.s32 s1, s0;
	s8 =	sshrl.u32 s6, $0x1  }
.Ltmp0:
0xd: {  	s0 =	sadd.s32 s4, s0;
	s25 =	ssub.s32 s6, s8;
	(pc) =	sbr.rel .LBB2_1-.Ltmp0, $4  }
0xe: {  	s1 =	sadd.s32 s7, s1;
	s0 =	sadd.s32 s9, s0;
	s7 =	sor.u32 s5, s26  }
0xf: {  	s8 =	simm.s32 $0x3;
	s9 =	simm.s32 $0x80;
	s4 =	smax.u32 s25, $0x1  }
0x10: {  	s26 =	simm.s32 $0x480;
	s1 =	sadd.s32 $0xC7E00, s1;
	[dreg:$0x2] =	wrdreg s4  }
0x11: {  	s0 =	sadd.s32 $0x1BC400, s0;
	s25 =	simm.s32 $0x10500;
	[dreg:$0x3] =	wrdreg s1  }
.LBB2_5:
0x12: {  	s31 =	sadd.s32 $0x1, s31;
	s1 =	rddreg [dreg:$0x2]  }
0x13: {  	p0 =	sne.s32 s31, s1  }
.Ltmp1:
0x14: {  	_ = 	snop;
	(pc) =	sbr.rel @!p0 .LBB2_6-.Ltmp1, $1  }
0x15: {  	_ =	sdelay $0x3  }
.LBB2_1:
.Ltmp2:
0x16: {  	(pc) =	sbr.rel .LBB2_2-.Ltmp2, $2  }
0x17: {  	_ =	sdelay $0x2  }
0x18: {  	s6 =	smov.u32 s0;
	s5 =	rddreg [dreg:$0x3];
	s4 =	simm.s32 $0x0  }
.LBB2_4:
0x19: {  	s4 =	sadd.s32 $0x20, s4  }
0x1a: {  	p0 =	sne.s32 s4, $0x280  }
.Ltmp3:
0x1b: {  	_ = 	snop;
	(pc) =	sbr.rel @!p0 .LBB2_5-.Ltmp3, $2  }
0x1c: {  	_ =	sdelay $0x2  }
0x1d: {  	s5 =	sadd.s32 $0x1400, s5;
	s6 =	sadd.s32 $0x50000, s6  }
.LBB2_2:
0x1e: {  	s1 =	sadd.s32 s4, s7  }
0x1f: {  	p0 =	sgt.u32 s1, $0x270  }
.Ltmp4:
0x20: {  	_ = 	snop;
	(pc) =	sbr.rel @p0 .LBB2_4-.Ltmp4, $1  }
0x21: {  	_ =	sdelay $0x3  }
0x22: {  	[tilespmem:s2], [sflag:$0x3] =	stream.linear.gather [hbm4b:s5+s2], $0x500, $0x38;
	[tilespmem:$0x14500] =	vst v63  }
0x23: {  	_ =	swait.ge [sflag:s8], $0x500  }
0x24: {  	[sflag:s8] =	ssyncset.done $0x0  }
0x25: {  	[sflag:s8] =	ssyncadd.s32 $0xFFFFFB00  }
0x26: {  	[tilespmem:s10], [sflag:$0x1] =	stream.indirect.gather [hbm4b:s3+s9], $0x40, s2, s9, $0xb8;
	[tilespmem:$0x14500] =	vst v63  }
0x27: {  	_ = 	snop  }
0x28: {  	[tilespmem:s11], [sflag:$0x1] =	stream.indirect.gather [hbm4b:s3+s9], $0x40, s9, s9, $0xb8;
	[tilespmem:$0x14500] =	vst v63  }
0x29: {  	_ = 	snop  }
0x2a: {  	[tilespmem:s13], [sflag:$0x1] =	stream.indirect.gather [hbm4b:s3+s9], $0x40, s12, s9, $0xb8;
	[tilespmem:$0x14500] =	vst v63  }
0x2b: {  	_ = 	snop  }
0x2c: {  	[tilespmem:s15], [sflag:$0x1] =	stream.indirect.gather [hbm4b:s3+s9], $0x40, s14, s9, $0xb8;
	[tilespmem:$0x14500] =	vst v63  }
0x2d: {  	_ = 	snop  }
0x2e: {  	[tilespmem:s17], [sflag:$0x1] =	stream.indirect.gather [hbm4b:s3+s9], $0x40, s16, s9, $0xb8;
	[tilespmem:$0x14500] =	vst v63  }
0x2f: {  	_ = 	snop  }
0x30: {  	[tilespmem:s19], [sflag:$0x1] =	stream.indirect.gather [hbm4b:s3+s9], $0x40, s18, s9, $0xb8;
	[tilespmem:$0x14500] =	vst v63  }
0x31: {  	_ = 	snop  }
0x32: {  	[tilespmem:s21], [sflag:$0x1] =	stream.indirect.gather [hbm4b:s3+s9], $0x40, s20, s9, $0xb8;
	[tilespmem:$0x14500] =	vst v63  }
0x33: {  	_ = 	snop  }
0x34: {  	[tilespmem:s23], [sflag:$0x1] =	stream.indirect.gather [hbm4b:s3+s9], $0x40, s22, s9, $0xb8;
	[tilespmem:$0x14500] =	vst v63  }
0x35: {  	_ = 	snop  }
0x36: {  	[tilespmem:s25], [sflag:$0x1] =	stream.indirect.gather [hbm4b:s3+s9], $0x40, s24, s9, $0xb8;
	[tilespmem:$0x14500] =	vst v63  }
0x37: {  	_ = 	snop  }
0x38: {  	[tilespmem:s28], [sflag:$0x1] =	stream.indirect.gather [hbm4b:s3+s9], $0x40, s26, s9, $0xb8;
	[tilespmem:$0x14500] =	vst v63  }
0x39: {  	_ =	swait.ge [sflag:s29], $0x2000  }
0x3a: {  	[sflag:s29] =	ssyncset.done $0x0  }
0x3b: {  	[sflag:s29] =	ssyncadd.s32 $0xFFFFE000  }
0x3c: {  	_ =	swait.ge [sflag:s29], $0x2000  }
0x3d: {  	[sflag:s29] =	ssyncset.done $0x0  }
0x3e: {  	[sflag:s29] =	ssyncadd.s32 $0xFFFFE000  }
0x3f: {  	_ =	swait.ge [sflag:s29], $0x2000  }
0x40: {  	[sflag:s29] =	ssyncset.done $0x0  }
0x41: {  	[sflag:s29] =	ssyncadd.s32 $0xFFFFE000  }
0x42: {  	_ =	swait.ge [sflag:s29], $0x2000  }
0x43: {  	[sflag:s29] =	ssyncset.done $0x0  }
0x44: {  	[sflag:s29] =	ssyncadd.s32 $0xFFFFE000  }
0x45: {  	_ =	swait.ge [sflag:s29], $0x2000  }
0x46: {  	[sflag:s29] =	ssyncset.done $0x0  }
0x47: {  	[sflag:s29] =	ssyncadd.s32 $0xFFFFE000  }
0x48: {  	_ =	swait.ge [sflag:s29], $0x2000  }
0x49: {  	[sflag:s29] =	ssyncset.done $0x0  }
0x4a: {  	[sflag:s29] =	ssyncadd.s32 $0xFFFFE000  }
0x4b: {  	_ =	swait.ge [sflag:s29], $0x2000  }
0x4c: {  	[sflag:s29] =	ssyncset.done $0x0  }
0x4d: {  	[sflag:s29] =	ssyncadd.s32 $0xFFFFE000  }
0x4e: {  	_ =	swait.ge [sflag:s29], $0x2000  }
0x4f: {  	[sflag:s29] =	ssyncset.done $0x0  }
0x50: {  	[sflag:s29] =	ssyncadd.s32 $0xFFFFE000  }
0x51: {  	_ =	swait.ge [sflag:s29], $0x2000  }
0x52: {  	[sflag:s29] =	ssyncset.done $0x0  }
0x53: {  	[sflag:s29] =	ssyncadd.s32 $0xFFFFE000  }
0x54: {  	_ =	swait.ge [sflag:s29], $0x2000  }
0x55: {  	[sflag:s29] =	ssyncset.done $0x0  }
.Ltmp5:
0x56: {  	[sflag:s29] =	ssyncadd.s32 $0xFFFFE000;
	(pc) =	sbr.rel .LBB2_4-.Ltmp5, $4  }
0x57: {  	[hbm4b:s6+s2] =	stream.linear.scatter [tilespmem:s10], [sflag:$0x2], $0x14000, $0x38;
	[tilespmem:$0x14500] =	vst v63  }
0x58: {  	_ =	swait.ge [sflag:s30], $0x14000  }
0x59: {  	[sflag:s30] =	ssyncset.done $0x0  }
0x5a: {  	[sflag:s30] =	ssyncadd.s32 $0xFFFEC000  }
.LBB2_6:
0x5b: {  	_ =	sfence.sel $0x180000  }
0x5c: {  	[bflag:$0x0] =	sbarrier.arrive $0xFFFF  }
0x5d: {  	_ =	strace $0x90000047  }
0x5e: {  	s0 =	stileid.u32;
	[bflag:$0x2] =	sbarrier.arrive $0xFFFF  }
0x5f: {  	p0 =	sne.s32 s0, $0x0;
	s0 =	rddreg [dreg:$0x1]  }
0x60: {  	s0 =	sadd.s32 @!p0 $0x100000, s0  }
0x61: {  	[sflag:s0] =	ssyncadd.tile.s32 @!p0 $0x1;
	_ =	shalt  }
.Lfunc_end2:
_tile_overlayer_lowered:
.L_overlay_start_2:
0x62: {  	(tag) =	ssettag $0x2  }
0x63: {  	s0 =	rddreg [dreg:$0x0];
	s2 =	stileid.u32  }
0x64: {  	s1 =	rddreg [dreg:$0x1];
	p0 =	sne.s32 s2, $0x0  }
0x65: {  	s3 =	rddreg [dreg:$0x2];
	[bflag:$0x3] =	sbarrier.arrive $0xFFFF;
	s2 =	simm.s32 @!p0 $0x1C02  }
0x66: {  	[timem:s3], [sflag:s2] =	dma.local @!p0 [hbm:s0], s1  }
0x67: {  	s0 =	simm.s32 @!p0 $0x2  }
0x68: {  	_ =	swait.ge @!p0 [sflag:s0], s1  }
0x69: {  	s1 =	ssub.s32 @!p0 $0x0, s1;
	[sflag:s0] =	ssyncset.done @!p0 $0x0  }
0x6a: {  	[sflag:s0] =	ssyncadd.s32 @!p0 s1  }
0x6b: {  	[bflag:$0x3] =	sbarrier.arrive $0xFFFF  }
0x6c: {  	_ =	shalt  }

// kernel: kernel.14.cloned.1.call-start
scs
__scs_entry_jumppad:
0x0: {  	(pc) =	sbr.rel $0x88, $3  }
0x1: {  	(tag) =	ssettag $0x0;
	lr =	simm.s32 $0x1  }
0x2: {  	[smem:$0x3F8B] =	sst lr;
	_ =	strace $0xD0000000  }
0x3: {  	_ = 	snop  }
0x4: {  	_ = 	snop  }
0x5: {  	_ = 	snop  }
0x6: {  	_ = 	snop  }
0x7: {  	_ = 	snop  }
__scs_overlays_trampoline_lowered:
0x8: {  	[smem:$0x3F9A] =	sst s0  }
0x9: {  	[smem:$0x3F9B] =	sst s1  }
0xa: {  	[smem:$0x3F9C] =	sst s2  }
0xb: {  	[smem:$0x3F9D] =	sst s3  }
0xc: {  	[smem:$0x3F9E] =	sst s4  }
0xd: {  	[smem:$0x3F9F] =	sst s5  }
0xe: {  	[smem:$0x3FA0] =	sst s6  }
0xf: {  	[smem:$0x3FA1] =	sst s7  }
0x10: {  	[smem:$0x3FA2] =	sst s8  }
0x11: {  	[smem:$0x3FA3] =	sst s9;
	s0 =	simm.s32 @!p0 $0x0  }
0x12: {  	s1 =	sld [smem:$0x3F89];
	s0 =	simm.s32 @p0 $0x1  }
0x13: {  	[smem:$0x3FA4] =	sst s0;
	s0 =	simm.s32 @!p1 $0x0  }
0x14: {  	s2 =	sld [smem:$0x3F88];
	s0 =	simm.s32 @p1 $0x1  }
0x15: {  	[smem:$0x3FA5] =	sst s0;
	s0 =	simm.s32 @!p2 $0x0  }
0x16: {  	s3 =	sld [smem:$0x3FDB];
	s0 =	simm.s32 @p2 $0x1  }
0x17: {  	s4 =	simm.s32 $0x1BF5;
	[smem:$0x3FA7] =	sst s0  }
0x18: {  	s0 =	sld [smem:$0x3F8A];
	_ =	swait.ge [sflag:s4], $0x0  }
0x19: {  	s7 =	sld [smem:$0x3F8B]  }
0x1a: {  	s8 =	sadd.s32 $0xFFFFE003, lr  }
0x1b: {  	s9 =	sadd.s32 $0xFFFFFEF7, lr;
	s5 =	simm.s32 $0xFFFFFFFF;
	p2 =	slt.u32 s8, $0xFFFFF086  }
0x1c: {  	p1 =	slt.u32 s9, $0xF7A;
	s5 =	simm.s32 @!p2 $0x0  }
0x1d: {  	s5 =	simm.s32 @p1 $0x1;
	p0 =	seq.s32 s7, s2  }
0x1e: {  	s7 =	smul.u32 @!p0 $0xF7A, s2;
	p2 =	seq.s32 @!p0 s5, $0x0  }
0x1f: {  	s9 =	smul.u32 $0xF7A, s1;
	s8 =	simm.s32 @!p0 $0x1BF5;
	p2 =	por !p2, p0  }
0x20: {  	[sflag:s8] =	ssyncset.s32 @!p0 $0xFFFFF086;
	s6 =	sadd.s32 @!p0 s3, s7;
	s7 =	simm.s32 @!p0 $0x108  }
0x21: {  	s3 =	sadd.s32 s3, s9;
	s6 =	sadd.s32 @!p0 $0x88, s6;
	s7 =	simm.s32 @p2 $0x1082  }
0x22: {  	[simem:s7], [sflag:s8] =	dma.local @!p0 [hbm:s6], $0xF7A  }
0x23: {  	s9 =	sor.u32 $0xD0000000, s2;
	s6 =	simm.s32 $0x108;
	_ =	swait.ge @!p0 [sflag:s8], $0x0  }
0x24: {  	s3 =	sadd.s32 $0x88, s3;
	s6 =	simm.s32 @!p1 $0x1082;
	[sflag:s4] =	ssyncset.s32 $0xFFFFF086  }
0x25: {  	[simem:s6], [sflag:s4] =	dma.local [hbm:s3], $0xF7A  }
0x26: {  	[smem:$0x3F8B] =	sst s1;
	(tag) =	ssettag s2;
	_ =	strace s9  }
0x27: {  	s1 =	sld [smem:$0x3F9B]  }
0x28: {  	s2 =	sld [smem:$0x3F9C]  }
0x29: {  	s4 =	sld [smem:$0x3F9E]  }
0x2a: {  	p0 =	seq.s32 s5, $0x0;
	s5 =	sld [smem:$0x3F9F]  }
0x2b: {  	s6 =	sld [smem:$0x3FA0]  }
0x2c: {  	s7 =	sld [smem:$0x3FA1]  }
0x2d: {  	s3 =	simm.s32 $0x108;
	s8 =	sld [smem:$0x3FA2]  }
0x2e: {  	s3 =	simm.s32 @!p0 $0x1082;
	s9 =	sld [smem:$0x3FA3]  }
0x2f: {  	lr =	sadd.s32 s0, s3;
	s0 =	sld [smem:$0x3F9A]  }
0x30: {  	s3 =	sld [smem:$0x3F9D]  }
0x31: {  	[smem:$0x3FA6] =	sst s10  }
0x32: {  	s10 =	sld [smem:$0x3FA4];
	_ =	sdelay $0x3  }
0x33: {  	p0 =	seq.s32 s10, $0x1;
	s10 =	sld [smem:$0x3FA6];
	_ =	sdelay $0x3  }
0x34: {  	[smem:$0x3FA6] =	sst s10  }
0x35: {  	s10 =	sld [smem:$0x3FA5];
	_ =	sdelay $0x3  }
0x36: {  	p1 =	seq.s32 s10, $0x1;
	s10 =	sld [smem:$0x3FA6];
	_ =	sdelay $0x3  }
0x37: {  	[smem:$0x3FA6] =	sst s10  }
0x38: {  	s10 =	sld [smem:$0x3FA7]  }
0x39: {  	_ = 	snop;
	(pc) =	sbr.ind lr, $3  }
0x3a: {  	_ = 	snop  }
0x3b: {  	_ = 	snop  }
0x3c: {  	p2 =	seq.s32 s10, $0x1;
	s10 =	sld [smem:$0x3FA6]  }
0x3d: {  	_ =	shalt  }
0x3e: {  	_ =	shalt  }
0x3f: {  	_ =	shalt  }
0x40: {  	_ =	shalt  }
0x41: {  	_ =	shalt  }
0x42: {  	_ =	shalt  }
0x43: {  	_ =	shalt  }
0x44: {  	_ =	shalt  }
0x45: {  	_ =	shalt  }
0x46: {  	_ =	shalt  }
0x47: {  	_ =	shalt  }
0x48: {  	_ =	shalt  }
0x49: {  	_ =	shalt  }
0x4a: {  	_ =	shalt  }
0x4b: {  	_ =	shalt  }
0x4c: {  	_ =	shalt  }
0x4d: {  	_ =	shalt  }
0x4e: {  	_ =	shalt  }
0x4f: {  	_ =	shalt  }
0x50: {  	_ =	shalt  }
0x51: {  	_ =	shalt  }
0x52: {  	_ =	shalt  }
0x53: {  	_ =	shalt  }
0x54: {  	_ =	shalt  }
0x55: {  	_ =	shalt  }
0x56: {  	_ =	shalt  }
0x57: {  	_ =	shalt  }
0x58: {  	_ =	shalt  }
0x59: {  	_ =	shalt  }
0x5a: {  	_ =	shalt  }
0x5b: {  	_ =	shalt  }
0x5c: {  	_ =	shalt  }
0x5d: {  	_ =	shalt  }
0x5e: {  	_ =	shalt  }
0x5f: {  	_ =	shalt  }
0x60: {  	_ =	shalt  }
0x61: {  	_ =	shalt  }
0x62: {  	_ =	shalt  }
0x63: {  	_ =	shalt  }
0x64: {  	_ =	shalt  }
0x65: {  	_ =	shalt  }
0x66: {  	_ =	shalt  }
0x67: {  	_ =	shalt  }
0x68: {  	_ =	shalt  }
0x69: {  	_ =	shalt  }
0x6a: {  	_ =	shalt  }
0x6b: {  	_ =	shalt  }
0x6c: {  	_ =	shalt  }
0x6d: {  	_ =	shalt  }
0x6e: {  	_ =	shalt  }
0x6f: {  	_ =	shalt  }
0x70: {  	_ =	shalt  }
0x71: {  	_ =	shalt  }
0x72: {  	_ =	shalt  }
0x73: {  	_ =	shalt  }
0x74: {  	_ =	shalt  }
0x75: {  	_ =	shalt  }
0x76: {  	_ =	shalt  }
0x77: {  	_ =	shalt  }
0x78: {  	_ =	shalt  }
0x79: {  	_ =	shalt  }
0x7a: {  	_ =	shalt  }
0x7b: {  	_ =	shalt  }
0x7c: {  	_ =	shalt  }
0x7d: {  	_ =	shalt  }
0x7e: {  	_ =	shalt  }
0x7f: {  	_ =	shalt  }
0x80: {  	_ =	shalt  }
0x81: {  	_ =	shalt  }
0x82: {  	_ =	shalt  }
0x83: {  	_ =	shalt  }
0x84: {  	_ =	shalt  }
0x85: {  	_ =	shalt  }
0x86: {  	_ =	shalt  }
0x87: {  	_ =	shalt  }
.Lfunc_end0:
.L_simem_size_0:
called_computation.1_lowered:
.L_overlay_start_0:
0x88: {  	s2 =	sld [smem:$0x3FD9]  }
0x89: {  	s3 =	sld [smem:$0x3FFE];
	_ =	sdelay $0x1  }
0x8a: {  	s1 =	srdreg.scid  }
0x8b: {  	s0 =	sand.u32 $0x1, s1  }
0x8c: {  	s16 =	sshll.u32 s0, $0xA;
	s2 =	sadd.s32 s3, s2  }
0x8d: {  	s2 =	sadd.s32 s2, s16  }
0x8e: {  	[smem:$0x3FB2] =	sst s2  }
0x8f: {  	_ = 	snop  }
0x90: {  	(tm) =	ssettm $0x1  }
0x91: {  	s17 =	sld [smem:$0x3FFB];
	_ =	sdelay $0x3  }
0x92: {  	_ =	strace s17  }
0x93: {  	s2 =	sld [smem:$0x3FFC];
	_ =	sdelay $0x3  }
0x94: {  	_ =	strace s2  }
0x95: {  	s2 =	sld [smem:$0x3FFD];
	_ =	sdelay $0x3  }
0x96: {  	_ =	strace s2  }
0x97: {  	_ =	strace $0x8FFFFFFF  }
0x98: {  	s18 =	sld [smem:$0x3FDB];
	_ =	sdelay $0x1  }
0x99: {  	s19 =	simm.s32 $_scs_section_size  }
0x9a: {  	s4 =	simm.s32 $_size__tile_overlayer_lowered;
	s5 =	simm.s32 $_tile_overlayer_lowered  }
0x9b: {  	s22 =	simm.s32 $0x1BFF;
	s21 =	sshll.u32 s5, $0x1;
	s2 =	sadd.s32 s19, s18  }
0x9c: {  	s6 =	simm.s32 $0x0;
	s20 =	sshll.u32 s4, $0x1;
	s4 =	sadd.s32 s21, s2  }
0x9d: {  	[timem:s6], [sflag:s22] =	dma.local [hbm:s4], s20  }
0x9e: {  	_ =	swait.ge [sflag:s22], s20  }
0x9f: {  	s3 =	ssub.s32 $0x0, s20;
	[sflag:s22] =	ssyncset.done $0x0  }
0xa0: {  	[sflag:s22] =	ssyncadd.s32 s3;
	_ =	sdelay $0x1  }
0xa1: {  	s23 =	simm.s32 $0x1B8B  }
0xa2: {  	_ =	swait.ge [sflag:s23], $0x1  }
0xa3: {  	[sflag:s23] =	ssyncset.done $0x0  }
0xa4: {  	s25 =	simm.s32 $0x1B8E;
	s24 =	sld [smem:$0x3FFE];
	[sflag:s23] =	ssyncadd.s32 $0xFFFFFFFF  }
0xa5: {  	s26 =	simm.s32 $execute0_lowered;
	[smem:$0x3FD2] =	sst s25  }
0xa6: {  	s4 =	sshll.u32 s26, $0x1;
	_ =	strace $0x80000049;
	[dreg:$0x1] =	wrdreg $0xFFFFFFFF  }
0xa7: {  	s28 =	simm.s32 $_size_execute0_lowered;
	s2 =	sadd.s32 s2, s4;
	[dreg:$0x0] =	wrdreg $0x0  }
0xa8: {  	s4 =	sshll.u32 s28, $0x1;
	[dreg:$0x2] =	wrdreg s2  }
0xa9: {  	[dreg:$0x3] =	wrdreg s4  }
0xaa: {  	[dreg:$0x4] =	wrdreg $0xC0  }
0xab: {  	_ =	task [dreg:s6], $0x5FFFF  }
0xac: {  	[dreg:$0x1] =	wrdreg $0xFFFFFFFF  }
0xad: {  	[dreg:$0x0] =	wrdreg $0x60  }
0xae: {  	[dreg:$0x2] =	wrdreg s24  }
0xaf: {  	[dreg:$0x3] =	wrdreg $0x5C800  }
0xb0: {  	[dreg:$0x4] =	wrdreg $0x9  }
0xb1: {  	_ =	task.clear_ibuf [dreg:s6], $0x5FFFF;
	_ =	strace $0x90000049  }
0xb2: {  	s29 =	simm.s32 $0x9;
	_ =	strace $0x8000004B  }
0xb3: {  	_ =	swait.ge [sflag:s29], $0x1  }
0xb4: {  	[sflag:s29] =	ssyncadd.s32 $0xFFFFFFFF  }
0xb5: {  	_ =	strace $0x9000004B  }
0xb6: {  	_ =	sfence  }
0xb7: {  	s30 =	sld [smem:$0x0];
	_ =	sdelay $0x2  }
0xb8: {  	s31 =	sshll.u32 s1, $0xD;
	s1 =	sshrl.u32 s1, $0x2  }
0xb9: {  	s3 =	sand.u32 $0x4000, s31;
	s1 =	sadd.s32 s1, s30  }
0xba: {  	s0 =	sor.u32 s3, s0;
	s1 =	sshll.u32 s1, $0x11  }
0xbb: {  	s0 =	sor.u32 s1, s0  }
0xbc: {  	s0 =	sadd.s32 $0x8F2B, s0  }
0xbd: {  	[sflag:s0] =	ssyncadd.remote.s32 $0x1  }
0xbe: {  	_ =	sfence.sel $0xFFFF  }
0xbf: {  	[dreg:$0x0] =	wrdreg $0xFFFFFFFF;
	(pc) =	sbr.abs _section_cstart, $3  }
0xc0: {  	[dreg:$0x1] =	wrdreg $0xFFFFFFFF  }
0xc1: {  	_ =	task.clear_ibuf [dreg:s6], $0x2FFFF;
	_ =	strace $0x9FFFFFFF  }
0xc2: {  	(tm) =	ssettm $0x7FFFFFFF  }
0xc3: {  	_ =	shalt  }
tec
execute0_lowered:
.L_overlay_start_1:
0x0: {  	(tag) =	ssettag $0x1  }
0x1: {  	s6 =	rddreg [dreg:$0x0]  }
0x2: {  	s2 =	rddreg [dreg:$0x1]  }
0x3: {  	s0 =	rddreg [dreg:$0x2];
	s1 =	stileid.u32  }
0x4: {  	s4 =	srdreg.scid;
	s3 =	simm.s32 $0x0;
	s5 =	smul.u32 $0x50, s1  }
0x5: {  	s10 =	simm.s32 $0x1BC400;
	s4 =	sand.u32 $0x1, s4;
	s11 =	smul.u32 $0x2800, s1  }
0x6: {  	[smem:$0x7FF] =	sst s3;
	s31 =	smul.u32 $0xA00, s1;
	s7 =	ssub.s32 $0x2, s4  }
0x7: {  	_ =	strace $0x8000004A;
	p0 =	seq.s32 s4, $0x0;
	s9 =	sadd.s32 s5, s6  }
0x8: {  	s8 =	sshrl.u32 s7, $0x1;
	s5 =	sadd.s32 $0x4800, s6;
	s10 =	simm.s32 @!p0 $0x4C9800  }
0x9: {  	s30 =	sshrl.u32 s11, $0x2;
	s11 =	smul.u32 $0x140, s1;
	s7 =	ssub.s32 s7, s8  }
0xa: {  	s10 =	sadd.s32 s10, s6;
	s6 =	sadd.s32 $0x35600, s6;
	s8 =	sadd.s32 s30, s2  }
0xb: {  	v0 =	vimm.f32 $0.0e+00;
	s9 =	sadd.s32 $0xE0600, s9;
	s7 =	smax.u32 s7, $0x1;
	s10 =	sadd.s32 s31, s10  }
.LBB2_1:
0xc: {  	s12 =	simm.s32 $0x0  }
.LBB2_2:
0xd: {  	p0 =	sne.s32 s12, $0x2780  }
.Ltmp0:
0xe: {  	_ = 	snop;
	(pc) =	sbr.rel @p0 .LBB2_2-.Ltmp0, $4  }
0xf: {  	_ = 	snop  }
0x10: {  	s13 =	sshra.s32 s12, $0x2  }
0x11: {  	[tilespmem:s13+$0x5280] =	vst v0  }
0x12: {  	s12 =	sadd.s32 $0x80, s12;
	[tilespmem:s13+$0x5290] =	vst v0  }
0x13: {  	s12 =	sadd.s32 $0x0, s1  }
0x14: {  	p0 =	sgt.u32 s12, $0x270  }
0x15: {  	s12 =	simm.s32 @!p0 $0x5280;
	s15 =	simm.s32 @!p0 $0x2  }
0x16: {  	[spmem:s8] =	stream.linear.scatter @!p0 [tilespmem:s12], [sflag:$0x2], $0xA00, $0x38;
	[tilespmem:$0x1E320] =	vst v63  }
0x17: {  	s13 =	simm.s32 $0x10;
	_ =	swait.ge @!p0 [sflag:s15], $0xA00  }
0x18: {  	s14 =	simm.s32 $0x20;
	s12 =	sadd.s32 $0xA000, s8;
	[sflag:s15] =	ssyncset.done @!p0 $0x0  }
.LBB2_4:
0x19: {  	s16 =	sadd.s32 s13, s1;
	s13 =	smov.u32 s14;
	s14 =	sadd.s32 $0x10, s14  }
0x1a: {  	[sflag:s15] =	ssyncadd.s32 @!p0 $0xFFFFF600;
	p1 =	sne.s32 s14, $0x280  }
.Ltmp1:
0x1b: {  	p0 =	sgt.u32 s16, $0x270;
	(pc) =	sbr.rel @p1 .LBB2_4-.Ltmp1, $4  }
0x1c: {  	s16 =	simm.s32 @!p0 $0x5280;
	s15 =	simm.s32 @!p0 $0x2  }
0x1d: {  	[spmem:s12] =	stream.linear.scatter @!p0 [tilespmem:s16], [sflag:$0x2], $0xA00, $0x38;
	[tilespmem:$0x1E320] =	vst v63  }
0x1e: {  	_ =	swait.ge @!p0 [sflag:s15], $0xA00  }
0x1f: {  	s12 =	sadd.s32 $0xA000, s12;
	[sflag:s15] =	ssyncset.done @!p0 $0x0  }
0x20: {  	s13 =	sadd.s32 s13, s1  }
0x21: {  	p1 =	sgt.u32 s13, $0x270  }
0x22: {  	[sflag:s15] =	ssyncadd.s32 @!p0 $0xFFFFF600;
	s13 =	simm.s32 @!p1 $0x5280;
	s14 =	simm.s32 @!p1 $0x2  }
0x23: {  	[spmem:s12] =	stream.linear.scatter @!p1 [tilespmem:s13], [sflag:$0x2], $0xA00, $0x38;
	[tilespmem:$0x1E320] =	vst v63  }
0x24: {  	_ =	swait.ge @!p1 [sflag:s14], $0xA00  }
0x25: {  	s30 =	sadd.s32 $0x0, s1;
	[sflag:s14] =	ssyncset.done @!p1 $0x0  }
0x26: {  	p0 =	sgt.u32 s30, $0x4E1;
	[sflag:s14] =	ssyncadd.s32 @!p1 $0xFFFFF600  }
0x27: {  	s12 =	simm.s32 @!p0 $0x0;
	s13 =	simm.s32 @!p0 $0x2;
	[bflag:$0x0] =	sbarrier.arrive $0xFFFF  }
0x28: {  	[tilespmem:s12], [sflag:$0x2] =	stream.linear.gather @!p0 [hbm4b:s9+s12], $0x280, $0x38;
	[tilespmem:$0x1E320] =	vst v63  }
0x29: {  	_ =	swait.ge @!p0 [sflag:s13], $0x280  }
0x2a: {  	[sflag:s13] =	ssyncset.done @!p0 $0x0;
	p0 =	por p0, p0  }
0x2b: {  	[sflag:s13] =	ssyncadd.s32 @!p0 $0xFFFFFD80;
	s14 =	simm.s32 @!p0 $0x280  }
0x2c: {  	[tilespmem:s14], [sflag:$0x2] =	stream.linear.gather @!p0 [hbm4b:s10+s12], $0x5000, $0x38;
	[tilespmem:$0x1E320] =	vst v63  }
0x2d: {  	_ =	swait.ge @!p0 [sflag:s13], $0x5000  }
0x2e: {  	[sflag:s13] =	ssyncset.done @!p0 $0x0  }
0x2f: {  	[sflag:s13] =	ssyncadd.s32 @!p0 $0xFFFFB000;
	s13 =	simm.s32 @!p0 $0x80  }
0x30: {  	[spmem:s2] =	stream.indirect.scatter.add.f32 @!p0 [tilespmem:s14], [sflag:$0x1], $0x20, s12, s13, $0xb8;
	[tilespmem:$0x1E320] =	vst v63  }
0x31: {  	s12 =	simm.s32 @!p0 $0x1280  }
0x32: {  	[spmem:s2] =	stream.indirect.scatter.add.f32 @!p0 [tilespmem:s12], [sflag:$0x1], $0x20, s13, s13, $0xb8;
	[tilespmem:$0x1E320] =	vst v63  }
0x33: {  	s14 =	simm.s32 @!p0 $0x2280;
	s12 =	simm.s32 @!p0 $0x100  }
0x34: {  	[spmem:s2] =	stream.indirect.scatter.add.f32 @!p0 [tilespmem:s14], [sflag:$0x1], $0x20, s12, s13, $0xb8;
	[tilespmem:$0x1E320] =	vst v63  }
0x35: {  	s12 =	simm.s32 @!p0 $0x180;
	s14 =	simm.s32 @!p0 $0x3280  }
0x36: {  	[spmem:s2] =	stream.indirect.scatter.add.f32 @!p0 [tilespmem:s14], [sflag:$0x1], $0x20, s12, s13, $0xb8;
	[tilespmem:$0x1E320] =	vst v63  }
0x37: {  	s16 =	simm.s32 @!p0 $0x1;
	s12 =	simm.s32 @!p0 $0x200;
	s14 =	simm.s32 @!p0 $0x4280  }
0x38: {  	[spmem:s2] =	stream.indirect.scatter.add.f32 @!p0 [tilespmem:s14], [sflag:$0x1], $0x20, s12, s13, $0xb8;
	[tilespmem:$0x1E320] =	vst v63  }
0x39: {  	_ =	swait.ge @!p0 [sflag:s16], $0x1000  }
0x3a: {  	[sflag:s16] =	ssyncset.done @!p0 $0x0  }
0x3b: {  	[sflag:s16] =	ssyncadd.s32 @!p0 $0xFFFFF000  }
0x3c: {  	_ =	swait.ge @!p0 [sflag:s16], $0x1000  }
0x3d: {  	[sflag:s16] =	ssyncset.done @!p0 $0x0  }
0x3e: {  	[sflag:s16] =	ssyncadd.s32 @!p0 $0xFFFFF000  }
0x3f: {  	_ =	swait.ge @!p0 [sflag:s16], $0x1000  }
0x40: {  	[sflag:s16] =	ssyncset.done @!p0 $0x0  }
0x41: {  	[sflag:s16] =	ssyncadd.s32 @!p0 $0xFFFFF000  }
0x42: {  	_ =	swait.ge @!p0 [sflag:s16], $0x1000  }
0x43: {  	[sflag:s16] =	ssyncset.done @!p0 $0x0  }
0x44: {  	s31 =	sadd.s32 $0x10, s1;
	[sflag:s16] =	ssyncadd.s32 @!p0 $0xFFFFF000  }
0x45: {  	p2 =	sgt.u32 s31, $0x4E1;
	s13 =	simm.s32 $0x20;
	_ =	swait.ge @!p0 [sflag:s16], $0x1000  }
0x46: {  	s12 =	sadd.s32 $0xA000, s10;
	s14 =	sadd.s32 $0x500, s9;
	[sflag:s16] =	ssyncset.done @!p0 $0x0  }
.LBB2_6:
0x47: {  	s17 =	simm.s32 @!p2 $0x0;
	s18 =	simm.s32 @!p2 $0x2;
	[sflag:s16] =	ssyncadd.s32 @!p0 $0xFFFFF000  }
0x48: {  	[tilespmem:s17], [sflag:$0x2] =	stream.linear.gather @!p2 [hbm4b:s14+s17], $0x280, $0x38;
	[tilespmem:$0x1E320] =	vst v63  }
0x49: {  	s15 =	smov.u32 s13;
	s13 =	sadd.s32 $0x10, s13;
	_ =	swait.ge @!p2 [sflag:s18], $0x280  }
0x4a: {  	p0 =	por p2, p2;
	p1 =	sne.s32 s13, $0x4F0;
	[sflag:s18] =	ssyncset.done @!p2 $0x0  }
0x4b: {  	s16 =	simm.s32 @!p0 $0x280;
	[sflag:s18] =	ssyncadd.s32 @!p0 $0xFFFFFD80  }
0x4c: {  	[tilespmem:s16], [sflag:$0x2] =	stream.linear.gather @!p0 [hbm4b:s12+s17], $0x5000, $0x38;
	[tilespmem:$0x1E320] =	vst v63  }
0x4d: {  	_ =	swait.ge @!p0 [sflag:s18], $0x5000  }
0x4e: {  	[sflag:s18] =	ssyncset.done @!p0 $0x0  }
0x4f: {  	[sflag:s18] =	ssyncadd.s32 @!p0 $0xFFFFB000;
	s18 =	simm.s32 @!p0 $0x80  }
0x50: {  	[spmem:s2] =	stream.indirect.scatter.add.f32 @!p0 [tilespmem:s16], [sflag:$0x1], $0x20, s17, s18, $0xb8;
	[tilespmem:$0x1E320] =	vst v63  }
0x51: {  	s16 =	simm.s32 @!p0 $0x1280  }
0x52: {  	[spmem:s2] =	stream.indirect.scatter.add.f32 @!p0 [tilespmem:s16], [sflag:$0x1], $0x20, s18, s18, $0xb8;
	[tilespmem:$0x1E320] =	vst v63  }
0x53: {  	s17 =	simm.s32 @!p0 $0x2280;
	s16 =	simm.s32 @!p0 $0x100  }
0x54: {  	[spmem:s2] =	stream.indirect.scatter.add.f32 @!p0 [tilespmem:s17], [sflag:$0x1], $0x20, s16, s18, $0xb8;
	[tilespmem:$0x1E320] =	vst v63  }
0x55: {  	s16 =	simm.s32 @!p0 $0x180;
	s17 =	simm.s32 @!p0 $0x3280  }
0x56: {  	[spmem:s2] =	stream.indirect.scatter.add.f32 @!p0 [tilespmem:s17], [sflag:$0x1], $0x20, s16, s18, $0xb8;
	[tilespmem:$0x1E320] =	vst v63  }
0x57: {  	s19 =	simm.s32 @!p0 $0x4280;
	s17 =	simm.s32 @!p0 $0x200;
	s16 =	simm.s32 @!p0 $0x1  }
0x58: {  	[spmem:s2] =	stream.indirect.scatter.add.f32 @!p0 [tilespmem:s19], [sflag:$0x1], $0x20, s17, s18, $0xb8;
	[tilespmem:$0x1E320] =	vst v63  }
0x59: {  	_ =	swait.ge @!p0 [sflag:s16], $0x1000  }
0x5a: {  	[sflag:s16] =	ssyncset.done @!p0 $0x0  }
0x5b: {  	[sflag:s16] =	ssyncadd.s32 @!p0 $0xFFFFF000  }
0x5c: {  	_ =	swait.ge @!p0 [sflag:s16], $0x1000  }
0x5d: {  	[sflag:s16] =	ssyncset.done @!p0 $0x0  }
0x5e: {  	[sflag:s16] =	ssyncadd.s32 @!p0 $0xFFFFF000  }
0x5f: {  	_ =	swait.ge @!p0 [sflag:s16], $0x1000  }
0x60: {  	[sflag:s16] =	ssyncset.done @!p0 $0x0  }
0x61: {  	[sflag:s16] =	ssyncadd.s32 @!p0 $0xFFFFF000  }
.Ltmp2:
0x62: {  	_ =	swait.ge @!p0 [sflag:s16], $0x1000;
	(pc) =	sbr.rel @p1 .LBB2_6-.Ltmp2, $4  }
0x63: {  	[sflag:s16] =	ssyncset.done @!p0 $0x0  }
0x64: {  	[sflag:s16] =	ssyncadd.s32 @!p0 $0xFFFFF000  }
0x65: {  	s15 =	sadd.s32 s15, s1;
	s12 =	sadd.s32 $0xA000, s12;
	_ =	swait.ge @!p0 [sflag:s16], $0x1000  }
0x66: {  	s14 =	sadd.s32 $0x500, s14;
	p2 =	sgt.u32 s15, $0x4E1;
	[sflag:s16] =	ssyncset.done @!p0 $0x0  }
0x67: {  	s13 =	simm.s32 @!p2 $0x0;
	s15 =	simm.s32 @!p2 $0x2;
	[sflag:s16] =	ssyncadd.s32 @!p0 $0xFFFFF000  }
0x68: {  	[tilespmem:s13], [sflag:$0x2] =	stream.linear.gather @!p2 [hbm4b:s14+s13], $0x280, $0x38;
	[tilespmem:$0x1E320] =	vst v63  }
0x69: {  	_ =	swait.ge @!p2 [sflag:s15], $0x280  }
0x6a: {  	p1 =	por p2, p2;
	[sflag:s15] =	ssyncset.done @!p2 $0x0  }
0x6b: {  	s14 =	simm.s32 @!p1 $0x280;
	[sflag:s15] =	ssyncadd.s32 @!p1 $0xFFFFFD80  }
0x6c: {  	[tilespmem:s14], [sflag:$0x2] =	stream.linear.gather @!p1 [hbm4b:s12+s13], $0x5000, $0x38;
	[tilespmem:$0x1E320] =	vst v63  }
0x6d: {  	_ =	swait.ge @!p1 [sflag:s15], $0x5000  }
0x6e: {  	[sflag:s15] =	ssyncset.done @!p1 $0x0  }
0x6f: {  	s12 =	simm.s32 @!p1 $0x80;
	[sflag:s15] =	ssyncadd.s32 @!p1 $0xFFFFB000  }
0x70: {  	[spmem:s2] =	stream.indirect.scatter.add.f32 @!p1 [tilespmem:s14], [sflag:$0x1], $0x20, s13, s12, $0xb8;
	[tilespmem:$0x1E320] =	vst v63  }
0x71: {  	s13 =	simm.s32 @!p1 $0x1280  }
0x72: {  	[spmem:s2] =	stream.indirect.scatter.add.f32 @!p1 [tilespmem:s13], [sflag:$0x1], $0x20, s12, s12, $0xb8;
	[tilespmem:$0x1E320] =	vst v63  }
0x73: {  	s14 =	simm.s32 @!p1 $0x2280;
	s13 =	simm.s32 @!p1 $0x100  }
0x74: {  	[spmem:s2] =	stream.indirect.scatter.add.f32 @!p1 [tilespmem:s14], [sflag:$0x1], $0x20, s13, s12, $0xb8;
	[tilespmem:$0x1E320] =	vst v63  }
0x75: {  	s13 =	simm.s32 @!p1 $0x180;
	s14 =	simm.s32 @!p1 $0x3280  }
0x76: {  	[spmem:s2] =	stream.indirect.scatter.add.f32 @!p1 [tilespmem:s14], [sflag:$0x1], $0x20, s13, s12, $0xb8;
	[tilespmem:$0x1E320] =	vst v63  }
0x77: {  	s15 =	simm.s32 @!p1 $0x1;
	s13 =	simm.s32 @!p1 $0x200;
	s14 =	simm.s32 @!p1 $0x4280  }
0x78: {  	[spmem:s2] =	stream.indirect.scatter.add.f32 @!p1 [tilespmem:s14], [sflag:$0x1], $0x20, s13, s12, $0xb8;
	[tilespmem:$0x1E320] =	vst v63  }
0x79: {  	_ =	swait.ge @!p1 [sflag:s15], $0x1000  }
0x7a: {  	[sflag:s15] =	ssyncset.done @!p1 $0x0  }
0x7b: {  	[sflag:s15] =	ssyncadd.s32 @!p1 $0xFFFFF000  }
0x7c: {  	_ =	swait.ge @!p1 [sflag:s15], $0x1000  }
0x7d: {  	[sflag:s15] =	ssyncset.done @!p1 $0x0  }
0x7e: {  	[sflag:s15] =	ssyncadd.s32 @!p1 $0xFFFFF000  }
0x7f: {  	_ =	swait.ge @!p1 [sflag:s15], $0x1000  }
0x80: {  	[sflag:s15] =	ssyncset.done @!p1 $0x0  }
0x81: {  	[sflag:s15] =	ssyncadd.s32 @!p1 $0xFFFFF000  }
0x82: {  	_ =	swait.ge @!p1 [sflag:s15], $0x1000  }
0x83: {  	[sflag:s15] =	ssyncset.done @!p1 $0x0  }
0x84: {  	s30 =	sadd.s32 $0x0, s1;
	[sflag:s15] =	ssyncadd.s32 @!p1 $0xFFFFF000  }
0x85: {  	s31 =	sadd.s32 $0x10, s1;
	p0 =	sgt.u32 s30, $0x270;
	_ =	swait.ge @!p1 [sflag:s15], $0x1000  }
0x86: {  	p2 =	sne.s32 @!p0 s4, $0x0;
	p0 =	por p0, p0;
	[sflag:s15] =	ssyncset.done @!p1 $0x0  }
0x87: {  	s12 =	simm.s32 @!p0 $0x2;
	[sflag:s15] =	ssyncadd.s32 @!p1 $0xFFFFF000;
	p1 =	por !p2, p0  }
0x88: {  	s13 =	smov.u32 s6;
	s14 =	sshll.u32 @!p0 s1, $0x6;
	s12 =	simm.s32 @p1 $0x3  }
0x89: {  	s16 =	sshrl.u32 @!p0 s8, $0x3;
	s13 =	smov.u32 @p1 s5;
	s14 =	sadd.s32 @!p0 s12, s14  }
0x8a: {  	[bflag:$0x0] =	sbarrier.arrive $0xFFFF;
	s13 =	sadd.s32 @!p0 s11, s13;
	s14 =	sadd.s32 @!p0 $0x1C00, s14  }
0x8b: {  	[hbm:s13], [sflag:s14] =	dma.local @!p0 [spmem:s16], $0x140  }
0x8c: {  	s15 =	simm.s32 $0x20;
	p2 =	sgt.u32 s31, $0x270;
	_ =	swait.ge @!p0 [sflag:s12], $0x140  }
0x8d: {  	s13 =	sadd.s32 $0x1400, s11;
	s14 =	sadd.s32 $0xA000, s8;
	[sflag:s12] =	ssyncset.done @!p0 $0x0  }
.LBB2_8:
0x8e: {  	p3 =	sne.s32 @!p2 s4, $0x0;
	[sflag:s12] =	ssyncadd.s32 @!p0 $0xFFFFFEC0;
	s16 =	smov.u32 s15  }
0x8f: {  	s15 =	sadd.s32 $0x10, s15;
	p0 =	por p2, p2;
	s17 =	smov.u32 s6  }
0x90: {  	p1 =	sne.s32 s15, $0x280;
	s12 =	simm.s32 @!p0 $0x2;
	p2 =	por !p3, p0  }
0x91: {  	s18 =	sshll.u32 @!p0 s1, $0x6;
	s17 =	smov.u32 @p2 s5;
	s12 =	simm.s32 @p2 $0x3  }
.Ltmp3:
0x92: {  	s17 =	sadd.s32 @!p0 s13, s17;
	s18 =	sadd.s32 @!p0 s12, s18;
	(pc) =	sbr.rel @p1 .LBB2_8-.Ltmp3, $4  }
0x93: {  	s19 =	sshrl.u32 @!p0 s14, $0x3;
	s18 =	sadd.s32 @!p0 $0x1C00, s18  }
0x94: {  	[hbm:s17], [sflag:s18] =	dma.local @!p0 [spmem:s19], $0x140  }
0x95: {  	s16 =	sadd.s32 s16, s1;
	s13 =	sadd.s32 $0x1400, s13;
	_ =	swait.ge @!p0 [sflag:s12], $0x140  }
0x96: {  	s14 =	sadd.s32 $0xA000, s14;
	p2 =	sgt.u32 s16, $0x270;
	[sflag:s12] =	ssyncset.done @!p0 $0x0  }
0x97: {  	p3 =	sne.s32 @!p2 s4, $0x0  }
0x98: {  	p1 =	por p2, p2;
	s16 =	smov.u32 s6;
	[sflag:s12] =	ssyncadd.s32 @!p0 $0xFFFFFEC0  }
0x99: {  	s3 =	sadd.s32 $0x1, s3;
	s15 =	simm.s32 @!p1 $0x2;
	p2 =	por !p3, p1  }
0x9a: {  	s17 =	sshll.u32 @!p1 s1, $0x6;
	s14 =	sshrl.u32 @!p1 s14, $0x3;
	s15 =	simm.s32 @p2 $0x3  }
0x9b: {  	p0 =	sne.s32 s3, s7;
	s16 =	smov.u32 @p2 s5;
	s12 =	sadd.s32 @!p1 s15, s17  }
.Ltmp4:
0x9c: {  	s13 =	sadd.s32 @!p1 s13, s16;
	s12 =	sadd.s32 @!p1 $0x1C00, s12;
	(pc) =	sbr.rel @p0 .LBB2_1-.Ltmp4, $4  }
0x9d: {  	[hbm:s13], [sflag:s12] =	dma.local @!p1 [spmem:s14], $0x140  }
0x9e: {  	_ =	swait.ge @!p1 [sflag:s15], $0x140  }
0x9f: {  	[sflag:s15] =	ssyncset.done @!p1 $0x0  }
0xa0: {  	[sflag:s15] =	ssyncadd.s32 @!p1 $0xFFFFFEC0  }
0xa1: {  	_ =	sfence.sel $0x180000  }
0xa2: {  	[bflag:$0x0] =	sbarrier.arrive $0xFFFF  }
0xa3: {  	p0 =	sne.s32 s1, $0x0;
	_ =	strace $0x9000004A  }
0xa4: {  	s0 =	sadd.s32 @!p0 $0x100000, s0;
	[bflag:$0x2] =	sbarrier.arrive $0xFFFF  }
0xa5: {  	[sflag:s0] =	ssyncadd.tile.s32 @!p0 $0x1;
	_ =	shalt  }
.Lfunc_end2:
_tile_overlayer_lowered:
.L_overlay_start_2:
0xa6: {  	(tag) =	ssettag $0x2  }
0xa7: {  	s0 =	rddreg [dreg:$0x0];
	s2 =	stileid.u32  }
0xa8: {  	s1 =	rddreg [dreg:$0x1];
	p0 =	sne.s32 s2, $0x0  }
0xa9: {  	s3 =	rddreg [dreg:$0x2];
	[bflag:$0x3] =	sbarrier.arrive $0xFFFF;
	s2 =	simm.s32 @!p0 $0x1C02  }
0xaa: {  	[timem:s3], [sflag:s2] =	dma.local @!p0 [hbm:s0], s1  }
0xab: {  	s0 =	simm.s32 @!p0 $0x2  }
0xac: {  	_ =	swait.ge @!p0 [sflag:s0], s1  }
0xad: {  	s1 =	ssub.s32 @!p0 $0x0, s1;
	[sflag:s0] =	ssyncset.done @!p0 $0x0  }
0xae: {  	[sflag:s0] =	ssyncadd.s32 @!p0 s1  }
0xaf: {  	[bflag:$0x3] =	sbarrier.arrive $0xFFFF  }
0xb0: {  	_ =	shalt  }

// kernel: kernel.17.cloned.1.call-start
scs
__scs_entry_jumppad:
0x0: {  	(pc) =	sbr.rel $0x88, $3  }
0x1: {  	(tag) =	ssettag $0x0;
	lr =	simm.s32 $0x1  }
0x2: {  	[smem:$0x3F8B] =	sst lr;
	_ =	strace $0xD0000000  }
0x3: {  	_ = 	snop  }
0x4: {  	_ = 	snop  }
0x5: {  	_ = 	snop  }
0x6: {  	_ = 	snop  }
0x7: {  	_ = 	snop  }
__scs_overlays_trampoline_lowered:
0x8: {  	[smem:$0x3F9A] =	sst s0  }
0x9: {  	[smem:$0x3F9B] =	sst s1  }
0xa: {  	[smem:$0x3F9C] =	sst s2  }
0xb: {  	[smem:$0x3F9D] =	sst s3  }
0xc: {  	[smem:$0x3F9E] =	sst s4  }
0xd: {  	[smem:$0x3F9F] =	sst s5  }
0xe: {  	[smem:$0x3FA0] =	sst s6  }
0xf: {  	[smem:$0x3FA1] =	sst s7  }
0x10: {  	[smem:$0x3FA2] =	sst s8  }
0x11: {  	[smem:$0x3FA3] =	sst s9;
	s0 =	simm.s32 @!p0 $0x0  }
0x12: {  	s1 =	sld [smem:$0x3F89];
	s0 =	simm.s32 @p0 $0x1  }
0x13: {  	[smem:$0x3FA4] =	sst s0;
	s0 =	simm.s32 @!p1 $0x0  }
0x14: {  	s2 =	sld [smem:$0x3F88];
	s0 =	simm.s32 @p1 $0x1  }
0x15: {  	[smem:$0x3FA5] =	sst s0;
	s0 =	simm.s32 @!p2 $0x0  }
0x16: {  	s3 =	sld [smem:$0x3FDB];
	s0 =	simm.s32 @p2 $0x1  }
0x17: {  	s4 =	simm.s32 $0x1BF5;
	[smem:$0x3FA7] =	sst s0  }
0x18: {  	s0 =	sld [smem:$0x3F8A];
	_ =	swait.ge [sflag:s4], $0x0  }
0x19: {  	s7 =	sld [smem:$0x3F8B]  }
0x1a: {  	s8 =	sadd.s32 $0xFFFFE003, lr  }
0x1b: {  	s9 =	sadd.s32 $0xFFFFFEF7, lr;
	s5 =	simm.s32 $0xFFFFFFFF;
	p2 =	slt.u32 s8, $0xFFFFF086  }
0x1c: {  	p1 =	slt.u32 s9, $0xF7A;
	s5 =	simm.s32 @!p2 $0x0  }
0x1d: {  	s5 =	simm.s32 @p1 $0x1;
	p0 =	seq.s32 s7, s2  }
0x1e: {  	s7 =	smul.u32 @!p0 $0xF7A, s2;
	p2 =	seq.s32 @!p0 s5, $0x0  }
0x1f: {  	s9 =	smul.u32 $0xF7A, s1;
	s8 =	simm.s32 @!p0 $0x1BF5;
	p2 =	por !p2, p0  }
0x20: {  	[sflag:s8] =	ssyncset.s32 @!p0 $0xFFFFF086;
	s6 =	sadd.s32 @!p0 s3, s7;
	s7 =	simm.s32 @!p0 $0x108  }
0x21: {  	s3 =	sadd.s32 s3, s9;
	s6 =	sadd.s32 @!p0 $0x88, s6;
	s7 =	simm.s32 @p2 $0x1082  }
0x22: {  	[simem:s7], [sflag:s8] =	dma.local @!p0 [hbm:s6], $0xF7A  }
0x23: {  	s9 =	sor.u32 $0xD0000000, s2;
	s6 =	simm.s32 $0x108;
	_ =	swait.ge @!p0 [sflag:s8], $0x0  }
0x24: {  	s3 =	sadd.s32 $0x88, s3;
	s6 =	simm.s32 @!p1 $0x1082;
	[sflag:s4] =	ssyncset.s32 $0xFFFFF086  }
0x25: {  	[simem:s6], [sflag:s4] =	dma.local [hbm:s3], $0xF7A  }
0x26: {  	[smem:$0x3F8B] =	sst s1;
	(tag) =	ssettag s2;
	_ =	strace s9  }
0x27: {  	s1 =	sld [smem:$0x3F9B]  }
0x28: {  	s2 =	sld [smem:$0x3F9C]  }
0x29: {  	s4 =	sld [smem:$0x3F9E]  }
0x2a: {  	p0 =	seq.s32 s5, $0x0;
	s5 =	sld [smem:$0x3F9F]  }
0x2b: {  	s6 =	sld [smem:$0x3FA0]  }
0x2c: {  	s7 =	sld [smem:$0x3FA1]  }
0x2d: {  	s3 =	simm.s32 $0x108;
	s8 =	sld [smem:$0x3FA2]  }
0x2e: {  	s3 =	simm.s32 @!p0 $0x1082;
	s9 =	sld [smem:$0x3FA3]  }
0x2f: {  	lr =	sadd.s32 s0, s3;
	s0 =	sld [smem:$0x3F9A]  }
0x30: {  	s3 =	sld [smem:$0x3F9D]  }
0x31: {  	[smem:$0x3FA6] =	sst s10  }
0x32: {  	s10 =	sld [smem:$0x3FA4];
	_ =	sdelay $0x3  }
0x33: {  	p0 =	seq.s32 s10, $0x1;
	s10 =	sld [smem:$0x3FA6];
	_ =	sdelay $0x3  }
0x34: {  	[smem:$0x3FA6] =	sst s10  }
0x35: {  	s10 =	sld [smem:$0x3FA5];
	_ =	sdelay $0x3  }
0x36: {  	p1 =	seq.s32 s10, $0x1;
	s10 =	sld [smem:$0x3FA6];
	_ =	sdelay $0x3  }
0x37: {  	[smem:$0x3FA6] =	sst s10  }
0x38: {  	s10 =	sld [smem:$0x3FA7]  }
0x39: {  	_ = 	snop;
	(pc) =	sbr.ind lr, $3  }
0x3a: {  	_ = 	snop  }
0x3b: {  	_ = 	snop  }
0x3c: {  	p2 =	seq.s32 s10, $0x1;
	s10 =	sld [smem:$0x3FA6]  }
0x3d: {  	_ =	shalt  }
0x3e: {  	_ =	shalt  }
0x3f: {  	_ =	shalt  }
0x40: {  	_ =	shalt  }
0x41: {  	_ =	shalt  }
0x42: {  	_ =	shalt  }
0x43: {  	_ =	shalt  }
0x44: {  	_ =	shalt  }
0x45: {  	_ =	shalt  }
0x46: {  	_ =	shalt  }
0x47: {  	_ =	shalt  }
0x48: {  	_ =	shalt  }
0x49: {  	_ =	shalt  }
0x4a: {  	_ =	shalt  }
0x4b: {  	_ =	shalt  }
0x4c: {  	_ =	shalt  }
0x4d: {  	_ =	shalt  }
0x4e: {  	_ =	shalt  }
0x4f: {  	_ =	shalt  }
0x50: {  	_ =	shalt  }
0x51: {  	_ =	shalt  }
0x52: {  	_ =	shalt  }
0x53: {  	_ =	shalt  }
0x54: {  	_ =	shalt  }
0x55: {  	_ =	shalt  }
0x56: {  	_ =	shalt  }
0x57: {  	_ =	shalt  }
0x58: {  	_ =	shalt  }
0x59: {  	_ =	shalt  }
0x5a: {  	_ =	shalt  }
0x5b: {  	_ =	shalt  }
0x5c: {  	_ =	shalt  }
0x5d: {  	_ =	shalt  }
0x5e: {  	_ =	shalt  }
0x5f: {  	_ =	shalt  }
0x60: {  	_ =	shalt  }
0x61: {  	_ =	shalt  }
0x62: {  	_ =	shalt  }
0x63: {  	_ =	shalt  }
0x64: {  	_ =	shalt  }
0x65: {  	_ =	shalt  }
0x66: {  	_ =	shalt  }
0x67: {  	_ =	shalt  }
0x68: {  	_ =	shalt  }
0x69: {  	_ =	shalt  }
0x6a: {  	_ =	shalt  }
0x6b: {  	_ =	shalt  }
0x6c: {  	_ =	shalt  }
0x6d: {  	_ =	shalt  }
0x6e: {  	_ =	shalt  }
0x6f: {  	_ =	shalt  }
0x70: {  	_ =	shalt  }
0x71: {  	_ =	shalt  }
0x72: {  	_ =	shalt  }
0x73: {  	_ =	shalt  }
0x74: {  	_ =	shalt  }
0x75: {  	_ =	shalt  }
0x76: {  	_ =	shalt  }
0x77: {  	_ =	shalt  }
0x78: {  	_ =	shalt  }
0x79: {  	_ =	shalt  }
0x7a: {  	_ =	shalt  }
0x7b: {  	_ =	shalt  }
0x7c: {  	_ =	shalt  }
0x7d: {  	_ =	shalt  }
0x7e: {  	_ =	shalt  }
0x7f: {  	_ =	shalt  }
0x80: {  	_ =	shalt  }
0x81: {  	_ =	shalt  }
0x82: {  	_ =	shalt  }
0x83: {  	_ =	shalt  }
0x84: {  	_ =	shalt  }
0x85: {  	_ =	shalt  }
0x86: {  	_ =	shalt  }
0x87: {  	_ =	shalt  }
.Lfunc_end0:
.L_simem_size_0:
called_computation.2_lowered:
.L_overlay_start_0:
0x88: {  	s2 =	sld [smem:$0x3FD9]  }
0x89: {  	s3 =	sld [smem:$0x3FFE];
	_ =	sdelay $0x1  }
0x8a: {  	s1 =	srdreg.scid  }
0x8b: {  	s0 =	sand.u32 $0x1, s1  }
0x8c: {  	s16 =	sshll.u32 s0, $0xA;
	s2 =	sadd.s32 s3, s2  }
0x8d: {  	s2 =	sadd.s32 s2, s16  }
0x8e: {  	[smem:$0x3FB2] =	sst s2  }
0x8f: {  	_ = 	snop  }
0x90: {  	(tm) =	ssettm $0x1  }
0x91: {  	s17 =	sld [smem:$0x3FFB];
	_ =	sdelay $0x3  }
0x92: {  	_ =	strace s17  }
0x93: {  	s2 =	sld [smem:$0x3FFC];
	_ =	sdelay $0x3  }
0x94: {  	_ =	strace s2  }
0x95: {  	s2 =	sld [smem:$0x3FFD];
	_ =	sdelay $0x3  }
0x96: {  	_ =	strace s2  }
0x97: {  	_ =	strace $0x8FFFFFFF  }
0x98: {  	s18 =	sld [smem:$0x3FDB];
	_ =	sdelay $0x1  }
0x99: {  	s19 =	simm.s32 $_scs_section_size  }
0x9a: {  	s4 =	simm.s32 $_size__tile_overlayer_lowered;
	s5 =	simm.s32 $_tile_overlayer_lowered  }
0x9b: {  	s22 =	simm.s32 $0x1BFF;
	s21 =	sshll.u32 s5, $0x1;
	s2 =	sadd.s32 s19, s18  }
0x9c: {  	s6 =	simm.s32 $0x0;
	s20 =	sshll.u32 s4, $0x1;
	s4 =	sadd.s32 s21, s2  }
0x9d: {  	[timem:s6], [sflag:s22] =	dma.local [hbm:s4], s20  }
0x9e: {  	_ =	swait.ge [sflag:s22], s20  }
0x9f: {  	s3 =	ssub.s32 $0x0, s20;
	[sflag:s22] =	ssyncset.done $0x0  }
0xa0: {  	[sflag:s22] =	ssyncadd.s32 s3;
	_ =	sdelay $0x1  }
0xa1: {  	s23 =	simm.s32 $0x1B8B  }
0xa2: {  	_ =	swait.ge [sflag:s23], $0x1  }
0xa3: {  	[sflag:s23] =	ssyncset.done $0x0  }
0xa4: {  	s25 =	simm.s32 $0x1B8E;
	s24 =	sld [smem:$0x3FFE];
	[sflag:s23] =	ssyncadd.s32 $0xFFFFFFFF  }
0xa5: {  	s26 =	simm.s32 $execute0_lowered;
	[smem:$0x3FD2] =	sst s25  }
0xa6: {  	s4 =	sshll.u32 s26, $0x1;
	_ =	strace $0x8000004C;
	[dreg:$0x1] =	wrdreg $0xFFFFFFFF  }
0xa7: {  	s28 =	simm.s32 $_size_execute0_lowered;
	s2 =	sadd.s32 s2, s4;
	[dreg:$0x0] =	wrdreg $0x0  }
0xa8: {  	s4 =	sshll.u32 s28, $0x1;
	[dreg:$0x2] =	wrdreg s2  }
0xa9: {  	[dreg:$0x3] =	wrdreg s4  }
0xaa: {  	[dreg:$0x4] =	wrdreg $0xC0  }
0xab: {  	_ =	task [dreg:s6], $0x5FFFF  }
0xac: {  	[dreg:$0x1] =	wrdreg $0xFFFFFFFF  }
0xad: {  	[dreg:$0x0] =	wrdreg $0x60  }
0xae: {  	[dreg:$0x2] =	wrdreg s24  }
0xaf: {  	[dreg:$0x3] =	wrdreg $0x9  }
0xb0: {  	_ =	task.clear_ibuf [dreg:s6], $0x4FFFF;
	_ =	strace $0x9000004C  }
0xb1: {  	s29 =	simm.s32 $0x9;
	_ =	strace $0x8000004E  }
0xb2: {  	_ =	swait.ge [sflag:s29], $0x1  }
0xb3: {  	[sflag:s29] =	ssyncadd.s32 $0xFFFFFFFF  }
0xb4: {  	_ =	strace $0x9000004E  }
0xb5: {  	_ =	sfence  }
0xb6: {  	s30 =	sld [smem:$0x0];
	_ =	sdelay $0x2  }
0xb7: {  	s31 =	sshll.u32 s1, $0xD;
	s1 =	sshrl.u32 s1, $0x2  }
0xb8: {  	s3 =	sand.u32 $0x4000, s31;
	s1 =	sadd.s32 s1, s30  }
0xb9: {  	s0 =	sor.u32 s3, s0;
	s1 =	sshll.u32 s1, $0x11  }
0xba: {  	s0 =	sor.u32 s1, s0  }
0xbb: {  	s0 =	sadd.s32 $0x8F2B, s0  }
0xbc: {  	[sflag:s0] =	ssyncadd.remote.s32 $0x1  }
0xbd: {  	_ =	sfence.sel $0xFFFF  }
0xbe: {  	[dreg:$0x0] =	wrdreg $0xFFFFFFFF;
	(pc) =	sbr.abs _section_cstart, $3  }
0xbf: {  	[dreg:$0x1] =	wrdreg $0xFFFFFFFF  }
0xc0: {  	_ =	task.clear_ibuf [dreg:s6], $0x2FFFF;
	_ =	strace $0x9FFFFFFF  }
0xc1: {  	(tm) =	ssettm $0x7FFFFFFF  }
tec
execute0_lowered:
.L_overlay_start_1:
0x0: {  	(tag) =	ssettag $0x1  }
0x1: {  	s0 =	rddreg [dreg:$0x0];
	s10 =	stileid.u32  }
0x2: {  	s2 =	simm.s32 $0x0;
	s3 =	srdreg.scid;
	s11 =	simm.s32 $0x2500  }
0x3: {  	s12 =	simm.s32 $0x100;
	s13 =	simm.s32 $0x4500;
	s14 =	simm.s32 $0x180  }
0x4: {  	s15 =	simm.s32 $0x6500;
	s16 =	simm.s32 $0x200;
	s17 =	simm.s32 $0x8500  }
0x5: {  	s18 =	simm.s32 $0x280;
	s19 =	simm.s32 $0xA500;
	s20 =	simm.s32 $0x300  }
0x6: {  	s21 =	simm.s32 $0xC500;
	s22 =	simm.s32 $0x380;
	s23 =	simm.s32 $0xE500  }
0x7: {  	s24 =	simm.s32 $0x400;
	s28 =	simm.s32 $0x12500;
	s29 =	simm.s32 $0x1  }
0x8: {  	s30 =	simm.s32 $0x2;
	s31 =	simm.s32 $0x0;
	s1 =	smul.u32 $0x140, s10  }
0x9: {  	[smem:$0x7FF] =	sst s2;
	s4 =	smul.u32 $0x5000, s10;
	s5 =	sand.u32 $0x1, s3  }
0xa: {  	s3 =	sadd.s32 $0x4800, s0;
	s26 =	sshll.u32 s10, $0x1;
	s10 =	simm.s32 $0x500  }
0xb: {  	_ =	strace $0x8000004D;
	s6 =	ssub.s32 $0x2, s5;
	s7 =	smul.u32 $0xA0, s5  }
0xc: {  	s9 =	smul.u32 $0x2800, s5;
	s1 =	sadd.s32 s1, s0;
	s8 =	sshrl.u32 s6, $0x1  }
.Ltmp0:
0xd: {  	s0 =	sadd.s32 s4, s0;
	s25 =	ssub.s32 s6, s8;
	(pc) =	sbr.rel .LBB2_1-.Ltmp0, $4  }
0xe: {  	s1 =	sadd.s32 s7, s1;
	s0 =	sadd.s32 s9, s0;
	s7 =	sor.u32 s5, s26  }
0xf: {  	s8 =	simm.s32 $0x3;
	s9 =	simm.s32 $0x80;
	s4 =	smax.u32 s25, $0x1  }
0x10: {  	s26 =	simm.s32 $0x480;
	s1 =	sadd.s32 $0xC7E00, s1;
	[dreg:$0x2] =	wrdreg s4  }
0x11: {  	s0 =	sadd.s32 $0x140BC00, s0;
	s25 =	simm.s32 $0x10500;
	[dreg:$0x3] =	wrdreg s1  }
.LBB2_5:
0x12: {  	s31 =	sadd.s32 $0x1, s31;
	s1 =	rddreg [dreg:$0x2]  }
0x13: {  	p0 =	sne.s32 s31, s1  }
.Ltmp1:
0x14: {  	_ = 	snop;
	(pc) =	sbr.rel @!p0 .LBB2_6-.Ltmp1, $1  }
0x15: {  	_ =	sdelay $0x3  }
.LBB2_1:
.Ltmp2:
0x16: {  	(pc) =	sbr.rel .LBB2_2-.Ltmp2, $2  }
0x17: {  	_ =	sdelay $0x2  }
0x18: {  	s6 =	smov.u32 s0;
	s5 =	rddreg [dreg:$0x3];
	s4 =	simm.s32 $0x0  }
.LBB2_4:
0x19: {  	s4 =	sadd.s32 $0x20, s4  }
0x1a: {  	p0 =	sne.s32 s4, $0x280  }
.Ltmp3:
0x1b: {  	_ = 	snop;
	(pc) =	sbr.rel @!p0 .LBB2_5-.Ltmp3, $2  }
0x1c: {  	_ =	sdelay $0x2  }
0x1d: {  	s5 =	sadd.s32 $0x1400, s5;
	s6 =	sadd.s32 $0x50000, s6  }
.LBB2_2:
0x1e: {  	s1 =	sadd.s32 s4, s7  }
0x1f: {  	p0 =	sgt.u32 s1, $0x270  }
.Ltmp4:
0x20: {  	_ = 	snop;
	(pc) =	sbr.rel @p0 .LBB2_4-.Ltmp4, $1  }
0x21: {  	_ =	sdelay $0x3  }
0x22: {  	[tilespmem:s2], [sflag:$0x3] =	stream.linear.gather [hbm4b:s5+s2], $0x500, $0x38;
	[tilespmem:$0x14500] =	vst v63  }
0x23: {  	_ =	swait.ge [sflag:s8], $0x500  }
0x24: {  	[sflag:s8] =	ssyncset.done $0x0  }
0x25: {  	[sflag:s8] =	ssyncadd.s32 $0xFFFFFB00  }
0x26: {  	[tilespmem:s10], [sflag:$0x1] =	stream.indirect.gather [hbm4b:s3+s9], $0x40, s2, s9, $0xb8;
	[tilespmem:$0x14500] =	vst v63  }
0x27: {  	_ = 	snop  }
0x28: {  	[tilespmem:s11], [sflag:$0x1] =	stream.indirect.gather [hbm4b:s3+s9], $0x40, s9, s9, $0xb8;
	[tilespmem:$0x14500] =	vst v63  }
0x29: {  	_ = 	snop  }
0x2a: {  	[tilespmem:s13], [sflag:$0x1] =	stream.indirect.gather [hbm4b:s3+s9], $0x40, s12, s9, $0xb8;
	[tilespmem:$0x14500] =	vst v63  }
0x2b: {  	_ = 	snop  }
0x2c: {  	[tilespmem:s15], [sflag:$0x1] =	stream.indirect.gather [hbm4b:s3+s9], $0x40, s14, s9, $0xb8;
	[tilespmem:$0x14500] =	vst v63  }
0x2d: {  	_ = 	snop  }
0x2e: {  	[tilespmem:s17], [sflag:$0x1] =	stream.indirect.gather [hbm4b:s3+s9], $0x40, s16, s9, $0xb8;
	[tilespmem:$0x14500] =	vst v63  }
0x2f: {  	_ = 	snop  }
0x30: {  	[tilespmem:s19], [sflag:$0x1] =	stream.indirect.gather [hbm4b:s3+s9], $0x40, s18, s9, $0xb8;
	[tilespmem:$0x14500] =	vst v63  }
0x31: {  	_ = 	snop  }
0x32: {  	[tilespmem:s21], [sflag:$0x1] =	stream.indirect.gather [hbm4b:s3+s9], $0x40, s20, s9, $0xb8;
	[tilespmem:$0x14500] =	vst v63  }
0x33: {  	_ = 	snop  }
0x34: {  	[tilespmem:s23], [sflag:$0x1] =	stream.indirect.gather [hbm4b:s3+s9], $0x40, s22, s9, $0xb8;
	[tilespmem:$0x14500] =	vst v63  }
0x35: {  	_ = 	snop  }
0x36: {  	[tilespmem:s25], [sflag:$0x1] =	stream.indirect.gather [hbm4b:s3+s9], $0x40, s24, s9, $0xb8;
	[tilespmem:$0x14500] =	vst v63  }
0x37: {  	_ = 	snop  }
0x38: {  	[tilespmem:s28], [sflag:$0x1] =	stream.indirect.gather [hbm4b:s3+s9], $0x40, s26, s9, $0xb8;
	[tilespmem:$0x14500] =	vst v63  }
0x39: {  	_ =	swait.ge [sflag:s29], $0x2000  }
0x3a: {  	[sflag:s29] =	ssyncset.done $0x0  }
0x3b: {  	[sflag:s29] =	ssyncadd.s32 $0xFFFFE000  }
0x3c: {  	_ =	swait.ge [sflag:s29], $0x2000  }
0x3d: {  	[sflag:s29] =	ssyncset.done $0x0  }
0x3e: {  	[sflag:s29] =	ssyncadd.s32 $0xFFFFE000  }
0x3f: {  	_ =	swait.ge [sflag:s29], $0x2000  }
0x40: {  	[sflag:s29] =	ssyncset.done $0x0  }
0x41: {  	[sflag:s29] =	ssyncadd.s32 $0xFFFFE000  }
0x42: {  	_ =	swait.ge [sflag:s29], $0x2000  }
0x43: {  	[sflag:s29] =	ssyncset.done $0x0  }
0x44: {  	[sflag:s29] =	ssyncadd.s32 $0xFFFFE000  }
0x45: {  	_ =	swait.ge [sflag:s29], $0x2000  }
0x46: {  	[sflag:s29] =	ssyncset.done $0x0  }
0x47: {  	[sflag:s29] =	ssyncadd.s32 $0xFFFFE000  }
0x48: {  	_ =	swait.ge [sflag:s29], $0x2000  }
0x49: {  	[sflag:s29] =	ssyncset.done $0x0  }
0x4a: {  	[sflag:s29] =	ssyncadd.s32 $0xFFFFE000  }
0x4b: {  	_ =	swait.ge [sflag:s29], $0x2000  }
0x4c: {  	[sflag:s29] =	ssyncset.done $0x0  }
0x4d: {  	[sflag:s29] =	ssyncadd.s32 $0xFFFFE000  }
0x4e: {  	_ =	swait.ge [sflag:s29], $0x2000  }
0x4f: {  	[sflag:s29] =	ssyncset.done $0x0  }
0x50: {  	[sflag:s29] =	ssyncadd.s32 $0xFFFFE000  }
0x51: {  	_ =	swait.ge [sflag:s29], $0x2000  }
0x52: {  	[sflag:s29] =	ssyncset.done $0x0  }
0x53: {  	[sflag:s29] =	ssyncadd.s32 $0xFFFFE000  }
0x54: {  	_ =	swait.ge [sflag:s29], $0x2000  }
0x55: {  	[sflag:s29] =	ssyncset.done $0x0  }
.Ltmp5:
0x56: {  	[sflag:s29] =	ssyncadd.s32 $0xFFFFE000;
	(pc) =	sbr.rel .LBB2_4-.Ltmp5, $4  }
0x57: {  	[hbm4b:s6+s2] =	stream.linear.scatter [tilespmem:s10], [sflag:$0x2], $0x14000, $0x38;
	[tilespmem:$0x14500] =	vst v63  }
0x58: {  	_ =	swait.ge [sflag:s30], $0x14000  }
0x59: {  	[sflag:s30] =	ssyncset.done $0x0  }
0x5a: {  	[sflag:s30] =	ssyncadd.s32 $0xFFFEC000  }
.LBB2_6:
0x5b: {  	_ =	sfence.sel $0x180000  }
0x5c: {  	[bflag:$0x0] =	sbarrier.arrive $0xFFFF  }
0x5d: {  	_ =	strace $0x9000004D  }
0x5e: {  	s0 =	stileid.u32;
	[bflag:$0x2] =	sbarrier.arrive $0xFFFF  }
0x5f: {  	p0 =	sne.s32 s0, $0x0;
	s0 =	rddreg [dreg:$0x1]  }
0x60: {  	s0 =	sadd.s32 @!p0 $0x100000, s0  }
0x61: {  	[sflag:s0] =	ssyncadd.tile.s32 @!p0 $0x1;
	_ =	shalt  }
.Lfunc_end2:
_tile_overlayer_lowered:
.L_overlay_start_2:
0x62: {  	(tag) =	ssettag $0x2  }
0x63: {  	s0 =	rddreg [dreg:$0x0];
	s2 =	stileid.u32  }
0x64: {  	s1 =	rddreg [dreg:$0x1];
	p0 =	sne.s32 s2, $0x0  }
0x65: {  	s3 =	rddreg [dreg:$0x2];
	[bflag:$0x3] =	sbarrier.arrive $0xFFFF;
	s2 =	simm.s32 @!p0 $0x1C02  }
0x66: {  	[timem:s3], [sflag:s2] =	dma.local @!p0 [hbm:s0], s1  }
0x67: {  	s0 =	simm.s32 @!p0 $0x2  }
0x68: {  	_ =	swait.ge @!p0 [sflag:s0], s1  }
0x69: {  	s1 =	ssub.s32 @!p0 $0x0, s1;
	[sflag:s0] =	ssyncset.done @!p0 $0x0  }
0x6a: {  	[sflag:s0] =	ssyncadd.s32 @!p0 s1  }
0x6b: {  	[bflag:$0x3] =	sbarrier.arrive $0xFFFF  }
0x6c: {  	_ =	shalt  }

// kernel: kernel.20.cloned.1.call-start
scs
__scs_entry_jumppad:
0x0: {  	(pc) =	sbr.rel $0x88, $3  }
0x1: {  	(tag) =	ssettag $0x0;
	lr =	simm.s32 $0x1  }
0x2: {  	[smem:$0x3F8B] =	sst lr;
	_ =	strace $0xD0000000  }
0x3: {  	_ = 	snop  }
0x4: {  	_ = 	snop  }
0x5: {  	_ = 	snop  }
0x6: {  	_ = 	snop  }
0x7: {  	_ = 	snop  }
__scs_overlays_trampoline_lowered:
0x8: {  	[smem:$0x3F9A] =	sst s0  }
0x9: {  	[smem:$0x3F9B] =	sst s1  }
0xa: {  	[smem:$0x3F9C] =	sst s2  }
0xb: {  	[smem:$0x3F9D] =	sst s3  }
0xc: {  	[smem:$0x3F9E] =	sst s4  }
0xd: {  	[smem:$0x3F9F] =	sst s5  }
0xe: {  	[smem:$0x3FA0] =	sst s6  }
0xf: {  	[smem:$0x3FA1] =	sst s7  }
0x10: {  	[smem:$0x3FA2] =	sst s8  }
0x11: {  	[smem:$0x3FA3] =	sst s9;
	s0 =	simm.s32 @!p0 $0x0  }
0x12: {  	s1 =	sld [smem:$0x3F89];
	s0 =	simm.s32 @p0 $0x1  }
0x13: {  	[smem:$0x3FA4] =	sst s0;
	s0 =	simm.s32 @!p1 $0x0  }
0x14: {  	s2 =	sld [smem:$0x3F88];
	s0 =	simm.s32 @p1 $0x1  }
0x15: {  	[smem:$0x3FA5] =	sst s0;
	s0 =	simm.s32 @!p2 $0x0  }
0x16: {  	s3 =	sld [smem:$0x3FDB];
	s0 =	simm.s32 @p2 $0x1  }
0x17: {  	s4 =	simm.s32 $0x1BF5;
	[smem:$0x3FA7] =	sst s0  }
0x18: {  	s0 =	sld [smem:$0x3F8A];
	_ =	swait.ge [sflag:s4], $0x0  }
0x19: {  	s7 =	sld [smem:$0x3F8B]  }
0x1a: {  	s8 =	sadd.s32 $0xFFFFE003, lr  }
0x1b: {  	s9 =	sadd.s32 $0xFFFFFEF7, lr;
	s5 =	simm.s32 $0xFFFFFFFF;
	p2 =	slt.u32 s8, $0xFFFFF086  }
0x1c: {  	p1 =	slt.u32 s9, $0xF7A;
	s5 =	simm.s32 @!p2 $0x0  }
0x1d: {  	s5 =	simm.s32 @p1 $0x1;
	p0 =	seq.s32 s7, s2  }
0x1e: {  	s7 =	smul.u32 @!p0 $0xF7A, s2;
	p2 =	seq.s32 @!p0 s5, $0x0  }
0x1f: {  	s9 =	smul.u32 $0xF7A, s1;
	s8 =	simm.s32 @!p0 $0x1BF5;
	p2 =	por !p2, p0  }
0x20: {  	[sflag:s8] =	ssyncset.s32 @!p0 $0xFFFFF086;
	s6 =	sadd.s32 @!p0 s3, s7;
	s7 =	simm.s32 @!p0 $0x108  }
0x21: {  	s3 =	sadd.s32 s3, s9;
	s6 =	sadd.s32 @!p0 $0x88, s6;
	s7 =	simm.s32 @p2 $0x1082  }
0x22: {  	[simem:s7], [sflag:s8] =	dma.local @!p0 [hbm:s6], $0xF7A  }
0x23: {  	s9 =	sor.u32 $0xD0000000, s2;
	s6 =	simm.s32 $0x108;
	_ =	swait.ge @!p0 [sflag:s8], $0x0  }
0x24: {  	s3 =	sadd.s32 $0x88, s3;
	s6 =	simm.s32 @!p1 $0x1082;
	[sflag:s4] =	ssyncset.s32 $0xFFFFF086  }
0x25: {  	[simem:s6], [sflag:s4] =	dma.local [hbm:s3], $0xF7A  }
0x26: {  	[smem:$0x3F8B] =	sst s1;
	(tag) =	ssettag s2;
	_ =	strace s9  }
0x27: {  	s1 =	sld [smem:$0x3F9B]  }
0x28: {  	s2 =	sld [smem:$0x3F9C]  }
0x29: {  	s4 =	sld [smem:$0x3F9E]  }
0x2a: {  	p0 =	seq.s32 s5, $0x0;
	s5 =	sld [smem:$0x3F9F]  }
0x2b: {  	s6 =	sld [smem:$0x3FA0]  }
0x2c: {  	s7 =	sld [smem:$0x3FA1]  }
0x2d: {  	s3 =	simm.s32 $0x108;
	s8 =	sld [smem:$0x3FA2]  }
0x2e: {  	s3 =	simm.s32 @!p0 $0x1082;
	s9 =	sld [smem:$0x3FA3]  }
0x2f: {  	lr =	sadd.s32 s0, s3;
	s0 =	sld [smem:$0x3F9A]  }
0x30: {  	s3 =	sld [smem:$0x3F9D]  }
0x31: {  	[smem:$0x3FA6] =	sst s10  }
0x32: {  	s10 =	sld [smem:$0x3FA4];
	_ =	sdelay $0x3  }
0x33: {  	p0 =	seq.s32 s10, $0x1;
	s10 =	sld [smem:$0x3FA6];
	_ =	sdelay $0x3  }
0x34: {  	[smem:$0x3FA6] =	sst s10  }
0x35: {  	s10 =	sld [smem:$0x3FA5];
	_ =	sdelay $0x3  }
0x36: {  	p1 =	seq.s32 s10, $0x1;
	s10 =	sld [smem:$0x3FA6];
	_ =	sdelay $0x3  }
0x37: {  	[smem:$0x3FA6] =	sst s10  }
0x38: {  	s10 =	sld [smem:$0x3FA7]  }
0x39: {  	_ = 	snop;
	(pc) =	sbr.ind lr, $3  }
0x3a: {  	_ = 	snop  }
0x3b: {  	_ = 	snop  }
0x3c: {  	p2 =	seq.s32 s10, $0x1;
	s10 =	sld [smem:$0x3FA6]  }
0x3d: {  	_ =	shalt  }
0x3e: {  	_ =	shalt  }
0x3f: {  	_ =	shalt  }
0x40: {  	_ =	shalt  }
0x41: {  	_ =	shalt  }
0x42: {  	_ =	shalt  }
0x43: {  	_ =	shalt  }
0x44: {  	_ =	shalt  }
0x45: {  	_ =	shalt  }
0x46: {  	_ =	shalt  }
0x47: {  	_ =	shalt  }
0x48: {  	_ =	shalt  }
0x49: {  	_ =	shalt  }
0x4a: {  	_ =	shalt  }
0x4b: {  	_ =	shalt  }
0x4c: {  	_ =	shalt  }
0x4d: {  	_ =	shalt  }
0x4e: {  	_ =	shalt  }
0x4f: {  	_ =	shalt  }
0x50: {  	_ =	shalt  }
0x51: {  	_ =	shalt  }
0x52: {  	_ =	shalt  }
0x53: {  	_ =	shalt  }
0x54: {  	_ =	shalt  }
0x55: {  	_ =	shalt  }
0x56: {  	_ =	shalt  }
0x57: {  	_ =	shalt  }
0x58: {  	_ =	shalt  }
0x59: {  	_ =	shalt  }
0x5a: {  	_ =	shalt  }
0x5b: {  	_ =	shalt  }
0x5c: {  	_ =	shalt  }
0x5d: {  	_ =	shalt  }
0x5e: {  	_ =	shalt  }
0x5f: {  	_ =	shalt  }
0x60: {  	_ =	shalt  }
0x61: {  	_ =	shalt  }
0x62: {  	_ =	shalt  }
0x63: {  	_ =	shalt  }
0x64: {  	_ =	shalt  }
0x65: {  	_ =	shalt  }
0x66: {  	_ =	shalt  }
0x67: {  	_ =	shalt  }
0x68: {  	_ =	shalt  }
0x69: {  	_ =	shalt  }
0x6a: {  	_ =	shalt  }
0x6b: {  	_ =	shalt  }
0x6c: {  	_ =	shalt  }
0x6d: {  	_ =	shalt  }
0x6e: {  	_ =	shalt  }
0x6f: {  	_ =	shalt  }
0x70: {  	_ =	shalt  }
0x71: {  	_ =	shalt  }
0x72: {  	_ =	shalt  }
0x73: {  	_ =	shalt  }
0x74: {  	_ =	shalt  }
0x75: {  	_ =	shalt  }
0x76: {  	_ =	shalt  }
0x77: {  	_ =	shalt  }
0x78: {  	_ =	shalt  }
0x79: {  	_ =	shalt  }
0x7a: {  	_ =	shalt  }
0x7b: {  	_ =	shalt  }
0x7c: {  	_ =	shalt  }
0x7d: {  	_ =	shalt  }
0x7e: {  	_ =	shalt  }
0x7f: {  	_ =	shalt  }
0x80: {  	_ =	shalt  }
0x81: {  	_ =	shalt  }
0x82: {  	_ =	shalt  }
0x83: {  	_ =	shalt  }
0x84: {  	_ =	shalt  }
0x85: {  	_ =	shalt  }
0x86: {  	_ =	shalt  }
0x87: {  	_ =	shalt  }
.Lfunc_end0:
.L_simem_size_0:
called_computation.3_lowered:
.L_overlay_start_0:
0x88: {  	s2 =	sld [smem:$0x3FD9]  }
0x89: {  	s3 =	sld [smem:$0x3FFE];
	_ =	sdelay $0x1  }
0x8a: {  	s1 =	srdreg.scid  }
0x8b: {  	s0 =	sand.u32 $0x1, s1  }
0x8c: {  	s16 =	sshll.u32 s0, $0xA;
	s2 =	sadd.s32 s3, s2  }
0x8d: {  	s2 =	sadd.s32 s2, s16  }
0x8e: {  	[smem:$0x3FB2] =	sst s2  }
0x8f: {  	_ = 	snop  }
0x90: {  	(tm) =	ssettm $0x1  }
0x91: {  	s17 =	sld [smem:$0x3FFB];
	_ =	sdelay $0x3  }
0x92: {  	_ =	strace s17  }
0x93: {  	s2 =	sld [smem:$0x3FFC];
	_ =	sdelay $0x3  }
0x94: {  	_ =	strace s2  }
0x95: {  	s2 =	sld [smem:$0x3FFD];
	_ =	sdelay $0x3  }
0x96: {  	_ =	strace s2  }
0x97: {  	_ =	strace $0x8FFFFFFF  }
0x98: {  	s18 =	sld [smem:$0x3FDB];
	_ =	sdelay $0x1  }
0x99: {  	s19 =	simm.s32 $_scs_section_size  }
0x9a: {  	s4 =	simm.s32 $_size__tile_overlayer_lowered;
	s5 =	simm.s32 $_tile_overlayer_lowered  }
0x9b: {  	s22 =	simm.s32 $0x1BFF;
	s21 =	sshll.u32 s5, $0x1;
	s2 =	sadd.s32 s19, s18  }
0x9c: {  	s6 =	simm.s32 $0x0;
	s20 =	sshll.u32 s4, $0x1;
	s4 =	sadd.s32 s21, s2  }
0x9d: {  	[timem:s6], [sflag:s22] =	dma.local [hbm:s4], s20  }
0x9e: {  	_ =	swait.ge [sflag:s22], s20  }
0x9f: {  	s3 =	ssub.s32 $0x0, s20;
	[sflag:s22] =	ssyncset.done $0x0  }
0xa0: {  	[sflag:s22] =	ssyncadd.s32 s3;
	_ =	sdelay $0x1  }
0xa1: {  	s23 =	simm.s32 $0x1B8B  }
0xa2: {  	_ =	swait.ge [sflag:s23], $0x1  }
0xa3: {  	[sflag:s23] =	ssyncset.done $0x0  }
0xa4: {  	s25 =	simm.s32 $0x1B8E;
	s24 =	sld [smem:$0x3FFE];
	[sflag:s23] =	ssyncadd.s32 $0xFFFFFFFF  }
0xa5: {  	s26 =	simm.s32 $execute0_lowered;
	[smem:$0x3FD2] =	sst s25  }
0xa6: {  	s4 =	sshll.u32 s26, $0x1;
	_ =	strace $0x8000004F;
	[dreg:$0x1] =	wrdreg $0xFFFFFFFF  }
0xa7: {  	s28 =	simm.s32 $_size_execute0_lowered;
	s2 =	sadd.s32 s2, s4;
	[dreg:$0x0] =	wrdreg $0x0  }
0xa8: {  	s4 =	sshll.u32 s28, $0x1;
	[dreg:$0x2] =	wrdreg s2  }
0xa9: {  	[dreg:$0x3] =	wrdreg s4  }
0xaa: {  	[dreg:$0x4] =	wrdreg $0xC0  }
0xab: {  	_ =	task [dreg:s6], $0x5FFFF  }
0xac: {  	[dreg:$0x1] =	wrdreg $0xFFFFFFFF  }
0xad: {  	[dreg:$0x0] =	wrdreg $0x60  }
0xae: {  	[dreg:$0x2] =	wrdreg s24  }
0xaf: {  	[dreg:$0x3] =	wrdreg $0x5C800  }
0xb0: {  	[dreg:$0x4] =	wrdreg $0x9  }
0xb1: {  	_ =	task.clear_ibuf [dreg:s6], $0x5FFFF;
	_ =	strace $0x9000004F  }
0xb2: {  	s29 =	simm.s32 $0x9;
	_ =	strace $0x80000051  }
0xb3: {  	_ =	swait.ge [sflag:s29], $0x1  }
0xb4: {  	[sflag:s29] =	ssyncadd.s32 $0xFFFFFFFF  }
0xb5: {  	_ =	strace $0x90000051  }
0xb6: {  	_ =	sfence  }
0xb7: {  	s30 =	sld [smem:$0x0];
	_ =	sdelay $0x2  }
0xb8: {  	s31 =	sshll.u32 s1, $0xD;
	s1 =	sshrl.u32 s1, $0x2  }
0xb9: {  	s3 =	sand.u32 $0x4000, s31;
	s1 =	sadd.s32 s1, s30  }
0xba: {  	s0 =	sor.u32 s3, s0;
	s1 =	sshll.u32 s1, $0x11  }
0xbb: {  	s0 =	sor.u32 s1, s0  }
0xbc: {  	s0 =	sadd.s32 $0x8F2B, s0  }
0xbd: {  	[sflag:s0] =	ssyncadd.remote.s32 $0x1  }
0xbe: {  	_ =	sfence.sel $0xFFFF  }
0xbf: {  	[dreg:$0x0] =	wrdreg $0xFFFFFFFF;
	(pc) =	sbr.abs _section_cstart, $3  }
0xc0: {  	[dreg:$0x1] =	wrdreg $0xFFFFFFFF  }
0xc1: {  	_ =	task.clear_ibuf [dreg:s6], $0x2FFFF;
	_ =	strace $0x9FFFFFFF  }
0xc2: {  	(tm) =	ssettm $0x7FFFFFFF  }
0xc3: {  	_ =	shalt  }
tec
execute0_lowered:
.L_overlay_start_1:
0x0: {  	(tag) =	ssettag $0x1  }
0x1: {  	s6 =	rddreg [dreg:$0x0]  }
0x2: {  	s2 =	rddreg [dreg:$0x1]  }
0x3: {  	s0 =	rddreg [dreg:$0x2];
	s1 =	stileid.u32  }
0x4: {  	s4 =	srdreg.scid;
	s3 =	simm.s32 $0x0;
	s5 =	smul.u32 $0x50, s1  }
0x5: {  	s10 =	simm.s32 $0x343000;
	s4 =	sand.u32 $0x1, s4;
	s11 =	smul.u32 $0x2800, s1  }
0x6: {  	[smem:$0x7FF] =	sst s3;
	s31 =	smul.u32 $0xA00, s1;
	s7 =	ssub.s32 $0x2, s4  }
0x7: {  	_ =	strace $0x80000050;
	p0 =	seq.s32 s4, $0x0;
	s9 =	sadd.s32 s5, s6  }
0x8: {  	s8 =	sshrl.u32 s7, $0x1;
	s5 =	sadd.s32 $0x4800, s6;
	s10 =	simm.s32 @!p0 $0x650400  }
0x9: {  	s30 =	sshrl.u32 s11, $0x2;
	s11 =	smul.u32 $0x140, s1;
	s7 =	ssub.s32 s7, s8  }
0xa: {  	s10 =	sadd.s32 s10, s6;
	s6 =	sadd.s32 $0x35600, s6;
	s8 =	sadd.s32 s30, s2  }
0xb: {  	v0 =	vimm.f32 $0.0e+00;
	s9 =	sadd.s32 $0xE0600, s9;
	s7 =	smax.u32 s7, $0x1;
	s10 =	sadd.s32 s31, s10  }
.LBB2_1:
0xc: {  	s12 =	simm.s32 $0x0  }
.LBB2_2:
0xd: {  	p0 =	sne.s32 s12, $0x2780  }
.Ltmp0:
0xe: {  	_ = 	snop;
	(pc) =	sbr.rel @p0 .LBB2_2-.Ltmp0, $4  }
0xf: {  	_ = 	snop  }
0x10: {  	s13 =	sshra.s32 s12, $0x2  }
0x11: {  	[tilespmem:s13+$0x5280] =	vst v0  }
0x12: {  	s12 =	sadd.s32 $0x80, s12;
	[tilespmem:s13+$0x5290] =	vst v0  }
0x13: {  	s12 =	sadd.s32 $0x0, s1  }
0x14: {  	p0 =	sgt.u32 s12, $0x270  }
0x15: {  	s12 =	simm.s32 @!p0 $0x5280;
	s15 =	simm.s32 @!p0 $0x2  }
0x16: {  	[spmem:s8] =	stream.linear.scatter @!p0 [tilespmem:s12], [sflag:$0x2], $0xA00, $0x38;
	[tilespmem:$0x1E320] =	vst v63  }
0x17: {  	s13 =	simm.s32 $0x10;
	_ =	swait.ge @!p0 [sflag:s15], $0xA00  }
0x18: {  	s14 =	simm.s32 $0x20;
	s12 =	sadd.s32 $0xA000, s8;
	[sflag:s15] =	ssyncset.done @!p0 $0x0  }
.LBB2_4:
0x19: {  	s16 =	sadd.s32 s13, s1;
	s13 =	smov.u32 s14;
	s14 =	sadd.s32 $0x10, s14  }
0x1a: {  	[sflag:s15] =	ssyncadd.s32 @!p0 $0xFFFFF600;
	p1 =	sne.s32 s14, $0x280  }
.Ltmp1:
0x1b: {  	p0 =	sgt.u32 s16, $0x270;
	(pc) =	sbr.rel @p1 .LBB2_4-.Ltmp1, $4  }
0x1c: {  	s16 =	simm.s32 @!p0 $0x5280;
	s15 =	simm.s32 @!p0 $0x2  }
0x1d: {  	[spmem:s12] =	stream.linear.scatter @!p0 [tilespmem:s16], [sflag:$0x2], $0xA00, $0x38;
	[tilespmem:$0x1E320] =	vst v63  }
0x1e: {  	_ =	swait.ge @!p0 [sflag:s15], $0xA00  }
0x1f: {  	s12 =	sadd.s32 $0xA000, s12;
	[sflag:s15] =	ssyncset.done @!p0 $0x0  }
0x20: {  	s13 =	sadd.s32 s13, s1  }
0x21: {  	p1 =	sgt.u32 s13, $0x270  }
0x22: {  	[sflag:s15] =	ssyncadd.s32 @!p0 $0xFFFFF600;
	s13 =	simm.s32 @!p1 $0x5280;
	s14 =	simm.s32 @!p1 $0x2  }
0x23: {  	[spmem:s12] =	stream.linear.scatter @!p1 [tilespmem:s13], [sflag:$0x2], $0xA00, $0x38;
	[tilespmem:$0x1E320] =	vst v63  }
0x24: {  	_ =	swait.ge @!p1 [sflag:s14], $0xA00  }
0x25: {  	s30 =	sadd.s32 $0x0, s1;
	[sflag:s14] =	ssyncset.done @!p1 $0x0  }
0x26: {  	p0 =	sgt.u32 s30, $0x4E1;
	[sflag:s14] =	ssyncadd.s32 @!p1 $0xFFFFF600  }
0x27: {  	s12 =	simm.s32 @!p0 $0x0;
	s13 =	simm.s32 @!p0 $0x2;
	[bflag:$0x0] =	sbarrier.arrive $0xFFFF  }
0x28: {  	[tilespmem:s12], [sflag:$0x2] =	stream.linear.gather @!p0 [hbm4b:s9+s12], $0x280, $0x38;
	[tilespmem:$0x1E320] =	vst v63  }
0x29: {  	_ =	swait.ge @!p0 [sflag:s13], $0x280  }
0x2a: {  	[sflag:s13] =	ssyncset.done @!p0 $0x0;
	p0 =	por p0, p0  }
0x2b: {  	[sflag:s13] =	ssyncadd.s32 @!p0 $0xFFFFFD80;
	s14 =	simm.s32 @!p0 $0x280  }
0x2c: {  	[tilespmem:s14], [sflag:$0x2] =	stream.linear.gather @!p0 [hbm4b:s10+s12], $0x5000, $0x38;
	[tilespmem:$0x1E320] =	vst v63  }
0x2d: {  	_ =	swait.ge @!p0 [sflag:s13], $0x5000  }
0x2e: {  	[sflag:s13] =	ssyncset.done @!p0 $0x0  }
0x2f: {  	[sflag:s13] =	ssyncadd.s32 @!p0 $0xFFFFB000;
	s13 =	simm.s32 @!p0 $0x80  }
0x30: {  	[spmem:s2] =	stream.indirect.scatter.add.f32 @!p0 [tilespmem:s14], [sflag:$0x1], $0x20, s12, s13, $0xb8;
	[tilespmem:$0x1E320] =	vst v63  }
0x31: {  	s12 =	simm.s32 @!p0 $0x1280  }
0x32: {  	[spmem:s2] =	stream.indirect.scatter.add.f32 @!p0 [tilespmem:s12], [sflag:$0x1], $0x20, s13, s13, $0xb8;
	[tilespmem:$0x1E320] =	vst v63  }
0x33: {  	s14 =	simm.s32 @!p0 $0x2280;
	s12 =	simm.s32 @!p0 $0x100  }
0x34: {  	[spmem:s2] =	stream.indirect.scatter.add.f32 @!p0 [tilespmem:s14], [sflag:$0x1], $0x20, s12, s13, $0xb8;
	[tilespmem:$0x1E320] =	vst v63  }
0x35: {  	s12 =	simm.s32 @!p0 $0x180;
	s14 =	simm.s32 @!p0 $0x3280  }
0x36: {  	[spmem:s2] =	stream.indirect.scatter.add.f32 @!p0 [tilespmem:s14], [sflag:$0x1], $0x20, s12, s13, $0xb8;
	[tilespmem:$0x1E320] =	vst v63  }
0x37: {  	s16 =	simm.s32 @!p0 $0x1;
	s12 =	simm.s32 @!p0 $0x200;
	s14 =	simm.s32 @!p0 $0x4280  }
0x38: {  	[spmem:s2] =	stream.indirect.scatter.add.f32 @!p0 [tilespmem:s14], [sflag:$0x1], $0x20, s12, s13, $0xb8;
	[tilespmem:$0x1E320] =	vst v63  }
0x39: {  	_ =	swait.ge @!p0 [sflag:s16], $0x1000  }
0x3a: {  	[sflag:s16] =	ssyncset.done @!p0 $0x0  }
0x3b: {  	[sflag:s16] =	ssyncadd.s32 @!p0 $0xFFFFF000  }
0x3c: {  	_ =	swait.ge @!p0 [sflag:s16], $0x1000  }
0x3d: {  	[sflag:s16] =	ssyncset.done @!p0 $0x0  }
0x3e: {  	[sflag:s16] =	ssyncadd.s32 @!p0 $0xFFFFF000  }
0x3f: {  	_ =	swait.ge @!p0 [sflag:s16], $0x1000  }
0x40: {  	[sflag:s16] =	ssyncset.done @!p0 $0x0  }
0x41: {  	[sflag:s16] =	ssyncadd.s32 @!p0 $0xFFFFF000  }
0x42: {  	_ =	swait.ge @!p0 [sflag:s16], $0x1000  }
0x43: {  	[sflag:s16] =	ssyncset.done @!p0 $0x0  }
0x44: {  	s31 =	sadd.s32 $0x10, s1;
	[sflag:s16] =	ssyncadd.s32 @!p0 $0xFFFFF000  }
0x45: {  	p2 =	sgt.u32 s31, $0x4E1;
	s13 =	simm.s32 $0x20;
	_ =	swait.ge @!p0 [sflag:s16], $0x1000  }
0x46: {  	s12 =	sadd.s32 $0xA000, s10;
	s14 =	sadd.s32 $0x500, s9;
	[sflag:s16] =	ssyncset.done @!p0 $0x0  }
.LBB2_6:
0x47: {  	s17 =	simm.s32 @!p2 $0x0;
	s18 =	simm.s32 @!p2 $0x2;
	[sflag:s16] =	ssyncadd.s32 @!p0 $0xFFFFF000  }
0x48: {  	[tilespmem:s17], [sflag:$0x2] =	stream.linear.gather @!p2 [hbm4b:s14+s17], $0x280, $0x38;
	[tilespmem:$0x1E320] =	vst v63  }
0x49: {  	s15 =	smov.u32 s13;
	s13 =	sadd.s32 $0x10, s13;
	_ =	swait.ge @!p2 [sflag:s18], $0x280  }
0x4a: {  	p0 =	por p2, p2;
	p1 =	sne.s32 s13, $0x4F0;
	[sflag:s18] =	ssyncset.done @!p2 $0x0  }
0x4b: {  	s16 =	simm.s32 @!p0 $0x280;
	[sflag:s18] =	ssyncadd.s32 @!p0 $0xFFFFFD80  }
0x4c: {  	[tilespmem:s16], [sflag:$0x2] =	stream.linear.gather @!p0 [hbm4b:s12+s17], $0x5000, $0x38;
	[tilespmem:$0x1E320] =	vst v63  }
0x4d: {  	_ =	swait.ge @!p0 [sflag:s18], $0x5000  }
0x4e: {  	[sflag:s18] =	ssyncset.done @!p0 $0x0  }
0x4f: {  	[sflag:s18] =	ssyncadd.s32 @!p0 $0xFFFFB000;
	s18 =	simm.s32 @!p0 $0x80  }
0x50: {  	[spmem:s2] =	stream.indirect.scatter.add.f32 @!p0 [tilespmem:s16], [sflag:$0x1], $0x20, s17, s18, $0xb8;
	[tilespmem:$0x1E320] =	vst v63  }
0x51: {  	s16 =	simm.s32 @!p0 $0x1280  }
0x52: {  	[spmem:s2] =	stream.indirect.scatter.add.f32 @!p0 [tilespmem:s16], [sflag:$0x1], $0x20, s18, s18, $0xb8;
	[tilespmem:$0x1E320] =	vst v63  }
0x53: {  	s17 =	simm.s32 @!p0 $0x2280;
	s16 =	simm.s32 @!p0 $0x100  }
0x54: {  	[spmem:s2] =	stream.indirect.scatter.add.f32 @!p0 [tilespmem:s17], [sflag:$0x1], $0x20, s16, s18, $0xb8;
	[tilespmem:$0x1E320] =	vst v63  }
0x55: {  	s16 =	simm.s32 @!p0 $0x180;
	s17 =	simm.s32 @!p0 $0x3280  }
0x56: {  	[spmem:s2] =	stream.indirect.scatter.add.f32 @!p0 [tilespmem:s17], [sflag:$0x1], $0x20, s16, s18, $0xb8;
	[tilespmem:$0x1E320] =	vst v63  }
0x57: {  	s19 =	simm.s32 @!p0 $0x4280;
	s17 =	simm.s32 @!p0 $0x200;
	s16 =	simm.s32 @!p0 $0x1  }
0x58: {  	[spmem:s2] =	stream.indirect.scatter.add.f32 @!p0 [tilespmem:s19], [sflag:$0x1], $0x20, s17, s18, $0xb8;
	[tilespmem:$0x1E320] =	vst v63  }
0x59: {  	_ =	swait.ge @!p0 [sflag:s16], $0x1000  }
0x5a: {  	[sflag:s16] =	ssyncset.done @!p0 $0x0  }
0x5b: {  	[sflag:s16] =	ssyncadd.s32 @!p0 $0xFFFFF000  }
0x5c: {  	_ =	swait.ge @!p0 [sflag:s16], $0x1000  }
0x5d: {  	[sflag:s16] =	ssyncset.done @!p0 $0x0  }
0x5e: {  	[sflag:s16] =	ssyncadd.s32 @!p0 $0xFFFFF000  }
0x5f: {  	_ =	swait.ge @!p0 [sflag:s16], $0x1000  }
0x60: {  	[sflag:s16] =	ssyncset.done @!p0 $0x0  }
0x61: {  	[sflag:s16] =	ssyncadd.s32 @!p0 $0xFFFFF000  }
.Ltmp2:
0x62: {  	_ =	swait.ge @!p0 [sflag:s16], $0x1000;
	(pc) =	sbr.rel @p1 .LBB2_6-.Ltmp2, $4  }
0x63: {  	[sflag:s16] =	ssyncset.done @!p0 $0x0  }
0x64: {  	[sflag:s16] =	ssyncadd.s32 @!p0 $0xFFFFF000  }
0x65: {  	s15 =	sadd.s32 s15, s1;
	s12 =	sadd.s32 $0xA000, s12;
	_ =	swait.ge @!p0 [sflag:s16], $0x1000  }
0x66: {  	s14 =	sadd.s32 $0x500, s14;
	p2 =	sgt.u32 s15, $0x4E1;
	[sflag:s16] =	ssyncset.done @!p0 $0x0  }
0x67: {  	s13 =	simm.s32 @!p2 $0x0;
	s15 =	simm.s32 @!p2 $0x2;
	[sflag:s16] =	ssyncadd.s32 @!p0 $0xFFFFF000  }
0x68: {  	[tilespmem:s13], [sflag:$0x2] =	stream.linear.gather @!p2 [hbm4b:s14+s13], $0x280, $0x38;
	[tilespmem:$0x1E320] =	vst v63  }
0x69: {  	_ =	swait.ge @!p2 [sflag:s15], $0x280  }
0x6a: {  	p1 =	por p2, p2;
	[sflag:s15] =	ssyncset.done @!p2 $0x0  }
0x6b: {  	s14 =	simm.s32 @!p1 $0x280;
	[sflag:s15] =	ssyncadd.s32 @!p1 $0xFFFFFD80  }
0x6c: {  	[tilespmem:s14], [sflag:$0x2] =	stream.linear.gather @!p1 [hbm4b:s12+s13], $0x5000, $0x38;
	[tilespmem:$0x1E320] =	vst v63  }
0x6d: {  	_ =	swait.ge @!p1 [sflag:s15], $0x5000  }
0x6e: {  	[sflag:s15] =	ssyncset.done @!p1 $0x0  }
0x6f: {  	s12 =	simm.s32 @!p1 $0x80;
	[sflag:s15] =	ssyncadd.s32 @!p1 $0xFFFFB000  }
0x70: {  	[spmem:s2] =	stream.indirect.scatter.add.f32 @!p1 [tilespmem:s14], [sflag:$0x1], $0x20, s13, s12, $0xb8;
	[tilespmem:$0x1E320] =	vst v63  }
0x71: {  	s13 =	simm.s32 @!p1 $0x1280  }
0x72: {  	[spmem:s2] =	stream.indirect.scatter.add.f32 @!p1 [tilespmem:s13], [sflag:$0x1], $0x20, s12, s12, $0xb8;
	[tilespmem:$0x1E320] =	vst v63  }
0x73: {  	s14 =	simm.s32 @!p1 $0x2280;
	s13 =	simm.s32 @!p1 $0x100  }
0x74: {  	[spmem:s2] =	stream.indirect.scatter.add.f32 @!p1 [tilespmem:s14], [sflag:$0x1], $0x20, s13, s12, $0xb8;
	[tilespmem:$0x1E320] =	vst v63  }
0x75: {  	s13 =	simm.s32 @!p1 $0x180;
	s14 =	simm.s32 @!p1 $0x3280  }
0x76: {  	[spmem:s2] =	stream.indirect.scatter.add.f32 @!p1 [tilespmem:s14], [sflag:$0x1], $0x20, s13, s12, $0xb8;
	[tilespmem:$0x1E320] =	vst v63  }
0x77: {  	s15 =	simm.s32 @!p1 $0x1;
	s13 =	simm.s32 @!p1 $0x200;
	s14 =	simm.s32 @!p1 $0x4280  }
0x78: {  	[spmem:s2] =	stream.indirect.scatter.add.f32 @!p1 [tilespmem:s14], [sflag:$0x1], $0x20, s13, s12, $0xb8;
	[tilespmem:$0x1E320] =	vst v63  }
0x79: {  	_ =	swait.ge @!p1 [sflag:s15], $0x1000  }
0x7a: {  	[sflag:s15] =	ssyncset.done @!p1 $0x0  }
0x7b: {  	[sflag:s15] =	ssyncadd.s32 @!p1 $0xFFFFF000  }
0x7c: {  	_ =	swait.ge @!p1 [sflag:s15], $0x1000  }
0x7d: {  	[sflag:s15] =	ssyncset.done @!p1 $0x0  }
0x7e: {  	[sflag:s15] =	ssyncadd.s32 @!p1 $0xFFFFF000  }
0x7f: {  	_ =	swait.ge @!p1 [sflag:s15], $0x1000  }
0x80: {  	[sflag:s15] =	ssyncset.done @!p1 $0x0  }
0x81: {  	[sflag:s15] =	ssyncadd.s32 @!p1 $0xFFFFF000  }
0x82: {  	_ =	swait.ge @!p1 [sflag:s15], $0x1000  }
0x83: {  	[sflag:s15] =	ssyncset.done @!p1 $0x0  }
0x84: {  	s30 =	sadd.s32 $0x0, s1;
	[sflag:s15] =	ssyncadd.s32 @!p1 $0xFFFFF000  }
0x85: {  	s31 =	sadd.s32 $0x10, s1;
	p0 =	sgt.u32 s30, $0x270;
	_ =	swait.ge @!p1 [sflag:s15], $0x1000  }
0x86: {  	p2 =	sne.s32 @!p0 s4, $0x0;
	p0 =	por p0, p0;
	[sflag:s15] =	ssyncset.done @!p1 $0x0  }
0x87: {  	s12 =	simm.s32 @!p0 $0x2;
	[sflag:s15] =	ssyncadd.s32 @!p1 $0xFFFFF000;
	p1 =	por !p2, p0  }
0x88: {  	s13 =	smov.u32 s6;
	s14 =	sshll.u32 @!p0 s1, $0x6;
	s12 =	simm.s32 @p1 $0x3  }
0x89: {  	s16 =	sshrl.u32 @!p0 s8, $0x3;
	s13 =	smov.u32 @p1 s5;
	s14 =	sadd.s32 @!p0 s12, s14  }
0x8a: {  	[bflag:$0x0] =	sbarrier.arrive $0xFFFF;
	s13 =	sadd.s32 @!p0 s11, s13;
	s14 =	sadd.s32 @!p0 $0x1C00, s14  }
0x8b: {  	[hbm:s13], [sflag:s14] =	dma.local @!p0 [spmem:s16], $0x140  }
0x8c: {  	s15 =	simm.s32 $0x20;
	p2 =	sgt.u32 s31, $0x270;
	_ =	swait.ge @!p0 [sflag:s12], $0x140  }
0x8d: {  	s13 =	sadd.s32 $0x1400, s11;
	s14 =	sadd.s32 $0xA000, s8;
	[sflag:s12] =	ssyncset.done @!p0 $0x0  }
.LBB2_8:
0x8e: {  	p3 =	sne.s32 @!p2 s4, $0x0;
	[sflag:s12] =	ssyncadd.s32 @!p0 $0xFFFFFEC0;
	s16 =	smov.u32 s15  }
0x8f: {  	s15 =	sadd.s32 $0x10, s15;
	p0 =	por p2, p2;
	s17 =	smov.u32 s6  }
0x90: {  	p1 =	sne.s32 s15, $0x280;
	s12 =	simm.s32 @!p0 $0x2;
	p2 =	por !p3, p0  }
0x91: {  	s18 =	sshll.u32 @!p0 s1, $0x6;
	s17 =	smov.u32 @p2 s5;
	s12 =	simm.s32 @p2 $0x3  }
.Ltmp3:
0x92: {  	s17 =	sadd.s32 @!p0 s13, s17;
	s18 =	sadd.s32 @!p0 s12, s18;
	(pc) =	sbr.rel @p1 .LBB2_8-.Ltmp3, $4  }
0x93: {  	s19 =	sshrl.u32 @!p0 s14, $0x3;
	s18 =	sadd.s32 @!p0 $0x1C00, s18  }
0x94: {  	[hbm:s17], [sflag:s18] =	dma.local @!p0 [spmem:s19], $0x140  }
0x95: {  	s16 =	sadd.s32 s16, s1;
	s13 =	sadd.s32 $0x1400, s13;
	_ =	swait.ge @!p0 [sflag:s12], $0x140  }
0x96: {  	s14 =	sadd.s32 $0xA000, s14;
	p2 =	sgt.u32 s16, $0x270;
	[sflag:s12] =	ssyncset.done @!p0 $0x0  }
0x97: {  	p3 =	sne.s32 @!p2 s4, $0x0  }
0x98: {  	p1 =	por p2, p2;
	s16 =	smov.u32 s6;
	[sflag:s12] =	ssyncadd.s32 @!p0 $0xFFFFFEC0  }
0x99: {  	s3 =	sadd.s32 $0x1, s3;
	s15 =	simm.s32 @!p1 $0x2;
	p2 =	por !p3, p1  }
0x9a: {  	s17 =	sshll.u32 @!p1 s1, $0x6;
	s14 =	sshrl.u32 @!p1 s14, $0x3;
	s15 =	simm.s32 @p2 $0x3  }
0x9b: {  	p0 =	sne.s32 s3, s7;
	s16 =	smov.u32 @p2 s5;
	s12 =	sadd.s32 @!p1 s15, s17  }
.Ltmp4:
0x9c: {  	s13 =	sadd.s32 @!p1 s13, s16;
	s12 =	sadd.s32 @!p1 $0x1C00, s12;
	(pc) =	sbr.rel @p0 .LBB2_1-.Ltmp4, $4  }
0x9d: {  	[hbm:s13], [sflag:s12] =	dma.local @!p1 [spmem:s14], $0x140  }
0x9e: {  	_ =	swait.ge @!p1 [sflag:s15], $0x140  }
0x9f: {  	[sflag:s15] =	ssyncset.done @!p1 $0x0  }
0xa0: {  	[sflag:s15] =	ssyncadd.s32 @!p1 $0xFFFFFEC0  }
0xa1: {  	_ =	sfence.sel $0x180000  }
0xa2: {  	[bflag:$0x0] =	sbarrier.arrive $0xFFFF  }
0xa3: {  	p0 =	sne.s32 s1, $0x0;
	_ =	strace $0x90000050  }
0xa4: {  	s0 =	sadd.s32 @!p0 $0x100000, s0;
	[bflag:$0x2] =	sbarrier.arrive $0xFFFF  }
0xa5: {  	[sflag:s0] =	ssyncadd.tile.s32 @!p0 $0x1;
	_ =	shalt  }
.Lfunc_end2:
_tile_overlayer_lowered:
.L_overlay_start_2:
0xa6: {  	(tag) =	ssettag $0x2  }
0xa7: {  	s0 =	rddreg [dreg:$0x0];
	s2 =	stileid.u32  }
0xa8: {  	s1 =	rddreg [dreg:$0x1];
	p0 =	sne.s32 s2, $0x0  }
0xa9: {  	s3 =	rddreg [dreg:$0x2];
	[bflag:$0x3] =	sbarrier.arrive $0xFFFF;
	s2 =	simm.s32 @!p0 $0x1C02  }
0xaa: {  	[timem:s3], [sflag:s2] =	dma.local @!p0 [hbm:s0], s1  }
0xab: {  	s0 =	simm.s32 @!p0 $0x2  }
0xac: {  	_ =	swait.ge @!p0 [sflag:s0], s1  }
0xad: {  	s1 =	ssub.s32 @!p0 $0x0, s1;
	[sflag:s0] =	ssyncset.done @!p0 $0x0  }
0xae: {  	[sflag:s0] =	ssyncadd.s32 @!p0 s1  }
0xaf: {  	[bflag:$0x3] =	sbarrier.arrive $0xFFFF  }
0xb0: {  	_ =	shalt  }

</sc_bundles>
